<compile_context>
chip_gen: v7x
topology: tpu7x:2x2x1
jax: 0.10.2.dev20260603
libtpu: 0.0.44.dev20260713+nightly
codegen_flags: <defaults>
</compile_context>

<pallas_src>
import jax
import jax.numpy as jnp
from jax import lax
from jax.experimental import pallas as pl
from jax.experimental.pallas import tpu as pltpu
from jax.experimental.pallas import tpu_sc as plsc

BATCH = 16
MAX_LEN = 2048
D = 512
L = 16
NC, NS = 2, 16
NW = NC * NS
T_PER_W = MAX_LEN // NW
CHUNK_T = 4
CHUNK_ROWS = CHUNK_T * BATCH
NCHUNK = T_PER_W // CHUNK_T
PIECES = (16, 8, 4, 2, 1)


def _body(data_hbm, bs_hbm, zblk_hbm, out_hbm, bs_v, buf0, buf1,
          gsem0, gsem1, ssem0, ssem1):
    wid = lax.axis_index("s") * NC + lax.axis_index("c")

    pltpu.sync_copy(bs_hbm, bs_v.at[pl.ds(0, MAX_LEN)])

    zf0 = pltpu.async_copy(zblk_hbm, buf0, ssem0)
    zf1 = pltpu.async_copy(zblk_hbm, buf1, ssem1)

    iota = lax.iota(jnp.int32, L)

    t_hi = 4 * (wid + NW * (NCHUNK - 1)) + CHUNK_T
    nfull = t_hi // L
    rem = t_hi % L

    def acc_body(j, a):
        return a + bs_v[pl.ds(j * L, L)]

    acc = lax.fori_loop(0, nfull, acc_body, jnp.zeros((L,), jnp.int32))
    tail = bs_v[pl.ds(nfull * L, L)]
    acc = acc + jnp.where(iota < rem, tail, 0)
    off_end = jnp.sum(acc)
    zf0.wait()
    zf1.wait()

    bufs = (buf0, buf1)
    gsems = (gsem0, gsem1)

    def gather_t(b, src0, buf, slot):
        for p in PIECES:
            pos = b & (~(2 * p - 1) & 31)

            @pl.when((b & p) != 0)
            def _(p=p, pos=pos):
                pltpu.async_copy(
                    data_hbm.at[pl.ds((src0 + pos) * D, p * D)],
                    buf.at[pl.ds((slot + pos) * D, p * D)],
                    gsems[_par[0]])

    def drain_t(b, buf, slot):
        for p in PIECES:
            pos = b & (~(2 * p - 1) & 31)

            @pl.when((b & p) != 0)
            def _(p=p, pos=pos):
                pltpu.make_async_copy(
                    data_hbm.at[pl.ds(0, p * D)],
                    buf.at[pl.ds((slot + pos) * D, p * D)],
                    gsems[_par[0]]).wait()

    ssems = (ssem0, ssem1)
    _par = [0]

    def drain_scatter(par):
        pltpu.make_async_copy(
            bufs[par], out_hbm.at[pl.ds(0, CHUNK_ROWS * D)],
            ssems[par]).wait()

    def chunk_offsets(g, off_after):
        bvec = bs_v[pl.ds(CHUNK_T * g, L)]
        bs_k = [bvec[k] for k in range(CHUNK_T)]
        offs = [None] * CHUNK_T
        off = off_after
        for k in range(CHUNK_T - 1, -1, -1):
            off = off - bs_k[k]
            offs[k] = off
        return bs_k, offs, off

    def gap_sum(g):
        lo = jnp.maximum(CHUNK_T * g - (CHUNK_T * NW - CHUNK_T), 0)

        def gap_body(j, a):
            return a + bs_v[pl.ds(lo + j * L, L)]

        nv = (CHUNK_T * NW) // L
        return jnp.sum(lax.fori_loop(0, nv, gap_body,
                                     jnp.zeros((L,), jnp.int32)))

    def issue_chunk(par, bs_k, offs, first):
        _par[0] = par

        @pl.when(jnp.logical_not(first))
        def _():
            drain_scatter(par)

        for k in range(CHUNK_T):
            gather_t(bs_k[k], offs[k], bufs[par], k * BATCH)

    def flush_chunk(g, par, bs_k):
        _par[0] = par
        for k in range(CHUNK_T):
            drain_t(bs_k[k], bufs[par], k * BATCH)
        pltpu.async_copy(
            bufs[par],
            out_hbm.at[pl.ds(g * (CHUNK_ROWS * D), CHUNK_ROWS * D)],
            ssems[par])

    def outer(i, e1):
        j1 = (NCHUNK - 1) - 2 * i
        g1 = wid + NW * j1
        g0 = g1 - NW
        first = i == 0
        bs1, offs1, _ = chunk_offsets(g1, e1)
        issue_chunk(1, bs1, offs1, first)
        e0 = e1 - gap_sum(g1)
        bs0, offs0, _ = chunk_offsets(g0, e0)
        issue_chunk(0, bs0, offs0, first)
        flush_chunk(g1, 1, bs1)
        flush_chunk(g0, 0, bs0)
        return e0 - gap_sum(g0)

    lax.fori_loop(0, NCHUNK // 2, outer, off_end)
    drain_scatter(0)
    drain_scatter(1)


def kernel(data, batch_sizes):
    bs32 = batch_sizes.astype(jnp.int32)
    zblk = jnp.zeros((CHUNK_ROWS * D,), jnp.float32)

    mesh = plsc.VectorSubcoreMesh(
        core_axis_name="c", subcore_axis_name="s", num_cores=NC,
        num_subcores=NS)
    out_flat = pl.kernel(
        _body,
        out_type=jax.ShapeDtypeStruct((MAX_LEN * BATCH * D,), jnp.float32),
        mesh=mesh,
        compiler_params=pltpu.CompilerParams(needs_layout_passes=False),
        scratch_types=[
            pltpu.VMEM((MAX_LEN + L,), jnp.int32),
            pltpu.VMEM((CHUNK_ROWS * D,), jnp.float32),
            pltpu.VMEM((CHUNK_ROWS * D,), jnp.float32),
            pltpu.SemaphoreType.DMA,
            pltpu.SemaphoreType.DMA,
            pltpu.SemaphoreType.DMA,
            pltpu.SemaphoreType.DMA,
        ],
    )(data.reshape(-1), bs32, zblk)
    return out_flat.reshape(MAX_LEN, BATCH, D)

# --- scband reference (transcript-rebuilt; emitter-appended) ---
"""Pipeline reference for scband-pad-packed-layer-64433099375173 (READ-ONLY COPY).

The authoritative reference and input builder live on the scoring server;
editing this copy changes nothing except your own understanding.
"""

import jax, jax.numpy as jnp
import numpy as np

BATCH = 16
MAX_LEN = 2048
D = 512


def _lengths():
    # Deterministic descending lengths, exact integers: 2048, 1920, ..., 128
    return np.round(np.linspace(MAX_LEN, 128, BATCH)).astype(np.int64)


def _batch_sizes():
    lengths = _lengths()
    t = np.arange(MAX_LEN)
    bs = (lengths[None, :] > t[:, None]).sum(axis=1)
    return bs.astype(np.int64)


def setup_inputs(seed: int = 0) -> dict:
    key = jax.random.key(seed)
    bs = _batch_sizes()
    total = int(bs.sum())  # 17408
    data = jax.random.normal(key, (total, D), dtype=jnp.float32)
    return {"data": data, "batch_sizes": jnp.asarray(bs)}


def reference(data, batch_sizes):
    # Equivalent of torch.nn.utils.rnn.pad_packed_sequence(PackedSequence(data, batch_sizes), batch_first=False)[0]
    # Packed layout is time-major: for t in range(MAX_LEN): data[offsets[t]:offsets[t]+batch_sizes[t]] are timestep t.
    offsets = jnp.concatenate([jnp.zeros((1,), batch_sizes.dtype), jnp.cumsum(batch_sizes)])
    tok = jnp.arange(data.shape[0])
    t_idx = jnp.searchsorted(offsets, tok, side="right") - 1
    b_idx = tok - offsets[t_idx]
    out = jnp.zeros((MAX_LEN, BATCH, data.shape[1]), dtype=data.dtype)
    out = out.at[t_idx, b_idx].set(data)
    return out

if __name__ == "__main__":
    import jax
    _d = setup_inputs()
    print(jax.jit(kernel)(*tuple(_d.values())))

</pallas_src>

<mosaic_0001>
#map = affine_map<(d0, d1) -> (0)>
module attributes {stable_mosaic.version = 14 : i64} {
  func.func @_body(%arg0: i32, %arg1: i32, %arg2: memref<8912896xf32, #tpu.memory_space<hbm>>, %arg3: memref<2048xi32, #tpu.memory_space<hbm>>, %arg4: memref<32768xf32, #tpu.memory_space<hbm>>, %arg5: memref<16777216xf32, #tpu.memory_space<hbm>>, %arg6: memref<2064xi32, #tpu.memory_space<vmem>>, %arg7: memref<32768xf32, #tpu.memory_space<vmem>>, %arg8: memref<32768xf32, #tpu.memory_space<vmem>>, %arg9: memref<!tpu.dma_semaphore, #tpu.memory_space<semaphore_mem>>, %arg10: memref<!tpu.dma_semaphore, #tpu.memory_space<semaphore_mem>>, %arg11: memref<!tpu.dma_semaphore, #tpu.memory_space<semaphore_mem>>, %arg12: memref<!tpu.dma_semaphore, #tpu.memory_space<semaphore_mem>>) attributes {dimension_semantics = [#tpu.dimension_semantics<core_parallel>, #tpu.dimension_semantics<subcore_parallel>], iteration_bounds = array<i64: 2, 16>, scalar_prefetch = 0 : i64, scratch_operands = 7 : i64, tpu.core_type = #tpu.core_type<sc_vector_subcore>, window_params = [{transform_indices = #map}, {transform_indices = #map}, {transform_indices = #map}, {transform_indices = #map}]} {
    %mul3A = arith.constant 2 : i32
    %mul3A_0 = arith.muli %arg1, %mul3A : i32
    %add3A = arith.addi %mul3A_0, %arg0 : i32
    "tpu.region"() ({
      %run_scoped3A = tpu.sem_alloc : memref<!tpu.dma_semaphore, #tpu.memory_space<semaphore_mem>>
      %dma_start3A = arith.constant 0 : i32
      %dma_start3A_72 = tpu.memref_slice %arg6[%dma_start3A] : memref<2064xi32, #tpu.memory_space<vmem>> -> memref<2048xi32, #tpu.memory_space<vmem>>
      %dma_start3A_73 = arith.constant 0 : i32
      %dma_start3A_74 = tpu.memref_slice %arg6[%dma_start3A_73] : memref<2064xi32, #tpu.memory_space<vmem>> -> memref<2048xi32, #tpu.memory_space<vmem>>
      tpu.enqueue_dma source(%arg3 : memref<2048xi32, #tpu.memory_space<hbm>>) target(%dma_start3A_74 : memref<2048xi32, #tpu.memory_space<vmem>>) target_semaphore(%run_scoped3A : memref<!tpu.dma_semaphore, #tpu.memory_space<semaphore_mem>>)
      %dma_wait3A_75 = arith.constant 0 : i32
      %dma_wait3A_76 = tpu.memref_slice %arg6[%dma_wait3A_75] : memref<2064xi32, #tpu.memory_space<vmem>> -> memref<2048xi32, #tpu.memory_space<vmem>>
      %dma_wait3A_77 = arith.constant 0 : i32
      %dma_wait3A_78 = tpu.memref_slice %arg6[%dma_wait3A_77] : memref<2064xi32, #tpu.memory_space<vmem>> -> memref<2048xi32, #tpu.memory_space<vmem>>
      tpu.wait_dma2 semaphore(%run_scoped3A : memref<!tpu.dma_semaphore, #tpu.memory_space<semaphore_mem>>) src(%arg3 : memref<2048xi32, #tpu.memory_space<hbm>>) dst(%dma_wait3A_78 : memref<2048xi32, #tpu.memory_space<vmem>>)
      tpu.yield
    }) : () -> ()
    tpu.enqueue_dma source(%arg4 : memref<32768xf32, #tpu.memory_space<hbm>>) target(%arg7 : memref<32768xf32, #tpu.memory_space<vmem>>) target_semaphore(%arg11 : memref<!tpu.dma_semaphore, #tpu.memory_space<semaphore_mem>>)
    tpu.enqueue_dma source(%arg4 : memref<32768xf32, #tpu.memory_space<hbm>>) target(%arg8 : memref<32768xf32, #tpu.memory_space<vmem>>) target_semaphore(%arg12 : memref<!tpu.dma_semaphore, #tpu.memory_space<semaphore_mem>>)
    %iota3A = tpu.iota {dimensions = array<i32: 0>} : vector<16xi32>
    %add3A_1 = arith.constant 480 : i32
    %add3A_2 = arith.addi %add3A, %add3A_1 : i32
    %mul3A_3 = arith.constant 4 : i32
    %mul3A_4 = arith.muli %mul3A_3, %add3A_2 : i32
    %add3A_5 = arith.constant 4 : i32
    %add3A_6 = arith.addi %mul3A_4, %add3A_5 : i32
    %jit3A = arith.constant 16 : i32
    %div3A = arith.divsi %add3A_6, %jit3A : i32
    %sign3A = arith.constant 0 : i32
    %sign3A_7 = arith.cmpi sgt, %add3A_6, %sign3A : i32
    %sign3A_8 = arith.extui %sign3A_7 : i1 to i32
    %sign3A_9 = arith.constant 0 : i32
    %sign3A_10 = arith.cmpi slt, %add3A_6, %sign3A_9 : i32
    %sign3A_11 = arith.extui %sign3A_10 : i1 to i32
    %sign3A_12 = arith.subi %sign3A_8, %sign3A_11 : i32
    %sign3A_13 = arith.constant 0 : i32
    %sign3A_14 = arith.cmpi sgt, %jit3A, %sign3A_13 : i32
    %sign3A_15 = arith.extui %sign3A_14 : i1 to i32
    %sign3A_16 = arith.constant 0 : i32
    %sign3A_17 = arith.cmpi slt, %jit3A, %sign3A_16 : i32
    %sign3A_18 = arith.extui %sign3A_17 : i1 to i32
    %sign3A_19 = arith.subi %sign3A_15, %sign3A_18 : i32
    %ne3A = arith.cmpi ne, %sign3A_12, %sign3A_19 : i32
    %rem3A = arith.remsi %add3A_6, %jit3A : i32
    %ne3A_20 = arith.constant 0 : i32
    %ne3A_21 = arith.cmpi ne, %rem3A, %ne3A_20 : i32
    %and3A = arith.andi %ne3A, %ne3A_21 : i1
    %sub3A = arith.constant 1 : i32
    %sub3A_22 = arith.subi %div3A, %sub3A : i32
    %select_n3A = arith.select %and3A, %sub3A_22, %div3A : i32
    %jit3A_23 = arith.constant 16 : i32
    %eq3A = arith.constant 0 : i32
    %eq3A_24 = arith.cmpi eq, %jit3A_23, %eq3A : i32
    %jit3A_25 = arith.constant 1 : i32
    %select_n3A_26 = arith.select %eq3A_24, %jit3A_25, %jit3A_23 : i32
    %rem3A_27 = arith.remsi %add3A_6, %select_n3A_26 : i32
    %ne3A_28 = arith.constant 0 : i32
    %ne3A_29 = arith.cmpi ne, %rem3A_27, %ne3A_28 : i32
    %lt3A = arith.constant 0 : i32
    %lt3A_30 = arith.cmpi slt, %rem3A_27, %lt3A : i32
    %lt3A_31 = arith.constant 0 : i32
    %lt3A_32 = arith.cmpi slt, %select_n3A_26, %lt3A_31 : i32
    %ne3A_33 = arith.xori %lt3A_30, %lt3A_32 : i1
    %and3A_34 = arith.andi %ne3A_33, %ne3A_29 : i1
    %add3A_35 = arith.addi %rem3A_27, %select_n3A_26 : i32
    %select_n3A_36 = arith.select %and3A_34, %add3A_35, %rem3A_27 : i32
    %broadcast_in_dim3A = arith.constant 0 : i32
    %broadcast_in_dim3A_37 = vector.broadcast %broadcast_in_dim3A : i32 to vector<16xi32>
    %while3A = arith.constant 0 : i32
    %while3A_38 = arith.subi %select_n3A, %while3A : i32
    %while3A_39 = arith.addi %while3A, %while3A_38 : i32
    %while3A_40 = arith.constant 1 : i32
    %while3A_41 = arith.divsi %while3A_38, %while3A_40 : i32
    %while3A_42 = arith.muli %while3A_41, %while3A_40 : i32
    %while3A_43 = arith.addi %while3A, %while3A_42 : i32
    %while3A_44 = arith.constant 1 : i32
    %while3A_45 = scf.for %while3A_72 = %while3A to %while3A_43 step %while3A_44 iter_args(%while3A_73 = %broadcast_in_dim3A_37) -> (vector<16xi32>)  : i32 {
      %mul3A_74 = arith.constant 16 : i32
      %mul3A_75 = arith.muli %while3A_72, %mul3A_74 : i32
      %get3A_76 = arith.index_cast %mul3A_75 : i32 to index
      %get3A_77 = tpu.vector_load %arg6[%get3A_76] {strides = array<i32>} : memref<2064xi32, #tpu.memory_space<vmem>>, vector<16xi32>,
      %add3A_78 = arith.addi %while3A_73, %get3A_77 : vector<16xi32>
      scf.yield %add3A_78 : vector<16xi32>
    }
    %while3A_46 = arith.constant 1 : i32
    %while3A_47 = scf.for %while3A_72 = %while3A_43 to %while3A_39 step %while3A_46 iter_args(%while3A_73 = %while3A_45) -> (vector<16xi32>)  : i32 {
      %mul3A_74 = arith.constant 16 : i32
      %mul3A_75 = arith.muli %while3A_72, %mul3A_74 : i32
      %get3A_76 = arith.index_cast %mul3A_75 : i32 to index
      %get3A_77 = tpu.vector_load %arg6[%get3A_76] {strides = array<i32>} : memref<2064xi32, #tpu.memory_space<vmem>>, vector<16xi32>,
      %add3A_78 = arith.addi %while3A_73, %get3A_77 : vector<16xi32>
      scf.yield %add3A_78 : vector<16xi32>
    }
    %mul3A_48 = arith.constant 16 : i32
    %mul3A_49 = arith.muli %select_n3A, %mul3A_48 : i32
    %get3A = arith.index_cast %mul3A_49 : i32 to index
    %get3A_50 = tpu.vector_load %arg6[%get3A] {strides = array<i32>} : memref<2064xi32, #tpu.memory_space<vmem>>, vector<16xi32>,
    %lt3A_51 = vector.broadcast %select_n3A_36 : i32 to vector<16xi32>
    %lt3A_52 = arith.cmpi slt, %iota3A, %lt3A_51 : vector<16xi32>
    %jit3A_53 = arith.constant 0 : i32
    %broadcast_in_dim3A_54 = vector.broadcast %jit3A_53 : i32 to vector<16xi32>
    %select_n3A_55 = arith.select %lt3A_52, %get3A_50, %broadcast_in_dim3A_54 : vector<16xi1>, vector<16xi32>
    %add3A_56 = arith.addi %while3A_47, %select_n3A_55 : vector<16xi32>
    %reduce_sum3A = arith.constant true
    %reduce_sum3A_57 = vector.broadcast %reduce_sum3A : i1 to vector<16xi1>
    %reduce_sum3A_58 = tpu.scan <sum>, %add3A_56 masked %reduce_sum3A_57 : vector<16xi32>, vector<16xi1> -> vector<16xi32>
    %reduce_sum3A_59 = vector.extract %reduce_sum3A_58[15] : i32 from vector<16xi32>
    tpu.wait_dma2 semaphore(%arg11 : memref<!tpu.dma_semaphore, #tpu.memory_space<semaphore_mem>>) src(%arg4 : memref<32768xf32, #tpu.memory_space<hbm>>) dst(%arg7 : memref<32768xf32, #tpu.memory_space<vmem>>)
    tpu.wait_dma2 semaphore(%arg12 : memref<!tpu.dma_semaphore, #tpu.memory_space<semaphore_mem>>) src(%arg4 : memref<32768xf32, #tpu.memory_space<hbm>>) dst(%arg8 : memref<32768xf32, #tpu.memory_space<vmem>>)
    %scan3A = arith.constant 0 : i32
    %scan3A_60 = arith.constant 8 : i32
    %scan3A_61 = arith.addi %scan3A, %scan3A_60 : i32
    %scan3A_62 = arith.constant 1 : i32
    %scan3A_63 = scf.for %scan3A_72 = %scan3A to %scan3A_61 step %scan3A_62 iter_args(%scan3A_73 = %reduce_sum3A_59) -> (i32)  : i32 {
      %mul3A_74 = arith.constant 2 : i32
      %mul3A_75 = arith.muli %mul3A_74, %scan3A_72 : i32
      %sub3A_76 = arith.constant 15 : i32
      %sub3A_77 = arith.subi %sub3A_76, %mul3A_75 : i32
      %mul3A_78 = arith.constant 32 : i32
      %mul3A_79 = arith.muli %mul3A_78, %sub3A_77 : i32
      %add3A_80 = arith.addi %add3A, %mul3A_79 : i32
      %sub3A_81 = arith.constant 32 : i32
      %sub3A_82 = arith.subi %add3A_80, %sub3A_81 : i32
      %eq3A_83 = arith.constant 0 : i32
      %eq3A_84 = arith.cmpi eq, %scan3A_72, %eq3A_83 : i32
      %mul3A_85 = arith.constant 4 : i32
      %mul3A_86 = arith.muli %mul3A_85, %add3A_80 : i32
      %get3A_87 = arith.index_cast %mul3A_86 : i32 to index
      %get3A_88 = tpu.vector_load %arg6[%get3A_87] {strides = array<i32>} : memref<2064xi32, #tpu.memory_space<vmem>>, vector<16xi32>,
      %slice3A = vector.extract_strided_slice %get3A_88 {offsets = [0], sizes = [1], strides = [1]} : vector<16xi32> to vector<1xi32>
      %squeeze3A = vector.extract %slice3A[0] : i32 from vector<1xi32>
      %slice3A_89 = vector.extract_strided_slice %get3A_88 {offsets = [1], sizes = [1], strides = [1]} : vector<16xi32> to vector<1xi32>
      %squeeze3A_90 = vector.extract %slice3A_89[0] : i32 from vector<1xi32>
      %slice3A_91 = vector.extract_strided_slice %get3A_88 {offsets = [2], sizes = [1], strides = [1]} : vector<16xi32> to vector<1xi32>
      %squeeze3A_92 = vector.extract %slice3A_91[0] : i32 from vector<1xi32>
      %slice3A_93 = vector.extract_strided_slice %get3A_88 {offsets = [3], sizes = [1], strides = [1]} : vector<16xi32> to vector<1xi32>
      %squeeze3A_94 = vector.extract %slice3A_93[0] : i32 from vector<1xi32>
      %sub3A_95 = arith.subi %scan3A_73, %squeeze3A_94 : i32
      %sub3A_96 = arith.subi %sub3A_95, %squeeze3A_92 : i32
      %sub3A_97 = arith.subi %sub3A_96, %squeeze3A_90 : i32
      %sub3A_98 = arith.subi %sub3A_97, %squeeze3A : i32
      %not3A = arith.constant true
      %not3A_99 = arith.xori %eq3A_84, %not3A : i1
      %convert_element_type3A = arith.extui %not3A_99 : i1 to i32
      %cond3A = arith.constant 0 : i32
      %cond3A_100 = arith.cmpi ne, %convert_element_type3A, %cond3A : i32
      scf.if %cond3A_100 {
        %dma_wait3A_886 = arith.constant 0 : i32
        %dma_wait3A_887 = tpu.memref_slice %arg5[%dma_wait3A_886] : memref<16777216xf32, #tpu.memory_space<hbm>> -> memref<32768xf32, #tpu.memory_space<hbm>>
        %dma_wait3A_888 = arith.constant 0 : i32
        %dma_wait3A_889 = tpu.memref_slice %arg5[%dma_wait3A_888] : memref<16777216xf32, #tpu.memory_space<hbm>> -> memref<32768xf32, #tpu.memory_space<hbm>>
        tpu.wait_dma2 semaphore(%arg12 : memref<!tpu.dma_semaphore, #tpu.memory_space<semaphore_mem>>) src(%arg8 : memref<32768xf32, #tpu.memory_space<vmem>>) dst(%dma_wait3A_889 : memref<32768xf32, #tpu.memory_space<hbm>>)
      } else {
      }
      %and3A_101 = arith.constant 0 : i32
      %and3A_102 = arith.andi %squeeze3A, %and3A_101 : i32
      %and3A_103 = arith.constant 16 : i32
      %and3A_104 = arith.andi %squeeze3A, %and3A_103 : i32
      %ne3A_105 = arith.constant 0 : i32
      %ne3A_106 = arith.cmpi ne, %and3A_104, %ne3A_105 : i32
      %convert_element_type3A_107 = arith.extui %ne3A_106 : i1 to i32
      %cond3A_108 = arith.constant 0 : i32
      %cond3A_109 = arith.cmpi ne, %convert_element_type3A_107, %cond3A_108 : i32
      scf.if %cond3A_109 {
        %add3A_886 = arith.addi %sub3A_98, %and3A_102 : i32
        %mul3A_887 = arith.constant 512 : i32
        %mul3A_888 = arith.muli %add3A_886, %mul3A_887 : i32
        %add3A_889 = arith.constant 0 : i32
        %add3A_890 = arith.addi %add3A_889, %and3A_102 : i32
        %mul3A_891 = arith.constant 512 : i32
        %mul3A_892 = arith.muli %add3A_890, %mul3A_891 : i32
        %dma_start3A_893 = tpu.memref_slice %arg8[%mul3A_892] : memref<32768xf32, #tpu.memory_space<vmem>> -> memref<8192xf32, #tpu.memory_space<vmem>>
        %dma_start3A_894 = tpu.memref_slice %arg2[%mul3A_888] : memref<8912896xf32, #tpu.memory_space<hbm>> -> memref<8192xf32, #tpu.memory_space<hbm>>
        %dma_start3A_895 = tpu.memref_slice %arg8[%mul3A_892] : memref<32768xf32, #tpu.memory_space<vmem>> -> memref<8192xf32, #tpu.memory_space<vmem>>
        %dma_start3A_896 = tpu.memref_slice %arg2[%mul3A_888] : memref<8912896xf32, #tpu.memory_space<hbm>> -> memref<8192xf32, #tpu.memory_space<hbm>>
        tpu.enqueue_dma source(%dma_start3A_896 : memref<8192xf32, #tpu.memory_space<hbm>>) target(%dma_start3A_895 : memref<8192xf32, #tpu.memory_space<vmem>>) target_semaphore(%arg10 : memref<!tpu.dma_semaphore, #tpu.memory_space<semaphore_mem>>)
      } else {
      }
      %and3A_110 = arith.constant 16 : i32
      %and3A_111 = arith.andi %squeeze3A, %and3A_110 : i32
      %and3A_112 = arith.constant 8 : i32
      %and3A_113 = arith.andi %squeeze3A, %and3A_112 : i32
      %ne3A_114 = arith.constant 0 : i32
      %ne3A_115 = arith.cmpi ne, %and3A_113, %ne3A_114 : i32
      %convert_element_type3A_116 = arith.extui %ne3A_115 : i1 to i32
      %cond3A_117 = arith.constant 0 : i32
      %cond3A_118 = arith.cmpi ne, %convert_element_type3A_116, %cond3A_117 : i32
      scf.if %cond3A_118 {
        %add3A_886 = arith.addi %sub3A_98, %and3A_111 : i32
        %mul3A_887 = arith.constant 512 : i32
        %mul3A_888 = arith.muli %add3A_886, %mul3A_887 : i32
        %add3A_889 = arith.constant 0 : i32
        %add3A_890 = arith.addi %add3A_889, %and3A_111 : i32
        %mul3A_891 = arith.constant 512 : i32
        %mul3A_892 = arith.muli %add3A_890, %mul3A_891 : i32
        %dma_start3A_893 = tpu.memref_slice %arg8[%mul3A_892] : memref<32768xf32, #tpu.memory_space<vmem>> -> memref<4096xf32, #tpu.memory_space<vmem>>
        %dma_start3A_894 = tpu.memref_slice %arg2[%mul3A_888] : memref<8912896xf32, #tpu.memory_space<hbm>> -> memref<4096xf32, #tpu.memory_space<hbm>>
        %dma_start3A_895 = tpu.memref_slice %arg8[%mul3A_892] : memref<32768xf32, #tpu.memory_space<vmem>> -> memref<4096xf32, #tpu.memory_space<vmem>>
        %dma_start3A_896 = tpu.memref_slice %arg2[%mul3A_888] : memref<8912896xf32, #tpu.memory_space<hbm>> -> memref<4096xf32, #tpu.memory_space<hbm>>
        tpu.enqueue_dma source(%dma_start3A_896 : memref<4096xf32, #tpu.memory_space<hbm>>) target(%dma_start3A_895 : memref<4096xf32, #tpu.memory_space<vmem>>) target_semaphore(%arg10 : memref<!tpu.dma_semaphore, #tpu.memory_space<semaphore_mem>>)
      } else {
      }
      %and3A_119 = arith.constant 24 : i32
      %and3A_120 = arith.andi %squeeze3A, %and3A_119 : i32
      %and3A_121 = arith.constant 4 : i32
      %and3A_122 = arith.andi %squeeze3A, %and3A_121 : i32
      %ne3A_123 = arith.constant 0 : i32
      %ne3A_124 = arith.cmpi ne, %and3A_122, %ne3A_123 : i32
      %convert_element_type3A_125 = arith.extui %ne3A_124 : i1 to i32
      %cond3A_126 = arith.constant 0 : i32
      %cond3A_127 = arith.cmpi ne, %convert_element_type3A_125, %cond3A_126 : i32
      scf.if %cond3A_127 {
        %add3A_886 = arith.addi %sub3A_98, %and3A_120 : i32
        %mul3A_887 = arith.constant 512 : i32
        %mul3A_888 = arith.muli %add3A_886, %mul3A_887 : i32
        %add3A_889 = arith.constant 0 : i32
        %add3A_890 = arith.addi %add3A_889, %and3A_120 : i32
        %mul3A_891 = arith.constant 512 : i32
        %mul3A_892 = arith.muli %add3A_890, %mul3A_891 : i32
        %dma_start3A_893 = tpu.memref_slice %arg8[%mul3A_892] : memref<32768xf32, #tpu.memory_space<vmem>> -> memref<2048xf32, #tpu.memory_space<vmem>>
        %dma_start3A_894 = tpu.memref_slice %arg2[%mul3A_888] : memref<8912896xf32, #tpu.memory_space<hbm>> -> memref<2048xf32, #tpu.memory_space<hbm>>
        %dma_start3A_895 = tpu.memref_slice %arg8[%mul3A_892] : memref<32768xf32, #tpu.memory_space<vmem>> -> memref<2048xf32, #tpu.memory_space<vmem>>
        %dma_start3A_896 = tpu.memref_slice %arg2[%mul3A_888] : memref<8912896xf32, #tpu.memory_space<hbm>> -> memref<2048xf32, #tpu.memory_space<hbm>>
        tpu.enqueue_dma source(%dma_start3A_896 : memref<2048xf32, #tpu.memory_space<hbm>>) target(%dma_start3A_895 : memref<2048xf32, #tpu.memory_space<vmem>>) target_semaphore(%arg10 : memref<!tpu.dma_semaphore, #tpu.memory_space<semaphore_mem>>)
      } else {
      }
      %and3A_128 = arith.constant 28 : i32
      %and3A_129 = arith.andi %squeeze3A, %and3A_128 : i32
      %and3A_130 = arith.constant 2 : i32
      %and3A_131 = arith.andi %squeeze3A, %and3A_130 : i32
      %ne3A_132 = arith.constant 0 : i32
      %ne3A_133 = arith.cmpi ne, %and3A_131, %ne3A_132 : i32
      %convert_element_type3A_134 = arith.extui %ne3A_133 : i1 to i32
      %cond3A_135 = arith.constant 0 : i32
      %cond3A_136 = arith.cmpi ne, %convert_element_type3A_134, %cond3A_135 : i32
      scf.if %cond3A_136 {
        %add3A_886 = arith.addi %sub3A_98, %and3A_129 : i32
        %mul3A_887 = arith.constant 512 : i32
        %mul3A_888 = arith.muli %add3A_886, %mul3A_887 : i32
        %add3A_889 = arith.constant 0 : i32
        %add3A_890 = arith.addi %add3A_889, %and3A_129 : i32
        %mul3A_891 = arith.constant 512 : i32
        %mul3A_892 = arith.muli %add3A_890, %mul3A_891 : i32
        %dma_start3A_893 = tpu.memref_slice %arg8[%mul3A_892] : memref<32768xf32, #tpu.memory_space<vmem>> -> memref<1024xf32, #tpu.memory_space<vmem>>
        %dma_start3A_894 = tpu.memref_slice %arg2[%mul3A_888] : memref<8912896xf32, #tpu.memory_space<hbm>> -> memref<1024xf32, #tpu.memory_space<hbm>>
        %dma_start3A_895 = tpu.memref_slice %arg8[%mul3A_892] : memref<32768xf32, #tpu.memory_space<vmem>> -> memref<1024xf32, #tpu.memory_space<vmem>>
        %dma_start3A_896 = tpu.memref_slice %arg2[%mul3A_888] : memref<8912896xf32, #tpu.memory_space<hbm>> -> memref<1024xf32, #tpu.memory_space<hbm>>
        tpu.enqueue_dma source(%dma_start3A_896 : memref<1024xf32, #tpu.memory_space<hbm>>) target(%dma_start3A_895 : memref<1024xf32, #tpu.memory_space<vmem>>) target_semaphore(%arg10 : memref<!tpu.dma_semaphore, #tpu.memory_space<semaphore_mem>>)
      } else {
      }
      %and3A_137 = arith.constant 30 : i32
      %and3A_138 = arith.andi %squeeze3A, %and3A_137 : i32
      %and3A_139 = arith.constant 1 : i32
      %and3A_140 = arith.andi %squeeze3A, %and3A_139 : i32
      %ne3A_141 = arith.constant 0 : i32
      %ne3A_142 = arith.cmpi ne, %and3A_140, %ne3A_141 : i32
      %convert_element_type3A_143 = arith.extui %ne3A_142 : i1 to i32
      %cond3A_144 = arith.constant 0 : i32
      %cond3A_145 = arith.cmpi ne, %convert_element_type3A_143, %cond3A_144 : i32
      scf.if %cond3A_145 {
        %add3A_886 = arith.addi %sub3A_98, %and3A_138 : i32
        %mul3A_887 = arith.constant 512 : i32
        %mul3A_888 = arith.muli %add3A_886, %mul3A_887 : i32
        %add3A_889 = arith.constant 0 : i32
        %add3A_890 = arith.addi %add3A_889, %and3A_138 : i32
        %mul3A_891 = arith.constant 512 : i32
        %mul3A_892 = arith.muli %add3A_890, %mul3A_891 : i32
        %dma_start3A_893 = tpu.memref_slice %arg8[%mul3A_892] : memref<32768xf32, #tpu.memory_space<vmem>> -> memref<512xf32, #tpu.memory_space<vmem>>
        %dma_start3A_894 = tpu.memref_slice %arg2[%mul3A_888] : memref<8912896xf32, #tpu.memory_space<hbm>> -> memref<512xf32, #tpu.memory_space<hbm>>
        %dma_start3A_895 = tpu.memref_slice %arg8[%mul3A_892] : memref<32768xf32, #tpu.memory_space<vmem>> -> memref<512xf32, #tpu.memory_space<vmem>>
        %dma_start3A_896 = tpu.memref_slice %arg2[%mul3A_888] : memref<8912896xf32, #tpu.memory_space<hbm>> -> memref<512xf32, #tpu.memory_space<hbm>>
        tpu.enqueue_dma source(%dma_start3A_896 : memref<512xf32, #tpu.memory_space<hbm>>) target(%dma_start3A_895 : memref<512xf32, #tpu.memory_space<vmem>>) target_semaphore(%arg10 : memref<!tpu.dma_semaphore, #tpu.memory_space<semaphore_mem>>)
      } else {
      }
      %and3A_146 = arith.constant 0 : i32
      %and3A_147 = arith.andi %squeeze3A_90, %and3A_146 : i32
      %and3A_148 = arith.constant 16 : i32
      %and3A_149 = arith.andi %squeeze3A_90, %and3A_148 : i32
      %ne3A_150 = arith.constant 0 : i32
      %ne3A_151 = arith.cmpi ne, %and3A_149, %ne3A_150 : i32
      %convert_element_type3A_152 = arith.extui %ne3A_151 : i1 to i32
      %cond3A_153 = arith.constant 0 : i32
      %cond3A_154 = arith.cmpi ne, %convert_element_type3A_152, %cond3A_153 : i32
      scf.if %cond3A_154 {
        %add3A_886 = arith.addi %sub3A_97, %and3A_147 : i32
        %mul3A_887 = arith.constant 512 : i32
        %mul3A_888 = arith.muli %add3A_886, %mul3A_887 : i32
        %add3A_889 = arith.constant 16 : i32
        %add3A_890 = arith.addi %add3A_889, %and3A_147 : i32
        %mul3A_891 = arith.constant 512 : i32
        %mul3A_892 = arith.muli %add3A_890, %mul3A_891 : i32
        %dma_start3A_893 = tpu.memref_slice %arg8[%mul3A_892] : memref<32768xf32, #tpu.memory_space<vmem>> -> memref<8192xf32, #tpu.memory_space<vmem>>
        %dma_start3A_894 = tpu.memref_slice %arg2[%mul3A_888] : memref<8912896xf32, #tpu.memory_space<hbm>> -> memref<8192xf32, #tpu.memory_space<hbm>>
        %dma_start3A_895 = tpu.memref_slice %arg8[%mul3A_892] : memref<32768xf32, #tpu.memory_space<vmem>> -> memref<8192xf32, #tpu.memory_space<vmem>>
        %dma_start3A_896 = tpu.memref_slice %arg2[%mul3A_888] : memref<8912896xf32, #tpu.memory_space<hbm>> -> memref<8192xf32, #tpu.memory_space<hbm>>
        tpu.enqueue_dma source(%dma_start3A_896 : memref<8192xf32, #tpu.memory_space<hbm>>) target(%dma_start3A_895 : memref<8192xf32, #tpu.memory_space<vmem>>) target_semaphore(%arg10 : memref<!tpu.dma_semaphore, #tpu.memory_space<semaphore_mem>>)
      } else {
      }
      %and3A_155 = arith.constant 16 : i32
      %and3A_156 = arith.andi %squeeze3A_90, %and3A_155 : i32
      %and3A_157 = arith.constant 8 : i32
      %and3A_158 = arith.andi %squeeze3A_90, %and3A_157 : i32
      %ne3A_159 = arith.constant 0 : i32
      %ne3A_160 = arith.cmpi ne, %and3A_158, %ne3A_159 : i32
      %convert_element_type3A_161 = arith.extui %ne3A_160 : i1 to i32
      %cond3A_162 = arith.constant 0 : i32
      %cond3A_163 = arith.cmpi ne, %convert_element_type3A_161, %cond3A_162 : i32
      scf.if %cond3A_163 {
        %add3A_886 = arith.addi %sub3A_97, %and3A_156 : i32
        %mul3A_887 = arith.constant 512 : i32
        %mul3A_888 = arith.muli %add3A_886, %mul3A_887 : i32
        %add3A_889 = arith.constant 16 : i32
        %add3A_890 = arith.addi %add3A_889, %and3A_156 : i32
        %mul3A_891 = arith.constant 512 : i32
        %mul3A_892 = arith.muli %add3A_890, %mul3A_891 : i32
        %dma_start3A_893 = tpu.memref_slice %arg8[%mul3A_892] : memref<32768xf32, #tpu.memory_space<vmem>> -> memref<4096xf32, #tpu.memory_space<vmem>>
        %dma_start3A_894 = tpu.memref_slice %arg2[%mul3A_888] : memref<8912896xf32, #tpu.memory_space<hbm>> -> memref<4096xf32, #tpu.memory_space<hbm>>
        %dma_start3A_895 = tpu.memref_slice %arg8[%mul3A_892] : memref<32768xf32, #tpu.memory_space<vmem>> -> memref<4096xf32, #tpu.memory_space<vmem>>
        %dma_start3A_896 = tpu.memref_slice %arg2[%mul3A_888] : memref<8912896xf32, #tpu.memory_space<hbm>> -> memref<4096xf32, #tpu.memory_space<hbm>>
        tpu.enqueue_dma source(%dma_start3A_896 : memref<4096xf32, #tpu.memory_space<hbm>>) target(%dma_start3A_895 : memref<4096xf32, #tpu.memory_space<vmem>>) target_semaphore(%arg10 : memref<!tpu.dma_semaphore, #tpu.memory_space<semaphore_mem>>)
      } else {
      }
      %and3A_164 = arith.constant 24 : i32
      %and3A_165 = arith.andi %squeeze3A_90, %and3A_164 : i32
      %and3A_166 = arith.constant 4 : i32
      %and3A_167 = arith.andi %squeeze3A_90, %and3A_166 : i32
      %ne3A_168 = arith.constant 0 : i32
      %ne3A_169 = arith.cmpi ne, %and3A_167, %ne3A_168 : i32
      %convert_element_type3A_170 = arith.extui %ne3A_169 : i1 to i32
      %cond3A_171 = arith.constant 0 : i32
      %cond3A_172 = arith.cmpi ne, %convert_element_type3A_170, %cond3A_171 : i32
      scf.if %cond3A_172 {
        %add3A_886 = arith.addi %sub3A_97, %and3A_165 : i32
        %mul3A_887 = arith.constant 512 : i32
        %mul3A_888 = arith.muli %add3A_886, %mul3A_887 : i32
        %add3A_889 = arith.constant 16 : i32
        %add3A_890 = arith.addi %add3A_889, %and3A_165 : i32
        %mul3A_891 = arith.constant 512 : i32
        %mul3A_892 = arith.muli %add3A_890, %mul3A_891 : i32
        %dma_start3A_893 = tpu.memref_slice %arg8[%mul3A_892] : memref<32768xf32, #tpu.memory_space<vmem>> -> memref<2048xf32, #tpu.memory_space<vmem>>
        %dma_start3A_894 = tpu.memref_slice %arg2[%mul3A_888] : memref<8912896xf32, #tpu.memory_space<hbm>> -> memref<2048xf32, #tpu.memory_space<hbm>>
        %dma_start3A_895 = tpu.memref_slice %arg8[%mul3A_892] : memref<32768xf32, #tpu.memory_space<vmem>> -> memref<2048xf32, #tpu.memory_space<vmem>>
        %dma_start3A_896 = tpu.memref_slice %arg2[%mul3A_888] : memref<8912896xf32, #tpu.memory_space<hbm>> -> memref<2048xf32, #tpu.memory_space<hbm>>
        tpu.enqueue_dma source(%dma_start3A_896 : memref<2048xf32, #tpu.memory_space<hbm>>) target(%dma_start3A_895 : memref<2048xf32, #tpu.memory_space<vmem>>) target_semaphore(%arg10 : memref<!tpu.dma_semaphore, #tpu.memory_space<semaphore_mem>>)
      } else {
      }
      %and3A_173 = arith.constant 28 : i32
      %and3A_174 = arith.andi %squeeze3A_90, %and3A_173 : i32
      %and3A_175 = arith.constant 2 : i32
      %and3A_176 = arith.andi %squeeze3A_90, %and3A_175 : i32
      %ne3A_177 = arith.constant 0 : i32
      %ne3A_178 = arith.cmpi ne, %and3A_176, %ne3A_177 : i32
      %convert_element_type3A_179 = arith.extui %ne3A_178 : i1 to i32
      %cond3A_180 = arith.constant 0 : i32
      %cond3A_181 = arith.cmpi ne, %convert_element_type3A_179, %cond3A_180 : i32
      scf.if %cond3A_181 {
        %add3A_886 = arith.addi %sub3A_97, %and3A_174 : i32
        %mul3A_887 = arith.constant 512 : i32
        %mul3A_888 = arith.muli %add3A_886, %mul3A_887 : i32
        %add3A_889 = arith.constant 16 : i32
        %add3A_890 = arith.addi %add3A_889, %and3A_174 : i32
        %mul3A_891 = arith.constant 512 : i32
        %mul3A_892 = arith.muli %add3A_890, %mul3A_891 : i32
        %dma_start3A_893 = tpu.memref_slice %arg8[%mul3A_892] : memref<32768xf32, #tpu.memory_space<vmem>> -> memref<1024xf32, #tpu.memory_space<vmem>>
        %dma_start3A_894 = tpu.memref_slice %arg2[%mul3A_888] : memref<8912896xf32, #tpu.memory_space<hbm>> -> memref<1024xf32, #tpu.memory_space<hbm>>
        %dma_start3A_895 = tpu.memref_slice %arg8[%mul3A_892] : memref<32768xf32, #tpu.memory_space<vmem>> -> memref<1024xf32, #tpu.memory_space<vmem>>
        %dma_start3A_896 = tpu.memref_slice %arg2[%mul3A_888] : memref<8912896xf32, #tpu.memory_space<hbm>> -> memref<1024xf32, #tpu.memory_space<hbm>>
        tpu.enqueue_dma source(%dma_start3A_896 : memref<1024xf32, #tpu.memory_space<hbm>>) target(%dma_start3A_895 : memref<1024xf32, #tpu.memory_space<vmem>>) target_semaphore(%arg10 : memref<!tpu.dma_semaphore, #tpu.memory_space<semaphore_mem>>)
      } else {
      }
      %and3A_182 = arith.constant 30 : i32
      %and3A_183 = arith.andi %squeeze3A_90, %and3A_182 : i32
      %and3A_184 = arith.constant 1 : i32
      %and3A_185 = arith.andi %squeeze3A_90, %and3A_184 : i32
      %ne3A_186 = arith.constant 0 : i32
      %ne3A_187 = arith.cmpi ne, %and3A_185, %ne3A_186 : i32
      %convert_element_type3A_188 = arith.extui %ne3A_187 : i1 to i32
      %cond3A_189 = arith.constant 0 : i32
      %cond3A_190 = arith.cmpi ne, %convert_element_type3A_188, %cond3A_189 : i32
      scf.if %cond3A_190 {
        %add3A_886 = arith.addi %sub3A_97, %and3A_183 : i32
        %mul3A_887 = arith.constant 512 : i32
        %mul3A_888 = arith.muli %add3A_886, %mul3A_887 : i32
        %add3A_889 = arith.constant 16 : i32
        %add3A_890 = arith.addi %add3A_889, %and3A_183 : i32
        %mul3A_891 = arith.constant 512 : i32
        %mul3A_892 = arith.muli %add3A_890, %mul3A_891 : i32
        %dma_start3A_893 = tpu.memref_slice %arg8[%mul3A_892] : memref<32768xf32, #tpu.memory_space<vmem>> -> memref<512xf32, #tpu.memory_space<vmem>>
        %dma_start3A_894 = tpu.memref_slice %arg2[%mul3A_888] : memref<8912896xf32, #tpu.memory_space<hbm>> -> memref<512xf32, #tpu.memory_space<hbm>>
        %dma_start3A_895 = tpu.memref_slice %arg8[%mul3A_892] : memref<32768xf32, #tpu.memory_space<vmem>> -> memref<512xf32, #tpu.memory_space<vmem>>
        %dma_start3A_896 = tpu.memref_slice %arg2[%mul3A_888] : memref<8912896xf32, #tpu.memory_space<hbm>> -> memref<512xf32, #tpu.memory_space<hbm>>
        tpu.enqueue_dma source(%dma_start3A_896 : memref<512xf32, #tpu.memory_space<hbm>>) target(%dma_start3A_895 : memref<512xf32, #tpu.memory_space<vmem>>) target_semaphore(%arg10 : memref<!tpu.dma_semaphore, #tpu.memory_space<semaphore_mem>>)
      } else {
      }
      %and3A_191 = arith.constant 0 : i32
      %and3A_192 = arith.andi %squeeze3A_92, %and3A_191 : i32
      %and3A_193 = arith.constant 16 : i32
      %and3A_194 = arith.andi %squeeze3A_92, %and3A_193 : i32
      %ne3A_195 = arith.constant 0 : i32
      %ne3A_196 = arith.cmpi ne, %and3A_194, %ne3A_195 : i32
      %convert_element_type3A_197 = arith.extui %ne3A_196 : i1 to i32
      %cond3A_198 = arith.constant 0 : i32
      %cond3A_199 = arith.cmpi ne, %convert_element_type3A_197, %cond3A_198 : i32
      scf.if %cond3A_199 {
        %add3A_886 = arith.addi %sub3A_96, %and3A_192 : i32
        %mul3A_887 = arith.constant 512 : i32
        %mul3A_888 = arith.muli %add3A_886, %mul3A_887 : i32
        %add3A_889 = arith.constant 32 : i32
        %add3A_890 = arith.addi %add3A_889, %and3A_192 : i32
        %mul3A_891 = arith.constant 512 : i32
        %mul3A_892 = arith.muli %add3A_890, %mul3A_891 : i32
        %dma_start3A_893 = tpu.memref_slice %arg8[%mul3A_892] : memref<32768xf32, #tpu.memory_space<vmem>> -> memref<8192xf32, #tpu.memory_space<vmem>>
        %dma_start3A_894 = tpu.memref_slice %arg2[%mul3A_888] : memref<8912896xf32, #tpu.memory_space<hbm>> -> memref<8192xf32, #tpu.memory_space<hbm>>
        %dma_start3A_895 = tpu.memref_slice %arg8[%mul3A_892] : memref<32768xf32, #tpu.memory_space<vmem>> -> memref<8192xf32, #tpu.memory_space<vmem>>
        %dma_start3A_896 = tpu.memref_slice %arg2[%mul3A_888] : memref<8912896xf32, #tpu.memory_space<hbm>> -> memref<8192xf32, #tpu.memory_space<hbm>>
        tpu.enqueue_dma source(%dma_start3A_896 : memref<8192xf32, #tpu.memory_space<hbm>>) target(%dma_start3A_895 : memref<8192xf32, #tpu.memory_space<vmem>>) target_semaphore(%arg10 : memref<!tpu.dma_semaphore, #tpu.memory_space<semaphore_mem>>)
      } else {
      }
      %and3A_200 = arith.constant 16 : i32
      %and3A_201 = arith.andi %squeeze3A_92, %and3A_200 : i32
      %and3A_202 = arith.constant 8 : i32
      %and3A_203 = arith.andi %squeeze3A_92, %and3A_202 : i32
      %ne3A_204 = arith.constant 0 : i32
      %ne3A_205 = arith.cmpi ne, %and3A_203, %ne3A_204 : i32
      %convert_element_type3A_206 = arith.extui %ne3A_205 : i1 to i32
      %cond3A_207 = arith.constant 0 : i32
      %cond3A_208 = arith.cmpi ne, %convert_element_type3A_206, %cond3A_207 : i32
      scf.if %cond3A_208 {
        %add3A_886 = arith.addi %sub3A_96, %and3A_201 : i32
        %mul3A_887 = arith.constant 512 : i32
        %mul3A_888 = arith.muli %add3A_886, %mul3A_887 : i32
        %add3A_889 = arith.constant 32 : i32
        %add3A_890 = arith.addi %add3A_889, %and3A_201 : i32
        %mul3A_891 = arith.constant 512 : i32
        %mul3A_892 = arith.muli %add3A_890, %mul3A_891 : i32
        %dma_start3A_893 = tpu.memref_slice %arg8[%mul3A_892] : memref<32768xf32, #tpu.memory_space<vmem>> -> memref<4096xf32, #tpu.memory_space<vmem>>
        %dma_start3A_894 = tpu.memref_slice %arg2[%mul3A_888] : memref<8912896xf32, #tpu.memory_space<hbm>> -> memref<4096xf32, #tpu.memory_space<hbm>>
        %dma_start3A_895 = tpu.memref_slice %arg8[%mul3A_892] : memref<32768xf32, #tpu.memory_space<vmem>> -> memref<4096xf32, #tpu.memory_space<vmem>>
        %dma_start3A_896 = tpu.memref_slice %arg2[%mul3A_888] : memref<8912896xf32, #tpu.memory_space<hbm>> -> memref<4096xf32, #tpu.memory_space<hbm>>
        tpu.enqueue_dma source(%dma_start3A_896 : memref<4096xf32, #tpu.memory_space<hbm>>) target(%dma_start3A_895 : memref<4096xf32, #tpu.memory_space<vmem>>) target_semaphore(%arg10 : memref<!tpu.dma_semaphore, #tpu.memory_space<semaphore_mem>>)
      } else {
      }
      %and3A_209 = arith.constant 24 : i32
      %and3A_210 = arith.andi %squeeze3A_92, %and3A_209 : i32
      %and3A_211 = arith.constant 4 : i32
      %and3A_212 = arith.andi %squeeze3A_92, %and3A_211 : i32
      %ne3A_213 = arith.constant 0 : i32
      %ne3A_214 = arith.cmpi ne, %and3A_212, %ne3A_213 : i32
      %convert_element_type3A_215 = arith.extui %ne3A_214 : i1 to i32
      %cond3A_216 = arith.constant 0 : i32
      %cond3A_217 = arith.cmpi ne, %convert_element_type3A_215, %cond3A_216 : i32
      scf.if %cond3A_217 {
        %add3A_886 = arith.addi %sub3A_96, %and3A_210 : i32
        %mul3A_887 = arith.constant 512 : i32
        %mul3A_888 = arith.muli %add3A_886, %mul3A_887 : i32
        %add3A_889 = arith.constant 32 : i32
        %add3A_890 = arith.addi %add3A_889, %and3A_210 : i32
        %mul3A_891 = arith.constant 512 : i32
        %mul3A_892 = arith.muli %add3A_890, %mul3A_891 : i32
        %dma_start3A_893 = tpu.memref_slice %arg8[%mul3A_892] : memref<32768xf32, #tpu.memory_space<vmem>> -> memref<2048xf32, #tpu.memory_space<vmem>>
        %dma_start3A_894 = tpu.memref_slice %arg2[%mul3A_888] : memref<8912896xf32, #tpu.memory_space<hbm>> -> memref<2048xf32, #tpu.memory_space<hbm>>
        %dma_start3A_895 = tpu.memref_slice %arg8[%mul3A_892] : memref<32768xf32, #tpu.memory_space<vmem>> -> memref<2048xf32, #tpu.memory_space<vmem>>
        %dma_start3A_896 = tpu.memref_slice %arg2[%mul3A_888] : memref<8912896xf32, #tpu.memory_space<hbm>> -> memref<2048xf32, #tpu.memory_space<hbm>>
        tpu.enqueue_dma source(%dma_start3A_896 : memref<2048xf32, #tpu.memory_space<hbm>>) target(%dma_start3A_895 : memref<2048xf32, #tpu.memory_space<vmem>>) target_semaphore(%arg10 : memref<!tpu.dma_semaphore, #tpu.memory_space<semaphore_mem>>)
      } else {
      }
      %and3A_218 = arith.constant 28 : i32
      %and3A_219 = arith.andi %squeeze3A_92, %and3A_218 : i32
      %and3A_220 = arith.constant 2 : i32
      %and3A_221 = arith.andi %squeeze3A_92, %and3A_220 : i32
      %ne3A_222 = arith.constant 0 : i32
      %ne3A_223 = arith.cmpi ne, %and3A_221, %ne3A_222 : i32
      %convert_element_type3A_224 = arith.extui %ne3A_223 : i1 to i32
      %cond3A_225 = arith.constant 0 : i32
      %cond3A_226 = arith.cmpi ne, %convert_element_type3A_224, %cond3A_225 : i32
      scf.if %cond3A_226 {
        %add3A_886 = arith.addi %sub3A_96, %and3A_219 : i32
        %mul3A_887 = arith.constant 512 : i32
        %mul3A_888 = arith.muli %add3A_886, %mul3A_887 : i32
        %add3A_889 = arith.constant 32 : i32
        %add3A_890 = arith.addi %add3A_889, %and3A_219 : i32
        %mul3A_891 = arith.constant 512 : i32
        %mul3A_892 = arith.muli %add3A_890, %mul3A_891 : i32
        %dma_start3A_893 = tpu.memref_slice %arg8[%mul3A_892] : memref<32768xf32, #tpu.memory_space<vmem>> -> memref<1024xf32, #tpu.memory_space<vmem>>
        %dma_start3A_894 = tpu.memref_slice %arg2[%mul3A_888] : memref<8912896xf32, #tpu.memory_space<hbm>> -> memref<1024xf32, #tpu.memory_space<hbm>>
        %dma_start3A_895 = tpu.memref_slice %arg8[%mul3A_892] : memref<32768xf32, #tpu.memory_space<vmem>> -> memref<1024xf32, #tpu.memory_space<vmem>>
        %dma_start3A_896 = tpu.memref_slice %arg2[%mul3A_888] : memref<8912896xf32, #tpu.memory_space<hbm>> -> memref<1024xf32, #tpu.memory_space<hbm>>
        tpu.enqueue_dma source(%dma_start3A_896 : memref<1024xf32, #tpu.memory_space<hbm>>) target(%dma_start3A_895 : memref<1024xf32, #tpu.memory_space<vmem>>) target_semaphore(%arg10 : memref<!tpu.dma_semaphore, #tpu.memory_space<semaphore_mem>>)
      } else {
      }
      %and3A_227 = arith.constant 30 : i32
      %and3A_228 = arith.andi %squeeze3A_92, %and3A_227 : i32
      %and3A_229 = arith.constant 1 : i32
      %and3A_230 = arith.andi %squeeze3A_92, %and3A_229 : i32
      %ne3A_231 = arith.constant 0 : i32
      %ne3A_232 = arith.cmpi ne, %and3A_230, %ne3A_231 : i32
      %convert_element_type3A_233 = arith.extui %ne3A_232 : i1 to i32
      %cond3A_234 = arith.constant 0 : i32
      %cond3A_235 = arith.cmpi ne, %convert_element_type3A_233, %cond3A_234 : i32
      scf.if %cond3A_235 {
        %add3A_886 = arith.addi %sub3A_96, %and3A_228 : i32
        %mul3A_887 = arith.constant 512 : i32
        %mul3A_888 = arith.muli %add3A_886, %mul3A_887 : i32
        %add3A_889 = arith.constant 32 : i32
        %add3A_890 = arith.addi %add3A_889, %and3A_228 : i32
        %mul3A_891 = arith.constant 512 : i32
        %mul3A_892 = arith.muli %add3A_890, %mul3A_891 : i32
        %dma_start3A_893 = tpu.memref_slice %arg8[%mul3A_892] : memref<32768xf32, #tpu.memory_space<vmem>> -> memref<512xf32, #tpu.memory_space<vmem>>
        %dma_start3A_894 = tpu.memref_slice %arg2[%mul3A_888] : memref<8912896xf32, #tpu.memory_space<hbm>> -> memref<512xf32, #tpu.memory_space<hbm>>
        %dma_start3A_895 = tpu.memref_slice %arg8[%mul3A_892] : memref<32768xf32, #tpu.memory_space<vmem>> -> memref<512xf32, #tpu.memory_space<vmem>>
        %dma_start3A_896 = tpu.memref_slice %arg2[%mul3A_888] : memref<8912896xf32, #tpu.memory_space<hbm>> -> memref<512xf32, #tpu.memory_space<hbm>>
        tpu.enqueue_dma source(%dma_start3A_896 : memref<512xf32, #tpu.memory_space<hbm>>) target(%dma_start3A_895 : memref<512xf32, #tpu.memory_space<vmem>>) target_semaphore(%arg10 : memref<!tpu.dma_semaphore, #tpu.memory_space<semaphore_mem>>)
      } else {
      }
      %and3A_236 = arith.constant 0 : i32
      %and3A_237 = arith.andi %squeeze3A_94, %and3A_236 : i32
      %and3A_238 = arith.constant 16 : i32
      %and3A_239 = arith.andi %squeeze3A_94, %and3A_238 : i32
      %ne3A_240 = arith.constant 0 : i32
      %ne3A_241 = arith.cmpi ne, %and3A_239, %ne3A_240 : i32
      %convert_element_type3A_242 = arith.extui %ne3A_241 : i1 to i32
      %cond3A_243 = arith.constant 0 : i32
      %cond3A_244 = arith.cmpi ne, %convert_element_type3A_242, %cond3A_243 : i32
      scf.if %cond3A_244 {
        %add3A_886 = arith.addi %sub3A_95, %and3A_237 : i32
        %mul3A_887 = arith.constant 512 : i32
        %mul3A_888 = arith.muli %add3A_886, %mul3A_887 : i32
        %add3A_889 = arith.constant 48 : i32
        %add3A_890 = arith.addi %add3A_889, %and3A_237 : i32
        %mul3A_891 = arith.constant 512 : i32
        %mul3A_892 = arith.muli %add3A_890, %mul3A_891 : i32
        %dma_start3A_893 = tpu.memref_slice %arg8[%mul3A_892] : memref<32768xf32, #tpu.memory_space<vmem>> -> memref<8192xf32, #tpu.memory_space<vmem>>
        %dma_start3A_894 = tpu.memref_slice %arg2[%mul3A_888] : memref<8912896xf32, #tpu.memory_space<hbm>> -> memref<8192xf32, #tpu.memory_space<hbm>>
        %dma_start3A_895 = tpu.memref_slice %arg8[%mul3A_892] : memref<32768xf32, #tpu.memory_space<vmem>> -> memref<8192xf32, #tpu.memory_space<vmem>>
        %dma_start3A_896 = tpu.memref_slice %arg2[%mul3A_888] : memref<8912896xf32, #tpu.memory_space<hbm>> -> memref<8192xf32, #tpu.memory_space<hbm>>
        tpu.enqueue_dma source(%dma_start3A_896 : memref<8192xf32, #tpu.memory_space<hbm>>) target(%dma_start3A_895 : memref<8192xf32, #tpu.memory_space<vmem>>) target_semaphore(%arg10 : memref<!tpu.dma_semaphore, #tpu.memory_space<semaphore_mem>>)
      } else {
      }
      %and3A_245 = arith.constant 16 : i32
      %and3A_246 = arith.andi %squeeze3A_94, %and3A_245 : i32
      %and3A_247 = arith.constant 8 : i32
      %and3A_248 = arith.andi %squeeze3A_94, %and3A_247 : i32
      %ne3A_249 = arith.constant 0 : i32
      %ne3A_250 = arith.cmpi ne, %and3A_248, %ne3A_249 : i32
      %convert_element_type3A_251 = arith.extui %ne3A_250 : i1 to i32
      %cond3A_252 = arith.constant 0 : i32
      %cond3A_253 = arith.cmpi ne, %convert_element_type3A_251, %cond3A_252 : i32
      scf.if %cond3A_253 {
        %add3A_886 = arith.addi %sub3A_95, %and3A_246 : i32
        %mul3A_887 = arith.constant 512 : i32
        %mul3A_888 = arith.muli %add3A_886, %mul3A_887 : i32
        %add3A_889 = arith.constant 48 : i32
        %add3A_890 = arith.addi %add3A_889, %and3A_246 : i32
        %mul3A_891 = arith.constant 512 : i32
        %mul3A_892 = arith.muli %add3A_890, %mul3A_891 : i32
        %dma_start3A_893 = tpu.memref_slice %arg8[%mul3A_892] : memref<32768xf32, #tpu.memory_space<vmem>> -> memref<4096xf32, #tpu.memory_space<vmem>>
        %dma_start3A_894 = tpu.memref_slice %arg2[%mul3A_888] : memref<8912896xf32, #tpu.memory_space<hbm>> -> memref<4096xf32, #tpu.memory_space<hbm>>
        %dma_start3A_895 = tpu.memref_slice %arg8[%mul3A_892] : memref<32768xf32, #tpu.memory_space<vmem>> -> memref<4096xf32, #tpu.memory_space<vmem>>
        %dma_start3A_896 = tpu.memref_slice %arg2[%mul3A_888] : memref<8912896xf32, #tpu.memory_space<hbm>> -> memref<4096xf32, #tpu.memory_space<hbm>>
        tpu.enqueue_dma source(%dma_start3A_896 : memref<4096xf32, #tpu.memory_space<hbm>>) target(%dma_start3A_895 : memref<4096xf32, #tpu.memory_space<vmem>>) target_semaphore(%arg10 : memref<!tpu.dma_semaphore, #tpu.memory_space<semaphore_mem>>)
      } else {
      }
      %and3A_254 = arith.constant 24 : i32
      %and3A_255 = arith.andi %squeeze3A_94, %and3A_254 : i32
      %and3A_256 = arith.constant 4 : i32
      %and3A_257 = arith.andi %squeeze3A_94, %and3A_256 : i32
      %ne3A_258 = arith.constant 0 : i32
      %ne3A_259 = arith.cmpi ne, %and3A_257, %ne3A_258 : i32
      %convert_element_type3A_260 = arith.extui %ne3A_259 : i1 to i32
      %cond3A_261 = arith.constant 0 : i32
      %cond3A_262 = arith.cmpi ne, %convert_element_type3A_260, %cond3A_261 : i32
      scf.if %cond3A_262 {
        %add3A_886 = arith.addi %sub3A_95, %and3A_255 : i32
        %mul3A_887 = arith.constant 512 : i32
        %mul3A_888 = arith.muli %add3A_886, %mul3A_887 : i32
        %add3A_889 = arith.constant 48 : i32
        %add3A_890 = arith.addi %add3A_889, %and3A_255 : i32
        %mul3A_891 = arith.constant 512 : i32
        %mul3A_892 = arith.muli %add3A_890, %mul3A_891 : i32
        %dma_start3A_893 = tpu.memref_slice %arg8[%mul3A_892] : memref<32768xf32, #tpu.memory_space<vmem>> -> memref<2048xf32, #tpu.memory_space<vmem>>
        %dma_start3A_894 = tpu.memref_slice %arg2[%mul3A_888] : memref<8912896xf32, #tpu.memory_space<hbm>> -> memref<2048xf32, #tpu.memory_space<hbm>>
        %dma_start3A_895 = tpu.memref_slice %arg8[%mul3A_892] : memref<32768xf32, #tpu.memory_space<vmem>> -> memref<2048xf32, #tpu.memory_space<vmem>>
        %dma_start3A_896 = tpu.memref_slice %arg2[%mul3A_888] : memref<8912896xf32, #tpu.memory_space<hbm>> -> memref<2048xf32, #tpu.memory_space<hbm>>
        tpu.enqueue_dma source(%dma_start3A_896 : memref<2048xf32, #tpu.memory_space<hbm>>) target(%dma_start3A_895 : memref<2048xf32, #tpu.memory_space<vmem>>) target_semaphore(%arg10 : memref<!tpu.dma_semaphore, #tpu.memory_space<semaphore_mem>>)
      } else {
      }
      %and3A_263 = arith.constant 28 : i32
      %and3A_264 = arith.andi %squeeze3A_94, %and3A_263 : i32
      %and3A_265 = arith.constant 2 : i32
      %and3A_266 = arith.andi %squeeze3A_94, %and3A_265 : i32
      %ne3A_267 = arith.constant 0 : i32
      %ne3A_268 = arith.cmpi ne, %and3A_266, %ne3A_267 : i32
      %convert_element_type3A_269 = arith.extui %ne3A_268 : i1 to i32
      %cond3A_270 = arith.constant 0 : i32
      %cond3A_271 = arith.cmpi ne, %convert_element_type3A_269, %cond3A_270 : i32
      scf.if %cond3A_271 {
        %add3A_886 = arith.addi %sub3A_95, %and3A_264 : i32
        %mul3A_887 = arith.constant 512 : i32
        %mul3A_888 = arith.muli %add3A_886, %mul3A_887 : i32
        %add3A_889 = arith.constant 48 : i32
        %add3A_890 = arith.addi %add3A_889, %and3A_264 : i32
        %mul3A_891 = arith.constant 512 : i32
        %mul3A_892 = arith.muli %add3A_890, %mul3A_891 : i32
        %dma_start3A_893 = tpu.memref_slice %arg8[%mul3A_892] : memref<32768xf32, #tpu.memory_space<vmem>> -> memref<1024xf32, #tpu.memory_space<vmem>>
        %dma_start3A_894 = tpu.memref_slice %arg2[%mul3A_888] : memref<8912896xf32, #tpu.memory_space<hbm>> -> memref<1024xf32, #tpu.memory_space<hbm>>
        %dma_start3A_895 = tpu.memref_slice %arg8[%mul3A_892] : memref<32768xf32, #tpu.memory_space<vmem>> -> memref<1024xf32, #tpu.memory_space<vmem>>
        %dma_start3A_896 = tpu.memref_slice %arg2[%mul3A_888] : memref<8912896xf32, #tpu.memory_space<hbm>> -> memref<1024xf32, #tpu.memory_space<hbm>>
        tpu.enqueue_dma source(%dma_start3A_896 : memref<1024xf32, #tpu.memory_space<hbm>>) target(%dma_start3A_895 : memref<1024xf32, #tpu.memory_space<vmem>>) target_semaphore(%arg10 : memref<!tpu.dma_semaphore, #tpu.memory_space<semaphore_mem>>)
      } else {
      }
      %and3A_272 = arith.constant 30 : i32
      %and3A_273 = arith.andi %squeeze3A_94, %and3A_272 : i32
      %and3A_274 = arith.constant 1 : i32
      %and3A_275 = arith.andi %squeeze3A_94, %and3A_274 : i32
      %ne3A_276 = arith.constant 0 : i32
      %ne3A_277 = arith.cmpi ne, %and3A_275, %ne3A_276 : i32
      %convert_element_type3A_278 = arith.extui %ne3A_277 : i1 to i32
      %cond3A_279 = arith.constant 0 : i32
      %cond3A_280 = arith.cmpi ne, %convert_element_type3A_278, %cond3A_279 : i32
      scf.if %cond3A_280 {
        %add3A_886 = arith.addi %sub3A_95, %and3A_273 : i32
        %mul3A_887 = arith.constant 512 : i32
        %mul3A_888 = arith.muli %add3A_886, %mul3A_887 : i32
        %add3A_889 = arith.constant 48 : i32
        %add3A_890 = arith.addi %add3A_889, %and3A_273 : i32
        %mul3A_891 = arith.constant 512 : i32
        %mul3A_892 = arith.muli %add3A_890, %mul3A_891 : i32
        %dma_start3A_893 = tpu.memref_slice %arg8[%mul3A_892] : memref<32768xf32, #tpu.memory_space<vmem>> -> memref<512xf32, #tpu.memory_space<vmem>>
        %dma_start3A_894 = tpu.memref_slice %arg2[%mul3A_888] : memref<8912896xf32, #tpu.memory_space<hbm>> -> memref<512xf32, #tpu.memory_space<hbm>>
        %dma_start3A_895 = tpu.memref_slice %arg8[%mul3A_892] : memref<32768xf32, #tpu.memory_space<vmem>> -> memref<512xf32, #tpu.memory_space<vmem>>
        %dma_start3A_896 = tpu.memref_slice %arg2[%mul3A_888] : memref<8912896xf32, #tpu.memory_space<hbm>> -> memref<512xf32, #tpu.memory_space<hbm>>
        tpu.enqueue_dma source(%dma_start3A_896 : memref<512xf32, #tpu.memory_space<hbm>>) target(%dma_start3A_895 : memref<512xf32, #tpu.memory_space<vmem>>) target_semaphore(%arg10 : memref<!tpu.dma_semaphore, #tpu.memory_space<semaphore_mem>>)
      } else {
      }
      %mul3A_281 = arith.constant 4 : i32
      %mul3A_282 = arith.muli %mul3A_281, %add3A_80 : i32
      %sub3A_283 = arith.constant 124 : i32
      %sub3A_284 = arith.subi %mul3A_282, %sub3A_283 : i32
      %max3A = arith.constant 0 : i32
      %max3A_285 = arith.maxsi %sub3A_284, %max3A : i32
      %broadcast_in_dim3A_286 = arith.constant 0 : i32
      %broadcast_in_dim3A_287 = vector.broadcast %broadcast_in_dim3A_286 : i32 to vector<16xi32>
      %scan3A_288 = arith.constant 0 : i32
      %scan3A_289 = arith.constant 8 : i32
      %scan3A_290 = arith.addi %scan3A_288, %scan3A_289 : i32
      %scan3A_291 = arith.constant 1 : i32
      %scan3A_292 = scf.for %scan3A_886 = %scan3A_288 to %scan3A_290 step %scan3A_291 iter_args(%scan3A_887 = %broadcast_in_dim3A_287) -> (vector<16xi32>)  : i32 {
        %mul3A_888 = arith.constant 16 : i32
        %mul3A_889 = arith.muli %scan3A_886, %mul3A_888 : i32
        %add3A_890 = arith.addi %max3A_285, %mul3A_889 : i32
        %get3A_891 = arith.index_cast %add3A_890 : i32 to index
        %get3A_892 = tpu.vector_load %arg6[%get3A_891] {strides = array<i32>} : memref<2064xi32, #tpu.memory_space<vmem>>, vector<16xi32>,
        %add3A_893 = arith.addi %scan3A_887, %get3A_892 : vector<16xi32>
        scf.yield %add3A_893 : vector<16xi32>
      }
      %scan3A_293 = arith.constant 8 : i32
      %reduce_sum3A_294 = arith.constant true
      %reduce_sum3A_295 = vector.broadcast %reduce_sum3A_294 : i1 to vector<16xi1>
      %reduce_sum3A_296 = tpu.scan <sum>, %scan3A_292 masked %reduce_sum3A_295 : vector<16xi32>, vector<16xi1> -> vector<16xi32>
      %reduce_sum3A_297 = vector.extract %reduce_sum3A_296[15] : i32 from vector<16xi32>
      %sub3A_298 = arith.subi %scan3A_73, %reduce_sum3A_297 : i32
      %mul3A_299 = arith.constant 4 : i32
      %mul3A_300 = arith.muli %mul3A_299, %sub3A_82 : i32
      %get3A_301 = arith.index_cast %mul3A_300 : i32 to index
      %get3A_302 = tpu.vector_load %arg6[%get3A_301] {strides = array<i32>} : memref<2064xi32, #tpu.memory_space<vmem>>, vector<16xi32>,
      %slice3A_303 = vector.extract_strided_slice %get3A_302 {offsets = [0], sizes = [1], strides = [1]} : vector<16xi32> to vector<1xi32>
      %squeeze3A_304 = vector.extract %slice3A_303[0] : i32 from vector<1xi32>
      %slice3A_305 = vector.extract_strided_slice %get3A_302 {offsets = [1], sizes = [1], strides = [1]} : vector<16xi32> to vector<1xi32>
      %squeeze3A_306 = vector.extract %slice3A_305[0] : i32 from vector<1xi32>
      %slice3A_307 = vector.extract_strided_slice %get3A_302 {offsets = [2], sizes = [1], strides = [1]} : vector<16xi32> to vector<1xi32>
      %squeeze3A_308 = vector.extract %slice3A_307[0] : i32 from vector<1xi32>
      %slice3A_309 = vector.extract_strided_slice %get3A_302 {offsets = [3], sizes = [1], strides = [1]} : vector<16xi32> to vector<1xi32>
      %squeeze3A_310 = vector.extract %slice3A_309[0] : i32 from vector<1xi32>
      %sub3A_311 = arith.subi %sub3A_298, %squeeze3A_310 : i32
      %sub3A_312 = arith.subi %sub3A_311, %squeeze3A_308 : i32
      %sub3A_313 = arith.subi %sub3A_312, %squeeze3A_306 : i32
      %sub3A_314 = arith.subi %sub3A_313, %squeeze3A_304 : i32
      %not3A_315 = arith.constant true
      %not3A_316 = arith.xori %eq3A_84, %not3A_315 : i1
      %convert_element_type3A_317 = arith.extui %not3A_316 : i1 to i32
      %cond3A_318 = arith.constant 0 : i32
      %cond3A_319 = arith.cmpi ne, %convert_element_type3A_317, %cond3A_318 : i32
      scf.if %cond3A_319 {
        %dma_wait3A_886 = arith.constant 0 : i32
        %dma_wait3A_887 = tpu.memref_slice %arg5[%dma_wait3A_886] : memref<16777216xf32, #tpu.memory_space<hbm>> -> memref<32768xf32, #tpu.memory_space<hbm>>
        %dma_wait3A_888 = arith.constant 0 : i32
        %dma_wait3A_889 = tpu.memref_slice %arg5[%dma_wait3A_888] : memref<16777216xf32, #tpu.memory_space<hbm>> -> memref<32768xf32, #tpu.memory_space<hbm>>
        tpu.wait_dma2 semaphore(%arg11 : memref<!tpu.dma_semaphore, #tpu.memory_space<semaphore_mem>>) src(%arg7 : memref<32768xf32, #tpu.memory_space<vmem>>) dst(%dma_wait3A_889 : memref<32768xf32, #tpu.memory_space<hbm>>)
      } else {
      }
      %and3A_320 = arith.constant 0 : i32
      %and3A_321 = arith.andi %squeeze3A_304, %and3A_320 : i32
      %and3A_322 = arith.constant 16 : i32
      %and3A_323 = arith.andi %squeeze3A_304, %and3A_322 : i32
      %ne3A_324 = arith.constant 0 : i32
      %ne3A_325 = arith.cmpi ne, %and3A_323, %ne3A_324 : i32
      %convert_element_type3A_326 = arith.extui %ne3A_325 : i1 to i32
      %cond3A_327 = arith.constant 0 : i32
      %cond3A_328 = arith.cmpi ne, %convert_element_type3A_326, %cond3A_327 : i32
      scf.if %cond3A_328 {
        %add3A_886 = arith.addi %sub3A_314, %and3A_321 : i32
        %mul3A_887 = arith.constant 512 : i32
        %mul3A_888 = arith.muli %add3A_886, %mul3A_887 : i32
        %add3A_889 = arith.constant 0 : i32
        %add3A_890 = arith.addi %add3A_889, %and3A_321 : i32
        %mul3A_891 = arith.constant 512 : i32
        %mul3A_892 = arith.muli %add3A_890, %mul3A_891 : i32
        %dma_start3A_893 = tpu.memref_slice %arg7[%mul3A_892] : memref<32768xf32, #tpu.memory_space<vmem>> -> memref<8192xf32, #tpu.memory_space<vmem>>
        %dma_start3A_894 = tpu.memref_slice %arg2[%mul3A_888] : memref<8912896xf32, #tpu.memory_space<hbm>> -> memref<8192xf32, #tpu.memory_space<hbm>>
        %dma_start3A_895 = tpu.memref_slice %arg7[%mul3A_892] : memref<32768xf32, #tpu.memory_space<vmem>> -> memref<8192xf32, #tpu.memory_space<vmem>>
        %dma_start3A_896 = tpu.memref_slice %arg2[%mul3A_888] : memref<8912896xf32, #tpu.memory_space<hbm>> -> memref<8192xf32, #tpu.memory_space<hbm>>
        tpu.enqueue_dma source(%dma_start3A_896 : memref<8192xf32, #tpu.memory_space<hbm>>) target(%dma_start3A_895 : memref<8192xf32, #tpu.memory_space<vmem>>) target_semaphore(%arg9 : memref<!tpu.dma_semaphore, #tpu.memory_space<semaphore_mem>>)
      } else {
      }
      %and3A_329 = arith.constant 16 : i32
      %and3A_330 = arith.andi %squeeze3A_304, %and3A_329 : i32
      %and3A_331 = arith.constant 8 : i32
      %and3A_332 = arith.andi %squeeze3A_304, %and3A_331 : i32
      %ne3A_333 = arith.constant 0 : i32
      %ne3A_334 = arith.cmpi ne, %and3A_332, %ne3A_333 : i32
      %convert_element_type3A_335 = arith.extui %ne3A_334 : i1 to i32
      %cond3A_336 = arith.constant 0 : i32
      %cond3A_337 = arith.cmpi ne, %convert_element_type3A_335, %cond3A_336 : i32
      scf.if %cond3A_337 {
        %add3A_886 = arith.addi %sub3A_314, %and3A_330 : i32
        %mul3A_887 = arith.constant 512 : i32
        %mul3A_888 = arith.muli %add3A_886, %mul3A_887 : i32
        %add3A_889 = arith.constant 0 : i32
        %add3A_890 = arith.addi %add3A_889, %and3A_330 : i32
        %mul3A_891 = arith.constant 512 : i32
        %mul3A_892 = arith.muli %add3A_890, %mul3A_891 : i32
        %dma_start3A_893 = tpu.memref_slice %arg7[%mul3A_892] : memref<32768xf32, #tpu.memory_space<vmem>> -> memref<4096xf32, #tpu.memory_space<vmem>>
        %dma_start3A_894 = tpu.memref_slice %arg2[%mul3A_888] : memref<8912896xf32, #tpu.memory_space<hbm>> -> memref<4096xf32, #tpu.memory_space<hbm>>
        %dma_start3A_895 = tpu.memref_slice %arg7[%mul3A_892] : memref<32768xf32, #tpu.memory_space<vmem>> -> memref<4096xf32, #tpu.memory_space<vmem>>
        %dma_start3A_896 = tpu.memref_slice %arg2[%mul3A_888] : memref<8912896xf32, #tpu.memory_space<hbm>> -> memref<4096xf32, #tpu.memory_space<hbm>>
        tpu.enqueue_dma source(%dma_start3A_896 : memref<4096xf32, #tpu.memory_space<hbm>>) target(%dma_start3A_895 : memref<4096xf32, #tpu.memory_space<vmem>>) target_semaphore(%arg9 : memref<!tpu.dma_semaphore, #tpu.memory_space<semaphore_mem>>)
      } else {
      }
      %and3A_338 = arith.constant 24 : i32
      %and3A_339 = arith.andi %squeeze3A_304, %and3A_338 : i32
      %and3A_340 = arith.constant 4 : i32
      %and3A_341 = arith.andi %squeeze3A_304, %and3A_340 : i32
      %ne3A_342 = arith.constant 0 : i32
      %ne3A_343 = arith.cmpi ne, %and3A_341, %ne3A_342 : i32
      %convert_element_type3A_344 = arith.extui %ne3A_343 : i1 to i32
      %cond3A_345 = arith.constant 0 : i32
      %cond3A_346 = arith.cmpi ne, %convert_element_type3A_344, %cond3A_345 : i32
      scf.if %cond3A_346 {
        %add3A_886 = arith.addi %sub3A_314, %and3A_339 : i32
        %mul3A_887 = arith.constant 512 : i32
        %mul3A_888 = arith.muli %add3A_886, %mul3A_887 : i32
        %add3A_889 = arith.constant 0 : i32
        %add3A_890 = arith.addi %add3A_889, %and3A_339 : i32
        %mul3A_891 = arith.constant 512 : i32
        %mul3A_892 = arith.muli %add3A_890, %mul3A_891 : i32
        %dma_start3A_893 = tpu.memref_slice %arg7[%mul3A_892] : memref<32768xf32, #tpu.memory_space<vmem>> -> memref<2048xf32, #tpu.memory_space<vmem>>
        %dma_start3A_894 = tpu.memref_slice %arg2[%mul3A_888] : memref<8912896xf32, #tpu.memory_space<hbm>> -> memref<2048xf32, #tpu.memory_space<hbm>>
        %dma_start3A_895 = tpu.memref_slice %arg7[%mul3A_892] : memref<32768xf32, #tpu.memory_space<vmem>> -> memref<2048xf32, #tpu.memory_space<vmem>>
        %dma_start3A_896 = tpu.memref_slice %arg2[%mul3A_888] : memref<8912896xf32, #tpu.memory_space<hbm>> -> memref<2048xf32, #tpu.memory_space<hbm>>
        tpu.enqueue_dma source(%dma_start3A_896 : memref<2048xf32, #tpu.memory_space<hbm>>) target(%dma_start3A_895 : memref<2048xf32, #tpu.memory_space<vmem>>) target_semaphore(%arg9 : memref<!tpu.dma_semaphore, #tpu.memory_space<semaphore_mem>>)
      } else {
      }
      %and3A_347 = arith.constant 28 : i32
      %and3A_348 = arith.andi %squeeze3A_304, %and3A_347 : i32
      %and3A_349 = arith.constant 2 : i32
      %and3A_350 = arith.andi %squeeze3A_304, %and3A_349 : i32
      %ne3A_351 = arith.constant 0 : i32
      %ne3A_352 = arith.cmpi ne, %and3A_350, %ne3A_351 : i32
      %convert_element_type3A_353 = arith.extui %ne3A_352 : i1 to i32
      %cond3A_354 = arith.constant 0 : i32
      %cond3A_355 = arith.cmpi ne, %convert_element_type3A_353, %cond3A_354 : i32
      scf.if %cond3A_355 {
        %add3A_886 = arith.addi %sub3A_314, %and3A_348 : i32
        %mul3A_887 = arith.constant 512 : i32
        %mul3A_888 = arith.muli %add3A_886, %mul3A_887 : i32
        %add3A_889 = arith.constant 0 : i32
        %add3A_890 = arith.addi %add3A_889, %and3A_348 : i32
        %mul3A_891 = arith.constant 512 : i32
        %mul3A_892 = arith.muli %add3A_890, %mul3A_891 : i32
        %dma_start3A_893 = tpu.memref_slice %arg7[%mul3A_892] : memref<32768xf32, #tpu.memory_space<vmem>> -> memref<1024xf32, #tpu.memory_space<vmem>>
        %dma_start3A_894 = tpu.memref_slice %arg2[%mul3A_888] : memref<8912896xf32, #tpu.memory_space<hbm>> -> memref<1024xf32, #tpu.memory_space<hbm>>
        %dma_start3A_895 = tpu.memref_slice %arg7[%mul3A_892] : memref<32768xf32, #tpu.memory_space<vmem>> -> memref<1024xf32, #tpu.memory_space<vmem>>
        %dma_start3A_896 = tpu.memref_slice %arg2[%mul3A_888] : memref<8912896xf32, #tpu.memory_space<hbm>> -> memref<1024xf32, #tpu.memory_space<hbm>>
        tpu.enqueue_dma source(%dma_start3A_896 : memref<1024xf32, #tpu.memory_space<hbm>>) target(%dma_start3A_895 : memref<1024xf32, #tpu.memory_space<vmem>>) target_semaphore(%arg9 : memref<!tpu.dma_semaphore, #tpu.memory_space<semaphore_mem>>)
      } else {
      }
      %and3A_356 = arith.constant 30 : i32
      %and3A_357 = arith.andi %squeeze3A_304, %and3A_356 : i32
      %and3A_358 = arith.constant 1 : i32
      %and3A_359 = arith.andi %squeeze3A_304, %and3A_358 : i32
      %ne3A_360 = arith.constant 0 : i32
      %ne3A_361 = arith.cmpi ne, %and3A_359, %ne3A_360 : i32
      %convert_element_type3A_362 = arith.extui %ne3A_361 : i1 to i32
      %cond3A_363 = arith.constant 0 : i32
      %cond3A_364 = arith.cmpi ne, %convert_element_type3A_362, %cond3A_363 : i32
      scf.if %cond3A_364 {
        %add3A_886 = arith.addi %sub3A_314, %and3A_357 : i32
        %mul3A_887 = arith.constant 512 : i32
        %mul3A_888 = arith.muli %add3A_886, %mul3A_887 : i32
        %add3A_889 = arith.constant 0 : i32
        %add3A_890 = arith.addi %add3A_889, %and3A_357 : i32
        %mul3A_891 = arith.constant 512 : i32
        %mul3A_892 = arith.muli %add3A_890, %mul3A_891 : i32
        %dma_start3A_893 = tpu.memref_slice %arg7[%mul3A_892] : memref<32768xf32, #tpu.memory_space<vmem>> -> memref<512xf32, #tpu.memory_space<vmem>>
        %dma_start3A_894 = tpu.memref_slice %arg2[%mul3A_888] : memref<8912896xf32, #tpu.memory_space<hbm>> -> memref<512xf32, #tpu.memory_space<hbm>>
        %dma_start3A_895 = tpu.memref_slice %arg7[%mul3A_892] : memref<32768xf32, #tpu.memory_space<vmem>> -> memref<512xf32, #tpu.memory_space<vmem>>
        %dma_start3A_896 = tpu.memref_slice %arg2[%mul3A_888] : memref<8912896xf32, #tpu.memory_space<hbm>> -> memref<512xf32, #tpu.memory_space<hbm>>
        tpu.enqueue_dma source(%dma_start3A_896 : memref<512xf32, #tpu.memory_space<hbm>>) target(%dma_start3A_895 : memref<512xf32, #tpu.memory_space<vmem>>) target_semaphore(%arg9 : memref<!tpu.dma_semaphore, #tpu.memory_space<semaphore_mem>>)
      } else {
      }
      %and3A_365 = arith.constant 0 : i32
      %and3A_366 = arith.andi %squeeze3A_306, %and3A_365 : i32
      %and3A_367 = arith.constant 16 : i32
      %and3A_368 = arith.andi %squeeze3A_306, %and3A_367 : i32
      %ne3A_369 = arith.constant 0 : i32
      %ne3A_370 = arith.cmpi ne, %and3A_368, %ne3A_369 : i32
      %convert_element_type3A_371 = arith.extui %ne3A_370 : i1 to i32
      %cond3A_372 = arith.constant 0 : i32
      %cond3A_373 = arith.cmpi ne, %convert_element_type3A_371, %cond3A_372 : i32
      scf.if %cond3A_373 {
        %add3A_886 = arith.addi %sub3A_313, %and3A_366 : i32
        %mul3A_887 = arith.constant 512 : i32
        %mul3A_888 = arith.muli %add3A_886, %mul3A_887 : i32
        %add3A_889 = arith.constant 16 : i32
        %add3A_890 = arith.addi %add3A_889, %and3A_366 : i32
        %mul3A_891 = arith.constant 512 : i32
        %mul3A_892 = arith.muli %add3A_890, %mul3A_891 : i32
        %dma_start3A_893 = tpu.memref_slice %arg7[%mul3A_892] : memref<32768xf32, #tpu.memory_space<vmem>> -> memref<8192xf32, #tpu.memory_space<vmem>>
        %dma_start3A_894 = tpu.memref_slice %arg2[%mul3A_888] : memref<8912896xf32, #tpu.memory_space<hbm>> -> memref<8192xf32, #tpu.memory_space<hbm>>
        %dma_start3A_895 = tpu.memref_slice %arg7[%mul3A_892] : memref<32768xf32, #tpu.memory_space<vmem>> -> memref<8192xf32, #tpu.memory_space<vmem>>
        %dma_start3A_896 = tpu.memref_slice %arg2[%mul3A_888] : memref<8912896xf32, #tpu.memory_space<hbm>> -> memref<8192xf32, #tpu.memory_space<hbm>>
        tpu.enqueue_dma source(%dma_start3A_896 : memref<8192xf32, #tpu.memory_space<hbm>>) target(%dma_start3A_895 : memref<8192xf32, #tpu.memory_space<vmem>>) target_semaphore(%arg9 : memref<!tpu.dma_semaphore, #tpu.memory_space<semaphore_mem>>)
      } else {
      }
      %and3A_374 = arith.constant 16 : i32
      %and3A_375 = arith.andi %squeeze3A_306, %and3A_374 : i32
      %and3A_376 = arith.constant 8 : i32
      %and3A_377 = arith.andi %squeeze3A_306, %and3A_376 : i32
      %ne3A_378 = arith.constant 0 : i32
      %ne3A_379 = arith.cmpi ne, %and3A_377, %ne3A_378 : i32
      %convert_element_type3A_380 = arith.extui %ne3A_379 : i1 to i32
      %cond3A_381 = arith.constant 0 : i32
      %cond3A_382 = arith.cmpi ne, %convert_element_type3A_380, %cond3A_381 : i32
      scf.if %cond3A_382 {
        %add3A_886 = arith.addi %sub3A_313, %and3A_375 : i32
        %mul3A_887 = arith.constant 512 : i32
        %mul3A_888 = arith.muli %add3A_886, %mul3A_887 : i32
        %add3A_889 = arith.constant 16 : i32
        %add3A_890 = arith.addi %add3A_889, %and3A_375 : i32
        %mul3A_891 = arith.constant 512 : i32
        %mul3A_892 = arith.muli %add3A_890, %mul3A_891 : i32
        %dma_start3A_893 = tpu.memref_slice %arg7[%mul3A_892] : memref<32768xf32, #tpu.memory_space<vmem>> -> memref<4096xf32, #tpu.memory_space<vmem>>
        %dma_start3A_894 = tpu.memref_slice %arg2[%mul3A_888] : memref<8912896xf32, #tpu.memory_space<hbm>> -> memref<4096xf32, #tpu.memory_space<hbm>>
        %dma_start3A_895 = tpu.memref_slice %arg7[%mul3A_892] : memref<32768xf32, #tpu.memory_space<vmem>> -> memref<4096xf32, #tpu.memory_space<vmem>>
        %dma_start3A_896 = tpu.memref_slice %arg2[%mul3A_888] : memref<8912896xf32, #tpu.memory_space<hbm>> -> memref<4096xf32, #tpu.memory_space<hbm>>
        tpu.enqueue_dma source(%dma_start3A_896 : memref<4096xf32, #tpu.memory_space<hbm>>) target(%dma_start3A_895 : memref<4096xf32, #tpu.memory_space<vmem>>) target_semaphore(%arg9 : memref<!tpu.dma_semaphore, #tpu.memory_space<semaphore_mem>>)
      } else {
      }
      %and3A_383 = arith.constant 24 : i32
      %and3A_384 = arith.andi %squeeze3A_306, %and3A_383 : i32
      %and3A_385 = arith.constant 4 : i32
      %and3A_386 = arith.andi %squeeze3A_306, %and3A_385 : i32
      %ne3A_387 = arith.constant 0 : i32
      %ne3A_388 = arith.cmpi ne, %and3A_386, %ne3A_387 : i32
      %convert_element_type3A_389 = arith.extui %ne3A_388 : i1 to i32
      %cond3A_390 = arith.constant 0 : i32
      %cond3A_391 = arith.cmpi ne, %convert_element_type3A_389, %cond3A_390 : i32
      scf.if %cond3A_391 {
        %add3A_886 = arith.addi %sub3A_313, %and3A_384 : i32
        %mul3A_887 = arith.constant 512 : i32
        %mul3A_888 = arith.muli %add3A_886, %mul3A_887 : i32
        %add3A_889 = arith.constant 16 : i32
        %add3A_890 = arith.addi %add3A_889, %and3A_384 : i32
        %mul3A_891 = arith.constant 512 : i32
        %mul3A_892 = arith.muli %add3A_890, %mul3A_891 : i32
        %dma_start3A_893 = tpu.memref_slice %arg7[%mul3A_892] : memref<32768xf32, #tpu.memory_space<vmem>> -> memref<2048xf32, #tpu.memory_space<vmem>>
        %dma_start3A_894 = tpu.memref_slice %arg2[%mul3A_888] : memref<8912896xf32, #tpu.memory_space<hbm>> -> memref<2048xf32, #tpu.memory_space<hbm>>
        %dma_start3A_895 = tpu.memref_slice %arg7[%mul3A_892] : memref<32768xf32, #tpu.memory_space<vmem>> -> memref<2048xf32, #tpu.memory_space<vmem>>
        %dma_start3A_896 = tpu.memref_slice %arg2[%mul3A_888] : memref<8912896xf32, #tpu.memory_space<hbm>> -> memref<2048xf32, #tpu.memory_space<hbm>>
        tpu.enqueue_dma source(%dma_start3A_896 : memref<2048xf32, #tpu.memory_space<hbm>>) target(%dma_start3A_895 : memref<2048xf32, #tpu.memory_space<vmem>>) target_semaphore(%arg9 : memref<!tpu.dma_semaphore, #tpu.memory_space<semaphore_mem>>)
      } else {
      }
      %and3A_392 = arith.constant 28 : i32
      %and3A_393 = arith.andi %squeeze3A_306, %and3A_392 : i32
      %and3A_394 = arith.constant 2 : i32
      %and3A_395 = arith.andi %squeeze3A_306, %and3A_394 : i32
      %ne3A_396 = arith.constant 0 : i32
      %ne3A_397 = arith.cmpi ne, %and3A_395, %ne3A_396 : i32
      %convert_element_type3A_398 = arith.extui %ne3A_397 : i1 to i32
      %cond3A_399 = arith.constant 0 : i32
      %cond3A_400 = arith.cmpi ne, %convert_element_type3A_398, %cond3A_399 : i32
      scf.if %cond3A_400 {
        %add3A_886 = arith.addi %sub3A_313, %and3A_393 : i32
        %mul3A_887 = arith.constant 512 : i32
        %mul3A_888 = arith.muli %add3A_886, %mul3A_887 : i32
        %add3A_889 = arith.constant 16 : i32
        %add3A_890 = arith.addi %add3A_889, %and3A_393 : i32
        %mul3A_891 = arith.constant 512 : i32
        %mul3A_892 = arith.muli %add3A_890, %mul3A_891 : i32
        %dma_start3A_893 = tpu.memref_slice %arg7[%mul3A_892] : memref<32768xf32, #tpu.memory_space<vmem>> -> memref<1024xf32, #tpu.memory_space<vmem>>
        %dma_start3A_894 = tpu.memref_slice %arg2[%mul3A_888] : memref<8912896xf32, #tpu.memory_space<hbm>> -> memref<1024xf32, #tpu.memory_space<hbm>>
        %dma_start3A_895 = tpu.memref_slice %arg7[%mul3A_892] : memref<32768xf32, #tpu.memory_space<vmem>> -> memref<1024xf32, #tpu.memory_space<vmem>>
        %dma_start3A_896 = tpu.memref_slice %arg2[%mul3A_888] : memref<8912896xf32, #tpu.memory_space<hbm>> -> memref<1024xf32, #tpu.memory_space<hbm>>
        tpu.enqueue_dma source(%dma_start3A_896 : memref<1024xf32, #tpu.memory_space<hbm>>) target(%dma_start3A_895 : memref<1024xf32, #tpu.memory_space<vmem>>) target_semaphore(%arg9 : memref<!tpu.dma_semaphore, #tpu.memory_space<semaphore_mem>>)
      } else {
      }
      %and3A_401 = arith.constant 30 : i32
      %and3A_402 = arith.andi %squeeze3A_306, %and3A_401 : i32
      %and3A_403 = arith.constant 1 : i32
      %and3A_404 = arith.andi %squeeze3A_306, %and3A_403 : i32
      %ne3A_405 = arith.constant 0 : i32
      %ne3A_406 = arith.cmpi ne, %and3A_404, %ne3A_405 : i32
      %convert_element_type3A_407 = arith.extui %ne3A_406 : i1 to i32
      %cond3A_408 = arith.constant 0 : i32
      %cond3A_409 = arith.cmpi ne, %convert_element_type3A_407, %cond3A_408 : i32
      scf.if %cond3A_409 {
        %add3A_886 = arith.addi %sub3A_313, %and3A_402 : i32
        %mul3A_887 = arith.constant 512 : i32
        %mul3A_888 = arith.muli %add3A_886, %mul3A_887 : i32
        %add3A_889 = arith.constant 16 : i32
        %add3A_890 = arith.addi %add3A_889, %and3A_402 : i32
        %mul3A_891 = arith.constant 512 : i32
        %mul3A_892 = arith.muli %add3A_890, %mul3A_891 : i32
        %dma_start3A_893 = tpu.memref_slice %arg7[%mul3A_892] : memref<32768xf32, #tpu.memory_space<vmem>> -> memref<512xf32, #tpu.memory_space<vmem>>
        %dma_start3A_894 = tpu.memref_slice %arg2[%mul3A_888] : memref<8912896xf32, #tpu.memory_space<hbm>> -> memref<512xf32, #tpu.memory_space<hbm>>
        %dma_start3A_895 = tpu.memref_slice %arg7[%mul3A_892] : memref<32768xf32, #tpu.memory_space<vmem>> -> memref<512xf32, #tpu.memory_space<vmem>>
        %dma_start3A_896 = tpu.memref_slice %arg2[%mul3A_888] : memref<8912896xf32, #tpu.memory_space<hbm>> -> memref<512xf32, #tpu.memory_space<hbm>>
        tpu.enqueue_dma source(%dma_start3A_896 : memref<512xf32, #tpu.memory_space<hbm>>) target(%dma_start3A_895 : memref<512xf32, #tpu.memory_space<vmem>>) target_semaphore(%arg9 : memref<!tpu.dma_semaphore, #tpu.memory_space<semaphore_mem>>)
      } else {
      }
      %and3A_410 = arith.constant 0 : i32
      %and3A_411 = arith.andi %squeeze3A_308, %and3A_410 : i32
      %and3A_412 = arith.constant 16 : i32
      %and3A_413 = arith.andi %squeeze3A_308, %and3A_412 : i32
      %ne3A_414 = arith.constant 0 : i32
      %ne3A_415 = arith.cmpi ne, %and3A_413, %ne3A_414 : i32
      %convert_element_type3A_416 = arith.extui %ne3A_415 : i1 to i32
      %cond3A_417 = arith.constant 0 : i32
      %cond3A_418 = arith.cmpi ne, %convert_element_type3A_416, %cond3A_417 : i32
      scf.if %cond3A_418 {
        %add3A_886 = arith.addi %sub3A_312, %and3A_411 : i32
        %mul3A_887 = arith.constant 512 : i32
        %mul3A_888 = arith.muli %add3A_886, %mul3A_887 : i32
        %add3A_889 = arith.constant 32 : i32
        %add3A_890 = arith.addi %add3A_889, %and3A_411 : i32
        %mul3A_891 = arith.constant 512 : i32
        %mul3A_892 = arith.muli %add3A_890, %mul3A_891 : i32
        %dma_start3A_893 = tpu.memref_slice %arg7[%mul3A_892] : memref<32768xf32, #tpu.memory_space<vmem>> -> memref<8192xf32, #tpu.memory_space<vmem>>
        %dma_start3A_894 = tpu.memref_slice %arg2[%mul3A_888] : memref<8912896xf32, #tpu.memory_space<hbm>> -> memref<8192xf32, #tpu.memory_space<hbm>>
        %dma_start3A_895 = tpu.memref_slice %arg7[%mul3A_892] : memref<32768xf32, #tpu.memory_space<vmem>> -> memref<8192xf32, #tpu.memory_space<vmem>>
        %dma_start3A_896 = tpu.memref_slice %arg2[%mul3A_888] : memref<8912896xf32, #tpu.memory_space<hbm>> -> memref<8192xf32, #tpu.memory_space<hbm>>
        tpu.enqueue_dma source(%dma_start3A_896 : memref<8192xf32, #tpu.memory_space<hbm>>) target(%dma_start3A_895 : memref<8192xf32, #tpu.memory_space<vmem>>) target_semaphore(%arg9 : memref<!tpu.dma_semaphore, #tpu.memory_space<semaphore_mem>>)
      } else {
      }
      %and3A_419 = arith.constant 16 : i32
      %and3A_420 = arith.andi %squeeze3A_308, %and3A_419 : i32
      %and3A_421 = arith.constant 8 : i32
      %and3A_422 = arith.andi %squeeze3A_308, %and3A_421 : i32
      %ne3A_423 = arith.constant 0 : i32
      %ne3A_424 = arith.cmpi ne, %and3A_422, %ne3A_423 : i32
      %convert_element_type3A_425 = arith.extui %ne3A_424 : i1 to i32
      %cond3A_426 = arith.constant 0 : i32
      %cond3A_427 = arith.cmpi ne, %convert_element_type3A_425, %cond3A_426 : i32
      scf.if %cond3A_427 {
        %add3A_886 = arith.addi %sub3A_312, %and3A_420 : i32
        %mul3A_887 = arith.constant 512 : i32
        %mul3A_888 = arith.muli %add3A_886, %mul3A_887 : i32
        %add3A_889 = arith.constant 32 : i32
        %add3A_890 = arith.addi %add3A_889, %and3A_420 : i32
        %mul3A_891 = arith.constant 512 : i32
        %mul3A_892 = arith.muli %add3A_890, %mul3A_891 : i32
        %dma_start3A_893 = tpu.memref_slice %arg7[%mul3A_892] : memref<32768xf32, #tpu.memory_space<vmem>> -> memref<4096xf32, #tpu.memory_space<vmem>>
        %dma_start3A_894 = tpu.memref_slice %arg2[%mul3A_888] : memref<8912896xf32, #tpu.memory_space<hbm>> -> memref<4096xf32, #tpu.memory_space<hbm>>
        %dma_start3A_895 = tpu.memref_slice %arg7[%mul3A_892] : memref<32768xf32, #tpu.memory_space<vmem>> -> memref<4096xf32, #tpu.memory_space<vmem>>
        %dma_start3A_896 = tpu.memref_slice %arg2[%mul3A_888] : memref<8912896xf32, #tpu.memory_space<hbm>> -> memref<4096xf32, #tpu.memory_space<hbm>>
        tpu.enqueue_dma source(%dma_start3A_896 : memref<4096xf32, #tpu.memory_space<hbm>>) target(%dma_start3A_895 : memref<4096xf32, #tpu.memory_space<vmem>>) target_semaphore(%arg9 : memref<!tpu.dma_semaphore, #tpu.memory_space<semaphore_mem>>)
      } else {
      }
      %and3A_428 = arith.constant 24 : i32
      %and3A_429 = arith.andi %squeeze3A_308, %and3A_428 : i32
      %and3A_430 = arith.constant 4 : i32
      %and3A_431 = arith.andi %squeeze3A_308, %and3A_430 : i32
      %ne3A_432 = arith.constant 0 : i32
      %ne3A_433 = arith.cmpi ne, %and3A_431, %ne3A_432 : i32
      %convert_element_type3A_434 = arith.extui %ne3A_433 : i1 to i32
      %cond3A_435 = arith.constant 0 : i32
      %cond3A_436 = arith.cmpi ne, %convert_element_type3A_434, %cond3A_435 : i32
      scf.if %cond3A_436 {
        %add3A_886 = arith.addi %sub3A_312, %and3A_429 : i32
        %mul3A_887 = arith.constant 512 : i32
        %mul3A_888 = arith.muli %add3A_886, %mul3A_887 : i32
        %add3A_889 = arith.constant 32 : i32
        %add3A_890 = arith.addi %add3A_889, %and3A_429 : i32
        %mul3A_891 = arith.constant 512 : i32
        %mul3A_892 = arith.muli %add3A_890, %mul3A_891 : i32
        %dma_start3A_893 = tpu.memref_slice %arg7[%mul3A_892] : memref<32768xf32, #tpu.memory_space<vmem>> -> memref<2048xf32, #tpu.memory_space<vmem>>
        %dma_start3A_894 = tpu.memref_slice %arg2[%mul3A_888] : memref<8912896xf32, #tpu.memory_space<hbm>> -> memref<2048xf32, #tpu.memory_space<hbm>>
        %dma_start3A_895 = tpu.memref_slice %arg7[%mul3A_892] : memref<32768xf32, #tpu.memory_space<vmem>> -> memref<2048xf32, #tpu.memory_space<vmem>>
        %dma_start3A_896 = tpu.memref_slice %arg2[%mul3A_888] : memref<8912896xf32, #tpu.memory_space<hbm>> -> memref<2048xf32, #tpu.memory_space<hbm>>
        tpu.enqueue_dma source(%dma_start3A_896 : memref<2048xf32, #tpu.memory_space<hbm>>) target(%dma_start3A_895 : memref<2048xf32, #tpu.memory_space<vmem>>) target_semaphore(%arg9 : memref<!tpu.dma_semaphore, #tpu.memory_space<semaphore_mem>>)
      } else {
      }
      %and3A_437 = arith.constant 28 : i32
      %and3A_438 = arith.andi %squeeze3A_308, %and3A_437 : i32
      %and3A_439 = arith.constant 2 : i32
      %and3A_440 = arith.andi %squeeze3A_308, %and3A_439 : i32
      %ne3A_441 = arith.constant 0 : i32
      %ne3A_442 = arith.cmpi ne, %and3A_440, %ne3A_441 : i32
      %convert_element_type3A_443 = arith.extui %ne3A_442 : i1 to i32
      %cond3A_444 = arith.constant 0 : i32
      %cond3A_445 = arith.cmpi ne, %convert_element_type3A_443, %cond3A_444 : i32
      scf.if %cond3A_445 {
        %add3A_886 = arith.addi %sub3A_312, %and3A_438 : i32
        %mul3A_887 = arith.constant 512 : i32
        %mul3A_888 = arith.muli %add3A_886, %mul3A_887 : i32
        %add3A_889 = arith.constant 32 : i32
        %add3A_890 = arith.addi %add3A_889, %and3A_438 : i32
        %mul3A_891 = arith.constant 512 : i32
        %mul3A_892 = arith.muli %add3A_890, %mul3A_891 : i32
        %dma_start3A_893 = tpu.memref_slice %arg7[%mul3A_892] : memref<32768xf32, #tpu.memory_space<vmem>> -> memref<1024xf32, #tpu.memory_space<vmem>>
        %dma_start3A_894 = tpu.memref_slice %arg2[%mul3A_888] : memref<8912896xf32, #tpu.memory_space<hbm>> -> memref<1024xf32, #tpu.memory_space<hbm>>
        %dma_start3A_895 = tpu.memref_slice %arg7[%mul3A_892] : memref<32768xf32, #tpu.memory_space<vmem>> -> memref<1024xf32, #tpu.memory_space<vmem>>
        %dma_start3A_896 = tpu.memref_slice %arg2[%mul3A_888] : memref<8912896xf32, #tpu.memory_space<hbm>> -> memref<1024xf32, #tpu.memory_space<hbm>>
        tpu.enqueue_dma source(%dma_start3A_896 : memref<1024xf32, #tpu.memory_space<hbm>>) target(%dma_start3A_895 : memref<1024xf32, #tpu.memory_space<vmem>>) target_semaphore(%arg9 : memref<!tpu.dma_semaphore, #tpu.memory_space<semaphore_mem>>)
      } else {
      }
      %and3A_446 = arith.constant 30 : i32
      %and3A_447 = arith.andi %squeeze3A_308, %and3A_446 : i32
      %and3A_448 = arith.constant 1 : i32
      %and3A_449 = arith.andi %squeeze3A_308, %and3A_448 : i32
      %ne3A_450 = arith.constant 0 : i32
      %ne3A_451 = arith.cmpi ne, %and3A_449, %ne3A_450 : i32
      %convert_element_type3A_452 = arith.extui %ne3A_451 : i1 to i32
      %cond3A_453 = arith.constant 0 : i32
      %cond3A_454 = arith.cmpi ne, %convert_element_type3A_452, %cond3A_453 : i32
      scf.if %cond3A_454 {
        %add3A_886 = arith.addi %sub3A_312, %and3A_447 : i32
        %mul3A_887 = arith.constant 512 : i32
        %mul3A_888 = arith.muli %add3A_886, %mul3A_887 : i32
        %add3A_889 = arith.constant 32 : i32
        %add3A_890 = arith.addi %add3A_889, %and3A_447 : i32
        %mul3A_891 = arith.constant 512 : i32
        %mul3A_892 = arith.muli %add3A_890, %mul3A_891 : i32
        %dma_start3A_893 = tpu.memref_slice %arg7[%mul3A_892] : memref<32768xf32, #tpu.memory_space<vmem>> -> memref<512xf32, #tpu.memory_space<vmem>>
        %dma_start3A_894 = tpu.memref_slice %arg2[%mul3A_888] : memref<8912896xf32, #tpu.memory_space<hbm>> -> memref<512xf32, #tpu.memory_space<hbm>>
        %dma_start3A_895 = tpu.memref_slice %arg7[%mul3A_892] : memref<32768xf32, #tpu.memory_space<vmem>> -> memref<512xf32, #tpu.memory_space<vmem>>
        %dma_start3A_896 = tpu.memref_slice %arg2[%mul3A_888] : memref<8912896xf32, #tpu.memory_space<hbm>> -> memref<512xf32, #tpu.memory_space<hbm>>
        tpu.enqueue_dma source(%dma_start3A_896 : memref<512xf32, #tpu.memory_space<hbm>>) target(%dma_start3A_895 : memref<512xf32, #tpu.memory_space<vmem>>) target_semaphore(%arg9 : memref<!tpu.dma_semaphore, #tpu.memory_space<semaphore_mem>>)
      } else {
      }
      %and3A_455 = arith.constant 0 : i32
      %and3A_456 = arith.andi %squeeze3A_310, %and3A_455 : i32
      %and3A_457 = arith.constant 16 : i32
      %and3A_458 = arith.andi %squeeze3A_310, %and3A_457 : i32
      %ne3A_459 = arith.constant 0 : i32
      %ne3A_460 = arith.cmpi ne, %and3A_458, %ne3A_459 : i32
      %convert_element_type3A_461 = arith.extui %ne3A_460 : i1 to i32
      %cond3A_462 = arith.constant 0 : i32
      %cond3A_463 = arith.cmpi ne, %convert_element_type3A_461, %cond3A_462 : i32
      scf.if %cond3A_463 {
        %add3A_886 = arith.addi %sub3A_311, %and3A_456 : i32
        %mul3A_887 = arith.constant 512 : i32
        %mul3A_888 = arith.muli %add3A_886, %mul3A_887 : i32
        %add3A_889 = arith.constant 48 : i32
        %add3A_890 = arith.addi %add3A_889, %and3A_456 : i32
        %mul3A_891 = arith.constant 512 : i32
        %mul3A_892 = arith.muli %add3A_890, %mul3A_891 : i32
        %dma_start3A_893 = tpu.memref_slice %arg7[%mul3A_892] : memref<32768xf32, #tpu.memory_space<vmem>> -> memref<8192xf32, #tpu.memory_space<vmem>>
        %dma_start3A_894 = tpu.memref_slice %arg2[%mul3A_888] : memref<8912896xf32, #tpu.memory_space<hbm>> -> memref<8192xf32, #tpu.memory_space<hbm>>
        %dma_start3A_895 = tpu.memref_slice %arg7[%mul3A_892] : memref<32768xf32, #tpu.memory_space<vmem>> -> memref<8192xf32, #tpu.memory_space<vmem>>
        %dma_start3A_896 = tpu.memref_slice %arg2[%mul3A_888] : memref<8912896xf32, #tpu.memory_space<hbm>> -> memref<8192xf32, #tpu.memory_space<hbm>>
        tpu.enqueue_dma source(%dma_start3A_896 : memref<8192xf32, #tpu.memory_space<hbm>>) target(%dma_start3A_895 : memref<8192xf32, #tpu.memory_space<vmem>>) target_semaphore(%arg9 : memref<!tpu.dma_semaphore, #tpu.memory_space<semaphore_mem>>)
      } else {
      }
      %and3A_464 = arith.constant 16 : i32
      %and3A_465 = arith.andi %squeeze3A_310, %and3A_464 : i32
      %and3A_466 = arith.constant 8 : i32
      %and3A_467 = arith.andi %squeeze3A_310, %and3A_466 : i32
      %ne3A_468 = arith.constant 0 : i32
      %ne3A_469 = arith.cmpi ne, %and3A_467, %ne3A_468 : i32
      %convert_element_type3A_470 = arith.extui %ne3A_469 : i1 to i32
      %cond3A_471 = arith.constant 0 : i32
      %cond3A_472 = arith.cmpi ne, %convert_element_type3A_470, %cond3A_471 : i32
      scf.if %cond3A_472 {
        %add3A_886 = arith.addi %sub3A_311, %and3A_465 : i32
        %mul3A_887 = arith.constant 512 : i32
        %mul3A_888 = arith.muli %add3A_886, %mul3A_887 : i32
        %add3A_889 = arith.constant 48 : i32
        %add3A_890 = arith.addi %add3A_889, %and3A_465 : i32
        %mul3A_891 = arith.constant 512 : i32
        %mul3A_892 = arith.muli %add3A_890, %mul3A_891 : i32
        %dma_start3A_893 = tpu.memref_slice %arg7[%mul3A_892] : memref<32768xf32, #tpu.memory_space<vmem>> -> memref<4096xf32, #tpu.memory_space<vmem>>
        %dma_start3A_894 = tpu.memref_slice %arg2[%mul3A_888] : memref<8912896xf32, #tpu.memory_space<hbm>> -> memref<4096xf32, #tpu.memory_space<hbm>>
        %dma_start3A_895 = tpu.memref_slice %arg7[%mul3A_892] : memref<32768xf32, #tpu.memory_space<vmem>> -> memref<4096xf32, #tpu.memory_space<vmem>>
        %dma_start3A_896 = tpu.memref_slice %arg2[%mul3A_888] : memref<8912896xf32, #tpu.memory_space<hbm>> -> memref<4096xf32, #tpu.memory_space<hbm>>
        tpu.enqueue_dma source(%dma_start3A_896 : memref<4096xf32, #tpu.memory_space<hbm>>) target(%dma_start3A_895 : memref<4096xf32, #tpu.memory_space<vmem>>) target_semaphore(%arg9 : memref<!tpu.dma_semaphore, #tpu.memory_space<semaphore_mem>>)
      } else {
      }
      %and3A_473 = arith.constant 24 : i32
      %and3A_474 = arith.andi %squeeze3A_310, %and3A_473 : i32
      %and3A_475 = arith.constant 4 : i32
      %and3A_476 = arith.andi %squeeze3A_310, %and3A_475 : i32
      %ne3A_477 = arith.constant 0 : i32
      %ne3A_478 = arith.cmpi ne, %and3A_476, %ne3A_477 : i32
      %convert_element_type3A_479 = arith.extui %ne3A_478 : i1 to i32
      %cond3A_480 = arith.constant 0 : i32
      %cond3A_481 = arith.cmpi ne, %convert_element_type3A_479, %cond3A_480 : i32
      scf.if %cond3A_481 {
        %add3A_886 = arith.addi %sub3A_311, %and3A_474 : i32
        %mul3A_887 = arith.constant 512 : i32
        %mul3A_888 = arith.muli %add3A_886, %mul3A_887 : i32
        %add3A_889 = arith.constant 48 : i32
        %add3A_890 = arith.addi %add3A_889, %and3A_474 : i32
        %mul3A_891 = arith.constant 512 : i32
        %mul3A_892 = arith.muli %add3A_890, %mul3A_891 : i32
        %dma_start3A_893 = tpu.memref_slice %arg7[%mul3A_892] : memref<32768xf32, #tpu.memory_space<vmem>> -> memref<2048xf32, #tpu.memory_space<vmem>>
        %dma_start3A_894 = tpu.memref_slice %arg2[%mul3A_888] : memref<8912896xf32, #tpu.memory_space<hbm>> -> memref<2048xf32, #tpu.memory_space<hbm>>
        %dma_start3A_895 = tpu.memref_slice %arg7[%mul3A_892] : memref<32768xf32, #tpu.memory_space<vmem>> -> memref<2048xf32, #tpu.memory_space<vmem>>
        %dma_start3A_896 = tpu.memref_slice %arg2[%mul3A_888] : memref<8912896xf32, #tpu.memory_space<hbm>> -> memref<2048xf32, #tpu.memory_space<hbm>>
        tpu.enqueue_dma source(%dma_start3A_896 : memref<2048xf32, #tpu.memory_space<hbm>>) target(%dma_start3A_895 : memref<2048xf32, #tpu.memory_space<vmem>>) target_semaphore(%arg9 : memref<!tpu.dma_semaphore, #tpu.memory_space<semaphore_mem>>)
      } else {
      }
      %and3A_482 = arith.constant 28 : i32
      %and3A_483 = arith.andi %squeeze3A_310, %and3A_482 : i32
      %and3A_484 = arith.constant 2 : i32
      %and3A_485 = arith.andi %squeeze3A_310, %and3A_484 : i32
      %ne3A_486 = arith.constant 0 : i32
      %ne3A_487 = arith.cmpi ne, %and3A_485, %ne3A_486 : i32
      %convert_element_type3A_488 = arith.extui %ne3A_487 : i1 to i32
      %cond3A_489 = arith.constant 0 : i32
      %cond3A_490 = arith.cmpi ne, %convert_element_type3A_488, %cond3A_489 : i32
      scf.if %cond3A_490 {
        %add3A_886 = arith.addi %sub3A_311, %and3A_483 : i32
        %mul3A_887 = arith.constant 512 : i32
        %mul3A_888 = arith.muli %add3A_886, %mul3A_887 : i32
        %add3A_889 = arith.constant 48 : i32
        %add3A_890 = arith.addi %add3A_889, %and3A_483 : i32
        %mul3A_891 = arith.constant 512 : i32
        %mul3A_892 = arith.muli %add3A_890, %mul3A_891 : i32
        %dma_start3A_893 = tpu.memref_slice %arg7[%mul3A_892] : memref<32768xf32, #tpu.memory_space<vmem>> -> memref<1024xf32, #tpu.memory_space<vmem>>
        %dma_start3A_894 = tpu.memref_slice %arg2[%mul3A_888] : memref<8912896xf32, #tpu.memory_space<hbm>> -> memref<1024xf32, #tpu.memory_space<hbm>>
        %dma_start3A_895 = tpu.memref_slice %arg7[%mul3A_892] : memref<32768xf32, #tpu.memory_space<vmem>> -> memref<1024xf32, #tpu.memory_space<vmem>>
        %dma_start3A_896 = tpu.memref_slice %arg2[%mul3A_888] : memref<8912896xf32, #tpu.memory_space<hbm>> -> memref<1024xf32, #tpu.memory_space<hbm>>
        tpu.enqueue_dma source(%dma_start3A_896 : memref<1024xf32, #tpu.memory_space<hbm>>) target(%dma_start3A_895 : memref<1024xf32, #tpu.memory_space<vmem>>) target_semaphore(%arg9 : memref<!tpu.dma_semaphore, #tpu.memory_space<semaphore_mem>>)
      } else {
      }
      %and3A_491 = arith.constant 30 : i32
      %and3A_492 = arith.andi %squeeze3A_310, %and3A_491 : i32
      %and3A_493 = arith.constant 1 : i32
      %and3A_494 = arith.andi %squeeze3A_310, %and3A_493 : i32
      %ne3A_495 = arith.constant 0 : i32
      %ne3A_496 = arith.cmpi ne, %and3A_494, %ne3A_495 : i32
      %convert_element_type3A_497 = arith.extui %ne3A_496 : i1 to i32
      %cond3A_498 = arith.constant 0 : i32
      %cond3A_499 = arith.cmpi ne, %convert_element_type3A_497, %cond3A_498 : i32
      scf.if %cond3A_499 {
        %add3A_886 = arith.addi %sub3A_311, %and3A_492 : i32
        %mul3A_887 = arith.constant 512 : i32
        %mul3A_888 = arith.muli %add3A_886, %mul3A_887 : i32
        %add3A_889 = arith.constant 48 : i32
        %add3A_890 = arith.addi %add3A_889, %and3A_492 : i32
        %mul3A_891 = arith.constant 512 : i32
        %mul3A_892 = arith.muli %add3A_890, %mul3A_891 : i32
        %dma_start3A_893 = tpu.memref_slice %arg7[%mul3A_892] : memref<32768xf32, #tpu.memory_space<vmem>> -> memref<512xf32, #tpu.memory_space<vmem>>
        %dma_start3A_894 = tpu.memref_slice %arg2[%mul3A_888] : memref<8912896xf32, #tpu.memory_space<hbm>> -> memref<512xf32, #tpu.memory_space<hbm>>
        %dma_start3A_895 = tpu.memref_slice %arg7[%mul3A_892] : memref<32768xf32, #tpu.memory_space<vmem>> -> memref<512xf32, #tpu.memory_space<vmem>>
        %dma_start3A_896 = tpu.memref_slice %arg2[%mul3A_888] : memref<8912896xf32, #tpu.memory_space<hbm>> -> memref<512xf32, #tpu.memory_space<hbm>>
        tpu.enqueue_dma source(%dma_start3A_896 : memref<512xf32, #tpu.memory_space<hbm>>) target(%dma_start3A_895 : memref<512xf32, #tpu.memory_space<vmem>>) target_semaphore(%arg9 : memref<!tpu.dma_semaphore, #tpu.memory_space<semaphore_mem>>)
      } else {
      }
      %and3A_500 = arith.constant 0 : i32
      %and3A_501 = arith.andi %squeeze3A, %and3A_500 : i32
      %and3A_502 = arith.constant 16 : i32
      %and3A_503 = arith.andi %squeeze3A, %and3A_502 : i32
      %ne3A_504 = arith.constant 0 : i32
      %ne3A_505 = arith.cmpi ne, %and3A_503, %ne3A_504 : i32
      %convert_element_type3A_506 = arith.extui %ne3A_505 : i1 to i32
      %cond3A_507 = arith.constant 0 : i32
      %cond3A_508 = arith.cmpi ne, %convert_element_type3A_506, %cond3A_507 : i32
      scf.if %cond3A_508 {
        %add3A_886 = arith.constant 0 : i32
        %add3A_887 = arith.addi %add3A_886, %and3A_501 : i32
        %mul3A_888 = arith.constant 512 : i32
        %mul3A_889 = arith.muli %add3A_887, %mul3A_888 : i32
        %dma_wait3A_890 = tpu.memref_slice %arg8[%mul3A_889] : memref<32768xf32, #tpu.memory_space<vmem>> -> memref<8192xf32, #tpu.memory_space<vmem>>
        %dma_wait3A_891 = arith.constant 0 : i32
        %dma_wait3A_892 = tpu.memref_slice %arg2[%dma_wait3A_891] : memref<8912896xf32, #tpu.memory_space<hbm>> -> memref<8192xf32, #tpu.memory_space<hbm>>
        %dma_wait3A_893 = tpu.memref_slice %arg8[%mul3A_889] : memref<32768xf32, #tpu.memory_space<vmem>> -> memref<8192xf32, #tpu.memory_space<vmem>>
        %dma_wait3A_894 = arith.constant 0 : i32
        %dma_wait3A_895 = tpu.memref_slice %arg2[%dma_wait3A_894] : memref<8912896xf32, #tpu.memory_space<hbm>> -> memref<8192xf32, #tpu.memory_space<hbm>>
        tpu.wait_dma2 semaphore(%arg10 : memref<!tpu.dma_semaphore, #tpu.memory_space<semaphore_mem>>) src(%dma_wait3A_895 : memref<8192xf32, #tpu.memory_space<hbm>>) dst(%dma_wait3A_893 : memref<8192xf32, #tpu.memory_space<vmem>>)
      } else {
      }
      %and3A_509 = arith.constant 16 : i32
      %and3A_510 = arith.andi %squeeze3A, %and3A_509 : i32
      %and3A_511 = arith.constant 8 : i32
      %and3A_512 = arith.andi %squeeze3A, %and3A_511 : i32
      %ne3A_513 = arith.constant 0 : i32
      %ne3A_514 = arith.cmpi ne, %and3A_512, %ne3A_513 : i32
      %convert_element_type3A_515 = arith.extui %ne3A_514 : i1 to i32
      %cond3A_516 = arith.constant 0 : i32
      %cond3A_517 = arith.cmpi ne, %convert_element_type3A_515, %cond3A_516 : i32
      scf.if %cond3A_517 {
        %add3A_886 = arith.constant 0 : i32
        %add3A_887 = arith.addi %add3A_886, %and3A_510 : i32
        %mul3A_888 = arith.constant 512 : i32
        %mul3A_889 = arith.muli %add3A_887, %mul3A_888 : i32
        %dma_wait3A_890 = tpu.memref_slice %arg8[%mul3A_889] : memref<32768xf32, #tpu.memory_space<vmem>> -> memref<4096xf32, #tpu.memory_space<vmem>>
        %dma_wait3A_891 = arith.constant 0 : i32
        %dma_wait3A_892 = tpu.memref_slice %arg2[%dma_wait3A_891] : memref<8912896xf32, #tpu.memory_space<hbm>> -> memref<4096xf32, #tpu.memory_space<hbm>>
        %dma_wait3A_893 = tpu.memref_slice %arg8[%mul3A_889] : memref<32768xf32, #tpu.memory_space<vmem>> -> memref<4096xf32, #tpu.memory_space<vmem>>
        %dma_wait3A_894 = arith.constant 0 : i32
        %dma_wait3A_895 = tpu.memref_slice %arg2[%dma_wait3A_894] : memref<8912896xf32, #tpu.memory_space<hbm>> -> memref<4096xf32, #tpu.memory_space<hbm>>
        tpu.wait_dma2 semaphore(%arg10 : memref<!tpu.dma_semaphore, #tpu.memory_space<semaphore_mem>>) src(%dma_wait3A_895 : memref<4096xf32, #tpu.memory_space<hbm>>) dst(%dma_wait3A_893 : memref<4096xf32, #tpu.memory_space<vmem>>)
      } else {
      }
      %and3A_518 = arith.constant 24 : i32
      %and3A_519 = arith.andi %squeeze3A, %and3A_518 : i32
      %and3A_520 = arith.constant 4 : i32
      %and3A_521 = arith.andi %squeeze3A, %and3A_520 : i32
      %ne3A_522 = arith.constant 0 : i32
      %ne3A_523 = arith.cmpi ne, %and3A_521, %ne3A_522 : i32
      %convert_element_type3A_524 = arith.extui %ne3A_523 : i1 to i32
      %cond3A_525 = arith.constant 0 : i32
      %cond3A_526 = arith.cmpi ne, %convert_element_type3A_524, %cond3A_525 : i32
      scf.if %cond3A_526 {
        %add3A_886 = arith.constant 0 : i32
        %add3A_887 = arith.addi %add3A_886, %and3A_519 : i32
        %mul3A_888 = arith.constant 512 : i32
        %mul3A_889 = arith.muli %add3A_887, %mul3A_888 : i32
        %dma_wait3A_890 = tpu.memref_slice %arg8[%mul3A_889] : memref<32768xf32, #tpu.memory_space<vmem>> -> memref<2048xf32, #tpu.memory_space<vmem>>
        %dma_wait3A_891 = arith.constant 0 : i32
        %dma_wait3A_892 = tpu.memref_slice %arg2[%dma_wait3A_891] : memref<8912896xf32, #tpu.memory_space<hbm>> -> memref<2048xf32, #tpu.memory_space<hbm>>
        %dma_wait3A_893 = tpu.memref_slice %arg8[%mul3A_889] : memref<32768xf32, #tpu.memory_space<vmem>> -> memref<2048xf32, #tpu.memory_space<vmem>>
        %dma_wait3A_894 = arith.constant 0 : i32
        %dma_wait3A_895 = tpu.memref_slice %arg2[%dma_wait3A_894] : memref<8912896xf32, #tpu.memory_space<hbm>> -> memref<2048xf32, #tpu.memory_space<hbm>>
        tpu.wait_dma2 semaphore(%arg10 : memref<!tpu.dma_semaphore, #tpu.memory_space<semaphore_mem>>) src(%dma_wait3A_895 : memref<2048xf32, #tpu.memory_space<hbm>>) dst(%dma_wait3A_893 : memref<2048xf32, #tpu.memory_space<vmem>>)
      } else {
      }
      %and3A_527 = arith.constant 28 : i32
      %and3A_528 = arith.andi %squeeze3A, %and3A_527 : i32
      %and3A_529 = arith.constant 2 : i32
      %and3A_530 = arith.andi %squeeze3A, %and3A_529 : i32
      %ne3A_531 = arith.constant 0 : i32
      %ne3A_532 = arith.cmpi ne, %and3A_530, %ne3A_531 : i32
      %convert_element_type3A_533 = arith.extui %ne3A_532 : i1 to i32
      %cond3A_534 = arith.constant 0 : i32
      %cond3A_535 = arith.cmpi ne, %convert_element_type3A_533, %cond3A_534 : i32
      scf.if %cond3A_535 {
        %add3A_886 = arith.constant 0 : i32
        %add3A_887 = arith.addi %add3A_886, %and3A_528 : i32
        %mul3A_888 = arith.constant 512 : i32
        %mul3A_889 = arith.muli %add3A_887, %mul3A_888 : i32
        %dma_wait3A_890 = tpu.memref_slice %arg8[%mul3A_889] : memref<32768xf32, #tpu.memory_space<vmem>> -> memref<1024xf32, #tpu.memory_space<vmem>>
        %dma_wait3A_891 = arith.constant 0 : i32
        %dma_wait3A_892 = tpu.memref_slice %arg2[%dma_wait3A_891] : memref<8912896xf32, #tpu.memory_space<hbm>> -> memref<1024xf32, #tpu.memory_space<hbm>>
        %dma_wait3A_893 = tpu.memref_slice %arg8[%mul3A_889] : memref<32768xf32, #tpu.memory_space<vmem>> -> memref<1024xf32, #tpu.memory_space<vmem>>
        %dma_wait3A_894 = arith.constant 0 : i32
        %dma_wait3A_895 = tpu.memref_slice %arg2[%dma_wait3A_894] : memref<8912896xf32, #tpu.memory_space<hbm>> -> memref<1024xf32, #tpu.memory_space<hbm>>
        tpu.wait_dma2 semaphore(%arg10 : memref<!tpu.dma_semaphore, #tpu.memory_space<semaphore_mem>>) src(%dma_wait3A_895 : memref<1024xf32, #tpu.memory_space<hbm>>) dst(%dma_wait3A_893 : memref<1024xf32, #tpu.memory_space<vmem>>)
      } else {
      }
      %and3A_536 = arith.constant 30 : i32
      %and3A_537 = arith.andi %squeeze3A, %and3A_536 : i32
      %and3A_538 = arith.constant 1 : i32
      %and3A_539 = arith.andi %squeeze3A, %and3A_538 : i32
      %ne3A_540 = arith.constant 0 : i32
      %ne3A_541 = arith.cmpi ne, %and3A_539, %ne3A_540 : i32
      %convert_element_type3A_542 = arith.extui %ne3A_541 : i1 to i32
      %cond3A_543 = arith.constant 0 : i32
      %cond3A_544 = arith.cmpi ne, %convert_element_type3A_542, %cond3A_543 : i32
      scf.if %cond3A_544 {
        %add3A_886 = arith.constant 0 : i32
        %add3A_887 = arith.addi %add3A_886, %and3A_537 : i32
        %mul3A_888 = arith.constant 512 : i32
        %mul3A_889 = arith.muli %add3A_887, %mul3A_888 : i32
        %dma_wait3A_890 = tpu.memref_slice %arg8[%mul3A_889] : memref<32768xf32, #tpu.memory_space<vmem>> -> memref<512xf32, #tpu.memory_space<vmem>>
        %dma_wait3A_891 = arith.constant 0 : i32
        %dma_wait3A_892 = tpu.memref_slice %arg2[%dma_wait3A_891] : memref<8912896xf32, #tpu.memory_space<hbm>> -> memref<512xf32, #tpu.memory_space<hbm>>
        %dma_wait3A_893 = tpu.memref_slice %arg8[%mul3A_889] : memref<32768xf32, #tpu.memory_space<vmem>> -> memref<512xf32, #tpu.memory_space<vmem>>
        %dma_wait3A_894 = arith.constant 0 : i32
        %dma_wait3A_895 = tpu.memref_slice %arg2[%dma_wait3A_894] : memref<8912896xf32, #tpu.memory_space<hbm>> -> memref<512xf32, #tpu.memory_space<hbm>>
        tpu.wait_dma2 semaphore(%arg10 : memref<!tpu.dma_semaphore, #tpu.memory_space<semaphore_mem>>) src(%dma_wait3A_895 : memref<512xf32, #tpu.memory_space<hbm>>) dst(%dma_wait3A_893 : memref<512xf32, #tpu.memory_space<vmem>>)
      } else {
      }
      %and3A_545 = arith.constant 0 : i32
      %and3A_546 = arith.andi %squeeze3A_90, %and3A_545 : i32
      %and3A_547 = arith.constant 16 : i32
      %and3A_548 = arith.andi %squeeze3A_90, %and3A_547 : i32
      %ne3A_549 = arith.constant 0 : i32
      %ne3A_550 = arith.cmpi ne, %and3A_548, %ne3A_549 : i32
      %convert_element_type3A_551 = arith.extui %ne3A_550 : i1 to i32
      %cond3A_552 = arith.constant 0 : i32
      %cond3A_553 = arith.cmpi ne, %convert_element_type3A_551, %cond3A_552 : i32
      scf.if %cond3A_553 {
        %add3A_886 = arith.constant 16 : i32
        %add3A_887 = arith.addi %add3A_886, %and3A_546 : i32
        %mul3A_888 = arith.constant 512 : i32
        %mul3A_889 = arith.muli %add3A_887, %mul3A_888 : i32
        %dma_wait3A_890 = tpu.memref_slice %arg8[%mul3A_889] : memref<32768xf32, #tpu.memory_space<vmem>> -> memref<8192xf32, #tpu.memory_space<vmem>>
        %dma_wait3A_891 = arith.constant 0 : i32
        %dma_wait3A_892 = tpu.memref_slice %arg2[%dma_wait3A_891] : memref<8912896xf32, #tpu.memory_space<hbm>> -> memref<8192xf32, #tpu.memory_space<hbm>>
        %dma_wait3A_893 = tpu.memref_slice %arg8[%mul3A_889] : memref<32768xf32, #tpu.memory_space<vmem>> -> memref<8192xf32, #tpu.memory_space<vmem>>
        %dma_wait3A_894 = arith.constant 0 : i32
        %dma_wait3A_895 = tpu.memref_slice %arg2[%dma_wait3A_894] : memref<8912896xf32, #tpu.memory_space<hbm>> -> memref<8192xf32, #tpu.memory_space<hbm>>
        tpu.wait_dma2 semaphore(%arg10 : memref<!tpu.dma_semaphore, #tpu.memory_space<semaphore_mem>>) src(%dma_wait3A_895 : memref<8192xf32, #tpu.memory_space<hbm>>) dst(%dma_wait3A_893 : memref<8192xf32, #tpu.memory_space<vmem>>)
      } else {
      }
      %and3A_554 = arith.constant 16 : i32
      %and3A_555 = arith.andi %squeeze3A_90, %and3A_554 : i32
      %and3A_556 = arith.constant 8 : i32
      %and3A_557 = arith.andi %squeeze3A_90, %and3A_556 : i32
      %ne3A_558 = arith.constant 0 : i32
      %ne3A_559 = arith.cmpi ne, %and3A_557, %ne3A_558 : i32
      %convert_element_type3A_560 = arith.extui %ne3A_559 : i1 to i32
      %cond3A_561 = arith.constant 0 : i32
      %cond3A_562 = arith.cmpi ne, %convert_element_type3A_560, %cond3A_561 : i32
      scf.if %cond3A_562 {
        %add3A_886 = arith.constant 16 : i32
        %add3A_887 = arith.addi %add3A_886, %and3A_555 : i32
        %mul3A_888 = arith.constant 512 : i32
        %mul3A_889 = arith.muli %add3A_887, %mul3A_888 : i32
        %dma_wait3A_890 = tpu.memref_slice %arg8[%mul3A_889] : memref<32768xf32, #tpu.memory_space<vmem>> -> memref<4096xf32, #tpu.memory_space<vmem>>
        %dma_wait3A_891 = arith.constant 0 : i32
        %dma_wait3A_892 = tpu.memref_slice %arg2[%dma_wait3A_891] : memref<8912896xf32, #tpu.memory_space<hbm>> -> memref<4096xf32, #tpu.memory_space<hbm>>
        %dma_wait3A_893 = tpu.memref_slice %arg8[%mul3A_889] : memref<32768xf32, #tpu.memory_space<vmem>> -> memref<4096xf32, #tpu.memory_space<vmem>>
        %dma_wait3A_894 = arith.constant 0 : i32
        %dma_wait3A_895 = tpu.memref_slice %arg2[%dma_wait3A_894] : memref<8912896xf32, #tpu.memory_space<hbm>> -> memref<4096xf32, #tpu.memory_space<hbm>>
        tpu.wait_dma2 semaphore(%arg10 : memref<!tpu.dma_semaphore, #tpu.memory_space<semaphore_mem>>) src(%dma_wait3A_895 : memref<4096xf32, #tpu.memory_space<hbm>>) dst(%dma_wait3A_893 : memref<4096xf32, #tpu.memory_space<vmem>>)
      } else {
      }
      %and3A_563 = arith.constant 24 : i32
      %and3A_564 = arith.andi %squeeze3A_90, %and3A_563 : i32
      %and3A_565 = arith.constant 4 : i32
      %and3A_566 = arith.andi %squeeze3A_90, %and3A_565 : i32
      %ne3A_567 = arith.constant 0 : i32
      %ne3A_568 = arith.cmpi ne, %and3A_566, %ne3A_567 : i32
      %convert_element_type3A_569 = arith.extui %ne3A_568 : i1 to i32
      %cond3A_570 = arith.constant 0 : i32
      %cond3A_571 = arith.cmpi ne, %convert_element_type3A_569, %cond3A_570 : i32
      scf.if %cond3A_571 {
        %add3A_886 = arith.constant 16 : i32
        %add3A_887 = arith.addi %add3A_886, %and3A_564 : i32
        %mul3A_888 = arith.constant 512 : i32
        %mul3A_889 = arith.muli %add3A_887, %mul3A_888 : i32
        %dma_wait3A_890 = tpu.memref_slice %arg8[%mul3A_889] : memref<32768xf32, #tpu.memory_space<vmem>> -> memref<2048xf32, #tpu.memory_space<vmem>>
        %dma_wait3A_891 = arith.constant 0 : i32
        %dma_wait3A_892 = tpu.memref_slice %arg2[%dma_wait3A_891] : memref<8912896xf32, #tpu.memory_space<hbm>> -> memref<2048xf32, #tpu.memory_space<hbm>>
        %dma_wait3A_893 = tpu.memref_slice %arg8[%mul3A_889] : memref<32768xf32, #tpu.memory_space<vmem>> -> memref<2048xf32, #tpu.memory_space<vmem>>
        %dma_wait3A_894 = arith.constant 0 : i32
        %dma_wait3A_895 = tpu.memref_slice %arg2[%dma_wait3A_894] : memref<8912896xf32, #tpu.memory_space<hbm>> -> memref<2048xf32, #tpu.memory_space<hbm>>
        tpu.wait_dma2 semaphore(%arg10 : memref<!tpu.dma_semaphore, #tpu.memory_space<semaphore_mem>>) src(%dma_wait3A_895 : memref<2048xf32, #tpu.memory_space<hbm>>) dst(%dma_wait3A_893 : memref<2048xf32, #tpu.memory_space<vmem>>)
      } else {
      }
      %and3A_572 = arith.constant 28 : i32
      %and3A_573 = arith.andi %squeeze3A_90, %and3A_572 : i32
      %and3A_574 = arith.constant 2 : i32
      %and3A_575 = arith.andi %squeeze3A_90, %and3A_574 : i32
      %ne3A_576 = arith.constant 0 : i32
      %ne3A_577 = arith.cmpi ne, %and3A_575, %ne3A_576 : i32
      %convert_element_type3A_578 = arith.extui %ne3A_577 : i1 to i32
      %cond3A_579 = arith.constant 0 : i32
      %cond3A_580 = arith.cmpi ne, %convert_element_type3A_578, %cond3A_579 : i32
      scf.if %cond3A_580 {
        %add3A_886 = arith.constant 16 : i32
        %add3A_887 = arith.addi %add3A_886, %and3A_573 : i32
        %mul3A_888 = arith.constant 512 : i32
        %mul3A_889 = arith.muli %add3A_887, %mul3A_888 : i32
        %dma_wait3A_890 = tpu.memref_slice %arg8[%mul3A_889] : memref<32768xf32, #tpu.memory_space<vmem>> -> memref<1024xf32, #tpu.memory_space<vmem>>
        %dma_wait3A_891 = arith.constant 0 : i32
        %dma_wait3A_892 = tpu.memref_slice %arg2[%dma_wait3A_891] : memref<8912896xf32, #tpu.memory_space<hbm>> -> memref<1024xf32, #tpu.memory_space<hbm>>
        %dma_wait3A_893 = tpu.memref_slice %arg8[%mul3A_889] : memref<32768xf32, #tpu.memory_space<vmem>> -> memref<1024xf32, #tpu.memory_space<vmem>>
        %dma_wait3A_894 = arith.constant 0 : i32
        %dma_wait3A_895 = tpu.memref_slice %arg2[%dma_wait3A_894] : memref<8912896xf32, #tpu.memory_space<hbm>> -> memref<1024xf32, #tpu.memory_space<hbm>>
        tpu.wait_dma2 semaphore(%arg10 : memref<!tpu.dma_semaphore, #tpu.memory_space<semaphore_mem>>) src(%dma_wait3A_895 : memref<1024xf32, #tpu.memory_space<hbm>>) dst(%dma_wait3A_893 : memref<1024xf32, #tpu.memory_space<vmem>>)
      } else {
      }
      %and3A_581 = arith.constant 30 : i32
      %and3A_582 = arith.andi %squeeze3A_90, %and3A_581 : i32
      %and3A_583 = arith.constant 1 : i32
      %and3A_584 = arith.andi %squeeze3A_90, %and3A_583 : i32
      %ne3A_585 = arith.constant 0 : i32
      %ne3A_586 = arith.cmpi ne, %and3A_584, %ne3A_585 : i32
      %convert_element_type3A_587 = arith.extui %ne3A_586 : i1 to i32
      %cond3A_588 = arith.constant 0 : i32
      %cond3A_589 = arith.cmpi ne, %convert_element_type3A_587, %cond3A_588 : i32
      scf.if %cond3A_589 {
        %add3A_886 = arith.constant 16 : i32
        %add3A_887 = arith.addi %add3A_886, %and3A_582 : i32
        %mul3A_888 = arith.constant 512 : i32
        %mul3A_889 = arith.muli %add3A_887, %mul3A_888 : i32
        %dma_wait3A_890 = tpu.memref_slice %arg8[%mul3A_889] : memref<32768xf32, #tpu.memory_space<vmem>> -> memref<512xf32, #tpu.memory_space<vmem>>
        %dma_wait3A_891 = arith.constant 0 : i32
        %dma_wait3A_892 = tpu.memref_slice %arg2[%dma_wait3A_891] : memref<8912896xf32, #tpu.memory_space<hbm>> -> memref<512xf32, #tpu.memory_space<hbm>>
        %dma_wait3A_893 = tpu.memref_slice %arg8[%mul3A_889] : memref<32768xf32, #tpu.memory_space<vmem>> -> memref<512xf32, #tpu.memory_space<vmem>>
        %dma_wait3A_894 = arith.constant 0 : i32
        %dma_wait3A_895 = tpu.memref_slice %arg2[%dma_wait3A_894] : memref<8912896xf32, #tpu.memory_space<hbm>> -> memref<512xf32, #tpu.memory_space<hbm>>
        tpu.wait_dma2 semaphore(%arg10 : memref<!tpu.dma_semaphore, #tpu.memory_space<semaphore_mem>>) src(%dma_wait3A_895 : memref<512xf32, #tpu.memory_space<hbm>>) dst(%dma_wait3A_893 : memref<512xf32, #tpu.memory_space<vmem>>)
      } else {
      }
      %and3A_590 = arith.constant 0 : i32
      %and3A_591 = arith.andi %squeeze3A_92, %and3A_590 : i32
      %and3A_592 = arith.constant 16 : i32
      %and3A_593 = arith.andi %squeeze3A_92, %and3A_592 : i32
      %ne3A_594 = arith.constant 0 : i32
      %ne3A_595 = arith.cmpi ne, %and3A_593, %ne3A_594 : i32
      %convert_element_type3A_596 = arith.extui %ne3A_595 : i1 to i32
      %cond3A_597 = arith.constant 0 : i32
      %cond3A_598 = arith.cmpi ne, %convert_element_type3A_596, %cond3A_597 : i32
      scf.if %cond3A_598 {
        %add3A_886 = arith.constant 32 : i32
        %add3A_887 = arith.addi %add3A_886, %and3A_591 : i32
        %mul3A_888 = arith.constant 512 : i32
        %mul3A_889 = arith.muli %add3A_887, %mul3A_888 : i32
        %dma_wait3A_890 = tpu.memref_slice %arg8[%mul3A_889] : memref<32768xf32, #tpu.memory_space<vmem>> -> memref<8192xf32, #tpu.memory_space<vmem>>
        %dma_wait3A_891 = arith.constant 0 : i32
        %dma_wait3A_892 = tpu.memref_slice %arg2[%dma_wait3A_891] : memref<8912896xf32, #tpu.memory_space<hbm>> -> memref<8192xf32, #tpu.memory_space<hbm>>
        %dma_wait3A_893 = tpu.memref_slice %arg8[%mul3A_889] : memref<32768xf32, #tpu.memory_space<vmem>> -> memref<8192xf32, #tpu.memory_space<vmem>>
        %dma_wait3A_894 = arith.constant 0 : i32
        %dma_wait3A_895 = tpu.memref_slice %arg2[%dma_wait3A_894] : memref<8912896xf32, #tpu.memory_space<hbm>> -> memref<8192xf32, #tpu.memory_space<hbm>>
        tpu.wait_dma2 semaphore(%arg10 : memref<!tpu.dma_semaphore, #tpu.memory_space<semaphore_mem>>) src(%dma_wait3A_895 : memref<8192xf32, #tpu.memory_space<hbm>>) dst(%dma_wait3A_893 : memref<8192xf32, #tpu.memory_space<vmem>>)
      } else {
      }
      %and3A_599 = arith.constant 16 : i32
      %and3A_600 = arith.andi %squeeze3A_92, %and3A_599 : i32
      %and3A_601 = arith.constant 8 : i32
      %and3A_602 = arith.andi %squeeze3A_92, %and3A_601 : i32
      %ne3A_603 = arith.constant 0 : i32
      %ne3A_604 = arith.cmpi ne, %and3A_602, %ne3A_603 : i32
      %convert_element_type3A_605 = arith.extui %ne3A_604 : i1 to i32
      %cond3A_606 = arith.constant 0 : i32
      %cond3A_607 = arith.cmpi ne, %convert_element_type3A_605, %cond3A_606 : i32
      scf.if %cond3A_607 {
        %add3A_886 = arith.constant 32 : i32
        %add3A_887 = arith.addi %add3A_886, %and3A_600 : i32
        %mul3A_888 = arith.constant 512 : i32
        %mul3A_889 = arith.muli %add3A_887, %mul3A_888 : i32
        %dma_wait3A_890 = tpu.memref_slice %arg8[%mul3A_889] : memref<32768xf32, #tpu.memory_space<vmem>> -> memref<4096xf32, #tpu.memory_space<vmem>>
        %dma_wait3A_891 = arith.constant 0 : i32
        %dma_wait3A_892 = tpu.memref_slice %arg2[%dma_wait3A_891] : memref<8912896xf32, #tpu.memory_space<hbm>> -> memref<4096xf32, #tpu.memory_space<hbm>>
        %dma_wait3A_893 = tpu.memref_slice %arg8[%mul3A_889] : memref<32768xf32, #tpu.memory_space<vmem>> -> memref<4096xf32, #tpu.memory_space<vmem>>
        %dma_wait3A_894 = arith.constant 0 : i32
        %dma_wait3A_895 = tpu.memref_slice %arg2[%dma_wait3A_894] : memref<8912896xf32, #tpu.memory_space<hbm>> -> memref<4096xf32, #tpu.memory_space<hbm>>
        tpu.wait_dma2 semaphore(%arg10 : memref<!tpu.dma_semaphore, #tpu.memory_space<semaphore_mem>>) src(%dma_wait3A_895 : memref<4096xf32, #tpu.memory_space<hbm>>) dst(%dma_wait3A_893 : memref<4096xf32, #tpu.memory_space<vmem>>)
      } else {
      }
      %and3A_608 = arith.constant 24 : i32
      %and3A_609 = arith.andi %squeeze3A_92, %and3A_608 : i32
      %and3A_610 = arith.constant 4 : i32
      %and3A_611 = arith.andi %squeeze3A_92, %and3A_610 : i32
      %ne3A_612 = arith.constant 0 : i32
      %ne3A_613 = arith.cmpi ne, %and3A_611, %ne3A_612 : i32
      %convert_element_type3A_614 = arith.extui %ne3A_613 : i1 to i32
      %cond3A_615 = arith.constant 0 : i32
      %cond3A_616 = arith.cmpi ne, %convert_element_type3A_614, %cond3A_615 : i32
      scf.if %cond3A_616 {
        %add3A_886 = arith.constant 32 : i32
        %add3A_887 = arith.addi %add3A_886, %and3A_609 : i32
        %mul3A_888 = arith.constant 512 : i32
        %mul3A_889 = arith.muli %add3A_887, %mul3A_888 : i32
        %dma_wait3A_890 = tpu.memref_slice %arg8[%mul3A_889] : memref<32768xf32, #tpu.memory_space<vmem>> -> memref<2048xf32, #tpu.memory_space<vmem>>
        %dma_wait3A_891 = arith.constant 0 : i32
        %dma_wait3A_892 = tpu.memref_slice %arg2[%dma_wait3A_891] : memref<8912896xf32, #tpu.memory_space<hbm>> -> memref<2048xf32, #tpu.memory_space<hbm>>
        %dma_wait3A_893 = tpu.memref_slice %arg8[%mul3A_889] : memref<32768xf32, #tpu.memory_space<vmem>> -> memref<2048xf32, #tpu.memory_space<vmem>>
        %dma_wait3A_894 = arith.constant 0 : i32
        %dma_wait3A_895 = tpu.memref_slice %arg2[%dma_wait3A_894] : memref<8912896xf32, #tpu.memory_space<hbm>> -> memref<2048xf32, #tpu.memory_space<hbm>>
        tpu.wait_dma2 semaphore(%arg10 : memref<!tpu.dma_semaphore, #tpu.memory_space<semaphore_mem>>) src(%dma_wait3A_895 : memref<2048xf32, #tpu.memory_space<hbm>>) dst(%dma_wait3A_893 : memref<2048xf32, #tpu.memory_space<vmem>>)
      } else {
      }
      %and3A_617 = arith.constant 28 : i32
      %and3A_618 = arith.andi %squeeze3A_92, %and3A_617 : i32
      %and3A_619 = arith.constant 2 : i32
      %and3A_620 = arith.andi %squeeze3A_92, %and3A_619 : i32
      %ne3A_621 = arith.constant 0 : i32
      %ne3A_622 = arith.cmpi ne, %and3A_620, %ne3A_621 : i32
      %convert_element_type3A_623 = arith.extui %ne3A_622 : i1 to i32
      %cond3A_624 = arith.constant 0 : i32
      %cond3A_625 = arith.cmpi ne, %convert_element_type3A_623, %cond3A_624 : i32
      scf.if %cond3A_625 {
        %add3A_886 = arith.constant 32 : i32
        %add3A_887 = arith.addi %add3A_886, %and3A_618 : i32
        %mul3A_888 = arith.constant 512 : i32
        %mul3A_889 = arith.muli %add3A_887, %mul3A_888 : i32
        %dma_wait3A_890 = tpu.memref_slice %arg8[%mul3A_889] : memref<32768xf32, #tpu.memory_space<vmem>> -> memref<1024xf32, #tpu.memory_space<vmem>>
        %dma_wait3A_891 = arith.constant 0 : i32
        %dma_wait3A_892 = tpu.memref_slice %arg2[%dma_wait3A_891] : memref<8912896xf32, #tpu.memory_space<hbm>> -> memref<1024xf32, #tpu.memory_space<hbm>>
        %dma_wait3A_893 = tpu.memref_slice %arg8[%mul3A_889] : memref<32768xf32, #tpu.memory_space<vmem>> -> memref<1024xf32, #tpu.memory_space<vmem>>
        %dma_wait3A_894 = arith.constant 0 : i32
        %dma_wait3A_895 = tpu.memref_slice %arg2[%dma_wait3A_894] : memref<8912896xf32, #tpu.memory_space<hbm>> -> memref<1024xf32, #tpu.memory_space<hbm>>
        tpu.wait_dma2 semaphore(%arg10 : memref<!tpu.dma_semaphore, #tpu.memory_space<semaphore_mem>>) src(%dma_wait3A_895 : memref<1024xf32, #tpu.memory_space<hbm>>) dst(%dma_wait3A_893 : memref<1024xf32, #tpu.memory_space<vmem>>)
      } else {
      }
      %and3A_626 = arith.constant 30 : i32
      %and3A_627 = arith.andi %squeeze3A_92, %and3A_626 : i32
      %and3A_628 = arith.constant 1 : i32
      %and3A_629 = arith.andi %squeeze3A_92, %and3A_628 : i32
      %ne3A_630 = arith.constant 0 : i32
      %ne3A_631 = arith.cmpi ne, %and3A_629, %ne3A_630 : i32
      %convert_element_type3A_632 = arith.extui %ne3A_631 : i1 to i32
      %cond3A_633 = arith.constant 0 : i32
      %cond3A_634 = arith.cmpi ne, %convert_element_type3A_632, %cond3A_633 : i32
      scf.if %cond3A_634 {
        %add3A_886 = arith.constant 32 : i32
        %add3A_887 = arith.addi %add3A_886, %and3A_627 : i32
        %mul3A_888 = arith.constant 512 : i32
        %mul3A_889 = arith.muli %add3A_887, %mul3A_888 : i32
        %dma_wait3A_890 = tpu.memref_slice %arg8[%mul3A_889] : memref<32768xf32, #tpu.memory_space<vmem>> -> memref<512xf32, #tpu.memory_space<vmem>>
        %dma_wait3A_891 = arith.constant 0 : i32
        %dma_wait3A_892 = tpu.memref_slice %arg2[%dma_wait3A_891] : memref<8912896xf32, #tpu.memory_space<hbm>> -> memref<512xf32, #tpu.memory_space<hbm>>
        %dma_wait3A_893 = tpu.memref_slice %arg8[%mul3A_889] : memref<32768xf32, #tpu.memory_space<vmem>> -> memref<512xf32, #tpu.memory_space<vmem>>
        %dma_wait3A_894 = arith.constant 0 : i32
        %dma_wait3A_895 = tpu.memref_slice %arg2[%dma_wait3A_894] : memref<8912896xf32, #tpu.memory_space<hbm>> -> memref<512xf32, #tpu.memory_space<hbm>>
        tpu.wait_dma2 semaphore(%arg10 : memref<!tpu.dma_semaphore, #tpu.memory_space<semaphore_mem>>) src(%dma_wait3A_895 : memref<512xf32, #tpu.memory_space<hbm>>) dst(%dma_wait3A_893 : memref<512xf32, #tpu.memory_space<vmem>>)
      } else {
      }
      %and3A_635 = arith.constant 0 : i32
      %and3A_636 = arith.andi %squeeze3A_94, %and3A_635 : i32
      %and3A_637 = arith.constant 16 : i32
      %and3A_638 = arith.andi %squeeze3A_94, %and3A_637 : i32
      %ne3A_639 = arith.constant 0 : i32
      %ne3A_640 = arith.cmpi ne, %and3A_638, %ne3A_639 : i32
      %convert_element_type3A_641 = arith.extui %ne3A_640 : i1 to i32
      %cond3A_642 = arith.constant 0 : i32
      %cond3A_643 = arith.cmpi ne, %convert_element_type3A_641, %cond3A_642 : i32
      scf.if %cond3A_643 {
        %add3A_886 = arith.constant 48 : i32
        %add3A_887 = arith.addi %add3A_886, %and3A_636 : i32
        %mul3A_888 = arith.constant 512 : i32
        %mul3A_889 = arith.muli %add3A_887, %mul3A_888 : i32
        %dma_wait3A_890 = tpu.memref_slice %arg8[%mul3A_889] : memref<32768xf32, #tpu.memory_space<vmem>> -> memref<8192xf32, #tpu.memory_space<vmem>>
        %dma_wait3A_891 = arith.constant 0 : i32
        %dma_wait3A_892 = tpu.memref_slice %arg2[%dma_wait3A_891] : memref<8912896xf32, #tpu.memory_space<hbm>> -> memref<8192xf32, #tpu.memory_space<hbm>>
        %dma_wait3A_893 = tpu.memref_slice %arg8[%mul3A_889] : memref<32768xf32, #tpu.memory_space<vmem>> -> memref<8192xf32, #tpu.memory_space<vmem>>
        %dma_wait3A_894 = arith.constant 0 : i32
        %dma_wait3A_895 = tpu.memref_slice %arg2[%dma_wait3A_894] : memref<8912896xf32, #tpu.memory_space<hbm>> -> memref<8192xf32, #tpu.memory_space<hbm>>
        tpu.wait_dma2 semaphore(%arg10 : memref<!tpu.dma_semaphore, #tpu.memory_space<semaphore_mem>>) src(%dma_wait3A_895 : memref<8192xf32, #tpu.memory_space<hbm>>) dst(%dma_wait3A_893 : memref<8192xf32, #tpu.memory_space<vmem>>)
      } else {
      }
      %and3A_644 = arith.constant 16 : i32
      %and3A_645 = arith.andi %squeeze3A_94, %and3A_644 : i32
      %and3A_646 = arith.constant 8 : i32
      %and3A_647 = arith.andi %squeeze3A_94, %and3A_646 : i32
      %ne3A_648 = arith.constant 0 : i32
      %ne3A_649 = arith.cmpi ne, %and3A_647, %ne3A_648 : i32
      %convert_element_type3A_650 = arith.extui %ne3A_649 : i1 to i32
      %cond3A_651 = arith.constant 0 : i32
      %cond3A_652 = arith.cmpi ne, %convert_element_type3A_650, %cond3A_651 : i32
      scf.if %cond3A_652 {
        %add3A_886 = arith.constant 48 : i32
        %add3A_887 = arith.addi %add3A_886, %and3A_645 : i32
        %mul3A_888 = arith.constant 512 : i32
        %mul3A_889 = arith.muli %add3A_887, %mul3A_888 : i32
        %dma_wait3A_890 = tpu.memref_slice %arg8[%mul3A_889] : memref<32768xf32, #tpu.memory_space<vmem>> -> memref<4096xf32, #tpu.memory_space<vmem>>
        %dma_wait3A_891 = arith.constant 0 : i32
        %dma_wait3A_892 = tpu.memref_slice %arg2[%dma_wait3A_891] : memref<8912896xf32, #tpu.memory_space<hbm>> -> memref<4096xf32, #tpu.memory_space<hbm>>
        %dma_wait3A_893 = tpu.memref_slice %arg8[%mul3A_889] : memref<32768xf32, #tpu.memory_space<vmem>> -> memref<4096xf32, #tpu.memory_space<vmem>>
        %dma_wait3A_894 = arith.constant 0 : i32
        %dma_wait3A_895 = tpu.memref_slice %arg2[%dma_wait3A_894] : memref<8912896xf32, #tpu.memory_space<hbm>> -> memref<4096xf32, #tpu.memory_space<hbm>>
        tpu.wait_dma2 semaphore(%arg10 : memref<!tpu.dma_semaphore, #tpu.memory_space<semaphore_mem>>) src(%dma_wait3A_895 : memref<4096xf32, #tpu.memory_space<hbm>>) dst(%dma_wait3A_893 : memref<4096xf32, #tpu.memory_space<vmem>>)
      } else {
      }
      %and3A_653 = arith.constant 24 : i32
      %and3A_654 = arith.andi %squeeze3A_94, %and3A_653 : i32
      %and3A_655 = arith.constant 4 : i32
      %and3A_656 = arith.andi %squeeze3A_94, %and3A_655 : i32
      %ne3A_657 = arith.constant 0 : i32
      %ne3A_658 = arith.cmpi ne, %and3A_656, %ne3A_657 : i32
      %convert_element_type3A_659 = arith.extui %ne3A_658 : i1 to i32
      %cond3A_660 = arith.constant 0 : i32
      %cond3A_661 = arith.cmpi ne, %convert_element_type3A_659, %cond3A_660 : i32
      scf.if %cond3A_661 {
        %add3A_886 = arith.constant 48 : i32
        %add3A_887 = arith.addi %add3A_886, %and3A_654 : i32
        %mul3A_888 = arith.constant 512 : i32
        %mul3A_889 = arith.muli %add3A_887, %mul3A_888 : i32
        %dma_wait3A_890 = tpu.memref_slice %arg8[%mul3A_889] : memref<32768xf32, #tpu.memory_space<vmem>> -> memref<2048xf32, #tpu.memory_space<vmem>>
        %dma_wait3A_891 = arith.constant 0 : i32
        %dma_wait3A_892 = tpu.memref_slice %arg2[%dma_wait3A_891] : memref<8912896xf32, #tpu.memory_space<hbm>> -> memref<2048xf32, #tpu.memory_space<hbm>>
        %dma_wait3A_893 = tpu.memref_slice %arg8[%mul3A_889] : memref<32768xf32, #tpu.memory_space<vmem>> -> memref<2048xf32, #tpu.memory_space<vmem>>
        %dma_wait3A_894 = arith.constant 0 : i32
        %dma_wait3A_895 = tpu.memref_slice %arg2[%dma_wait3A_894] : memref<8912896xf32, #tpu.memory_space<hbm>> -> memref<2048xf32, #tpu.memory_space<hbm>>
        tpu.wait_dma2 semaphore(%arg10 : memref<!tpu.dma_semaphore, #tpu.memory_space<semaphore_mem>>) src(%dma_wait3A_895 : memref<2048xf32, #tpu.memory_space<hbm>>) dst(%dma_wait3A_893 : memref<2048xf32, #tpu.memory_space<vmem>>)
      } else {
      }
      %and3A_662 = arith.constant 28 : i32
      %and3A_663 = arith.andi %squeeze3A_94, %and3A_662 : i32
      %and3A_664 = arith.constant 2 : i32
      %and3A_665 = arith.andi %squeeze3A_94, %and3A_664 : i32
      %ne3A_666 = arith.constant 0 : i32
      %ne3A_667 = arith.cmpi ne, %and3A_665, %ne3A_666 : i32
      %convert_element_type3A_668 = arith.extui %ne3A_667 : i1 to i32
      %cond3A_669 = arith.constant 0 : i32
      %cond3A_670 = arith.cmpi ne, %convert_element_type3A_668, %cond3A_669 : i32
      scf.if %cond3A_670 {
        %add3A_886 = arith.constant 48 : i32
        %add3A_887 = arith.addi %add3A_886, %and3A_663 : i32
        %mul3A_888 = arith.constant 512 : i32
        %mul3A_889 = arith.muli %add3A_887, %mul3A_888 : i32
        %dma_wait3A_890 = tpu.memref_slice %arg8[%mul3A_889] : memref<32768xf32, #tpu.memory_space<vmem>> -> memref<1024xf32, #tpu.memory_space<vmem>>
        %dma_wait3A_891 = arith.constant 0 : i32
        %dma_wait3A_892 = tpu.memref_slice %arg2[%dma_wait3A_891] : memref<8912896xf32, #tpu.memory_space<hbm>> -> memref<1024xf32, #tpu.memory_space<hbm>>
        %dma_wait3A_893 = tpu.memref_slice %arg8[%mul3A_889] : memref<32768xf32, #tpu.memory_space<vmem>> -> memref<1024xf32, #tpu.memory_space<vmem>>
        %dma_wait3A_894 = arith.constant 0 : i32
        %dma_wait3A_895 = tpu.memref_slice %arg2[%dma_wait3A_894] : memref<8912896xf32, #tpu.memory_space<hbm>> -> memref<1024xf32, #tpu.memory_space<hbm>>
        tpu.wait_dma2 semaphore(%arg10 : memref<!tpu.dma_semaphore, #tpu.memory_space<semaphore_mem>>) src(%dma_wait3A_895 : memref<1024xf32, #tpu.memory_space<hbm>>) dst(%dma_wait3A_893 : memref<1024xf32, #tpu.memory_space<vmem>>)
      } else {
      }
      %and3A_671 = arith.constant 30 : i32
      %and3A_672 = arith.andi %squeeze3A_94, %and3A_671 : i32
      %and3A_673 = arith.constant 1 : i32
      %and3A_674 = arith.andi %squeeze3A_94, %and3A_673 : i32
      %ne3A_675 = arith.constant 0 : i32
      %ne3A_676 = arith.cmpi ne, %and3A_674, %ne3A_675 : i32
      %convert_element_type3A_677 = arith.extui %ne3A_676 : i1 to i32
      %cond3A_678 = arith.constant 0 : i32
      %cond3A_679 = arith.cmpi ne, %convert_element_type3A_677, %cond3A_678 : i32
      scf.if %cond3A_679 {
        %add3A_886 = arith.constant 48 : i32
        %add3A_887 = arith.addi %add3A_886, %and3A_672 : i32
        %mul3A_888 = arith.constant 512 : i32
        %mul3A_889 = arith.muli %add3A_887, %mul3A_888 : i32
        %dma_wait3A_890 = tpu.memref_slice %arg8[%mul3A_889] : memref<32768xf32, #tpu.memory_space<vmem>> -> memref<512xf32, #tpu.memory_space<vmem>>
        %dma_wait3A_891 = arith.constant 0 : i32
        %dma_wait3A_892 = tpu.memref_slice %arg2[%dma_wait3A_891] : memref<8912896xf32, #tpu.memory_space<hbm>> -> memref<512xf32, #tpu.memory_space<hbm>>
        %dma_wait3A_893 = tpu.memref_slice %arg8[%mul3A_889] : memref<32768xf32, #tpu.memory_space<vmem>> -> memref<512xf32, #tpu.memory_space<vmem>>
        %dma_wait3A_894 = arith.constant 0 : i32
        %dma_wait3A_895 = tpu.memref_slice %arg2[%dma_wait3A_894] : memref<8912896xf32, #tpu.memory_space<hbm>> -> memref<512xf32, #tpu.memory_space<hbm>>
        tpu.wait_dma2 semaphore(%arg10 : memref<!tpu.dma_semaphore, #tpu.memory_space<semaphore_mem>>) src(%dma_wait3A_895 : memref<512xf32, #tpu.memory_space<hbm>>) dst(%dma_wait3A_893 : memref<512xf32, #tpu.memory_space<vmem>>)
      } else {
      }
      %mul3A_680 = arith.constant 32768 : i32
      %mul3A_681 = arith.muli %add3A_80, %mul3A_680 : i32
      %dma_start3A = tpu.memref_slice %arg5[%mul3A_681] : memref<16777216xf32, #tpu.memory_space<hbm>> -> memref<32768xf32, #tpu.memory_space<hbm>>
      %dma_start3A_682 = tpu.memref_slice %arg5[%mul3A_681] : memref<16777216xf32, #tpu.memory_space<hbm>> -> memref<32768xf32, #tpu.memory_space<hbm>>
      tpu.enqueue_dma source(%arg8 : memref<32768xf32, #tpu.memory_space<vmem>>) target(%dma_start3A_682 : memref<32768xf32, #tpu.memory_space<hbm>>) target_semaphore(%arg12 : memref<!tpu.dma_semaphore, #tpu.memory_space<semaphore_mem>>)
      %and3A_683 = arith.constant 0 : i32
      %and3A_684 = arith.andi %squeeze3A_304, %and3A_683 : i32
      %and3A_685 = arith.constant 16 : i32
      %and3A_686 = arith.andi %squeeze3A_304, %and3A_685 : i32
      %ne3A_687 = arith.constant 0 : i32
      %ne3A_688 = arith.cmpi ne, %and3A_686, %ne3A_687 : i32
      %convert_element_type3A_689 = arith.extui %ne3A_688 : i1 to i32
      %cond3A_690 = arith.constant 0 : i32
      %cond3A_691 = arith.cmpi ne, %convert_element_type3A_689, %cond3A_690 : i32
      scf.if %cond3A_691 {
        %add3A_886 = arith.constant 0 : i32
        %add3A_887 = arith.addi %add3A_886, %and3A_684 : i32
        %mul3A_888 = arith.constant 512 : i32
        %mul3A_889 = arith.muli %add3A_887, %mul3A_888 : i32
        %dma_wait3A_890 = tpu.memref_slice %arg7[%mul3A_889] : memref<32768xf32, #tpu.memory_space<vmem>> -> memref<8192xf32, #tpu.memory_space<vmem>>
        %dma_wait3A_891 = arith.constant 0 : i32
        %dma_wait3A_892 = tpu.memref_slice %arg2[%dma_wait3A_891] : memref<8912896xf32, #tpu.memory_space<hbm>> -> memref<8192xf32, #tpu.memory_space<hbm>>
        %dma_wait3A_893 = tpu.memref_slice %arg7[%mul3A_889] : memref<32768xf32, #tpu.memory_space<vmem>> -> memref<8192xf32, #tpu.memory_space<vmem>>
        %dma_wait3A_894 = arith.constant 0 : i32
        %dma_wait3A_895 = tpu.memref_slice %arg2[%dma_wait3A_894] : memref<8912896xf32, #tpu.memory_space<hbm>> -> memref<8192xf32, #tpu.memory_space<hbm>>
        tpu.wait_dma2 semaphore(%arg9 : memref<!tpu.dma_semaphore, #tpu.memory_space<semaphore_mem>>) src(%dma_wait3A_895 : memref<8192xf32, #tpu.memory_space<hbm>>) dst(%dma_wait3A_893 : memref<8192xf32, #tpu.memory_space<vmem>>)
      } else {
      }
      %and3A_692 = arith.constant 16 : i32
      %and3A_693 = arith.andi %squeeze3A_304, %and3A_692 : i32
      %and3A_694 = arith.constant 8 : i32
      %and3A_695 = arith.andi %squeeze3A_304, %and3A_694 : i32
      %ne3A_696 = arith.constant 0 : i32
      %ne3A_697 = arith.cmpi ne, %and3A_695, %ne3A_696 : i32
      %convert_element_type3A_698 = arith.extui %ne3A_697 : i1 to i32
      %cond3A_699 = arith.constant 0 : i32
      %cond3A_700 = arith.cmpi ne, %convert_element_type3A_698, %cond3A_699 : i32
      scf.if %cond3A_700 {
        %add3A_886 = arith.constant 0 : i32
        %add3A_887 = arith.addi %add3A_886, %and3A_693 : i32
        %mul3A_888 = arith.constant 512 : i32
        %mul3A_889 = arith.muli %add3A_887, %mul3A_888 : i32
        %dma_wait3A_890 = tpu.memref_slice %arg7[%mul3A_889] : memref<32768xf32, #tpu.memory_space<vmem>> -> memref<4096xf32, #tpu.memory_space<vmem>>
        %dma_wait3A_891 = arith.constant 0 : i32
        %dma_wait3A_892 = tpu.memref_slice %arg2[%dma_wait3A_891] : memref<8912896xf32, #tpu.memory_space<hbm>> -> memref<4096xf32, #tpu.memory_space<hbm>>
        %dma_wait3A_893 = tpu.memref_slice %arg7[%mul3A_889] : memref<32768xf32, #tpu.memory_space<vmem>> -> memref<4096xf32, #tpu.memory_space<vmem>>
        %dma_wait3A_894 = arith.constant 0 : i32
        %dma_wait3A_895 = tpu.memref_slice %arg2[%dma_wait3A_894] : memref<8912896xf32, #tpu.memory_space<hbm>> -> memref<4096xf32, #tpu.memory_space<hbm>>
        tpu.wait_dma2 semaphore(%arg9 : memref<!tpu.dma_semaphore, #tpu.memory_space<semaphore_mem>>) src(%dma_wait3A_895 : memref<4096xf32, #tpu.memory_space<hbm>>) dst(%dma_wait3A_893 : memref<4096xf32, #tpu.memory_space<vmem>>)
      } else {
      }
      %and3A_701 = arith.constant 24 : i32
      %and3A_702 = arith.andi %squeeze3A_304, %and3A_701 : i32
      %and3A_703 = arith.constant 4 : i32
      %and3A_704 = arith.andi %squeeze3A_304, %and3A_703 : i32
      %ne3A_705 = arith.constant 0 : i32
      %ne3A_706 = arith.cmpi ne, %and3A_704, %ne3A_705 : i32
      %convert_element_type3A_707 = arith.extui %ne3A_706 : i1 to i32
      %cond3A_708 = arith.constant 0 : i32
      %cond3A_709 = arith.cmpi ne, %convert_element_type3A_707, %cond3A_708 : i32
      scf.if %cond3A_709 {
        %add3A_886 = arith.constant 0 : i32
        %add3A_887 = arith.addi %add3A_886, %and3A_702 : i32
        %mul3A_888 = arith.constant 512 : i32
        %mul3A_889 = arith.muli %add3A_887, %mul3A_888 : i32
        %dma_wait3A_890 = tpu.memref_slice %arg7[%mul3A_889] : memref<32768xf32, #tpu.memory_space<vmem>> -> memref<2048xf32, #tpu.memory_space<vmem>>
        %dma_wait3A_891 = arith.constant 0 : i32
        %dma_wait3A_892 = tpu.memref_slice %arg2[%dma_wait3A_891] : memref<8912896xf32, #tpu.memory_space<hbm>> -> memref<2048xf32, #tpu.memory_space<hbm>>
        %dma_wait3A_893 = tpu.memref_slice %arg7[%mul3A_889] : memref<32768xf32, #tpu.memory_space<vmem>> -> memref<2048xf32, #tpu.memory_space<vmem>>
        %dma_wait3A_894 = arith.constant 0 : i32
        %dma_wait3A_895 = tpu.memref_slice %arg2[%dma_wait3A_894] : memref<8912896xf32, #tpu.memory_space<hbm>> -> memref<2048xf32, #tpu.memory_space<hbm>>
        tpu.wait_dma2 semaphore(%arg9 : memref<!tpu.dma_semaphore, #tpu.memory_space<semaphore_mem>>) src(%dma_wait3A_895 : memref<2048xf32, #tpu.memory_space<hbm>>) dst(%dma_wait3A_893 : memref<2048xf32, #tpu.memory_space<vmem>>)
      } else {
      }
      %and3A_710 = arith.constant 28 : i32
      %and3A_711 = arith.andi %squeeze3A_304, %and3A_710 : i32
      %and3A_712 = arith.constant 2 : i32
      %and3A_713 = arith.andi %squeeze3A_304, %and3A_712 : i32
      %ne3A_714 = arith.constant 0 : i32
      %ne3A_715 = arith.cmpi ne, %and3A_713, %ne3A_714 : i32
      %convert_element_type3A_716 = arith.extui %ne3A_715 : i1 to i32
      %cond3A_717 = arith.constant 0 : i32
      %cond3A_718 = arith.cmpi ne, %convert_element_type3A_716, %cond3A_717 : i32
      scf.if %cond3A_718 {
        %add3A_886 = arith.constant 0 : i32
        %add3A_887 = arith.addi %add3A_886, %and3A_711 : i32
        %mul3A_888 = arith.constant 512 : i32
        %mul3A_889 = arith.muli %add3A_887, %mul3A_888 : i32
        %dma_wait3A_890 = tpu.memref_slice %arg7[%mul3A_889] : memref<32768xf32, #tpu.memory_space<vmem>> -> memref<1024xf32, #tpu.memory_space<vmem>>
        %dma_wait3A_891 = arith.constant 0 : i32
        %dma_wait3A_892 = tpu.memref_slice %arg2[%dma_wait3A_891] : memref<8912896xf32, #tpu.memory_space<hbm>> -> memref<1024xf32, #tpu.memory_space<hbm>>
        %dma_wait3A_893 = tpu.memref_slice %arg7[%mul3A_889] : memref<32768xf32, #tpu.memory_space<vmem>> -> memref<1024xf32, #tpu.memory_space<vmem>>
        %dma_wait3A_894 = arith.constant 0 : i32
        %dma_wait3A_895 = tpu.memref_slice %arg2[%dma_wait3A_894] : memref<8912896xf32, #tpu.memory_space<hbm>> -> memref<1024xf32, #tpu.memory_space<hbm>>
        tpu.wait_dma2 semaphore(%arg9 : memref<!tpu.dma_semaphore, #tpu.memory_space<semaphore_mem>>) src(%dma_wait3A_895 : memref<1024xf32, #tpu.memory_space<hbm>>) dst(%dma_wait3A_893 : memref<1024xf32, #tpu.memory_space<vmem>>)
      } else {
      }
      %and3A_719 = arith.constant 30 : i32
      %and3A_720 = arith.andi %squeeze3A_304, %and3A_719 : i32
      %and3A_721 = arith.constant 1 : i32
      %and3A_722 = arith.andi %squeeze3A_304, %and3A_721 : i32
      %ne3A_723 = arith.constant 0 : i32
      %ne3A_724 = arith.cmpi ne, %and3A_722, %ne3A_723 : i32
      %convert_element_type3A_725 = arith.extui %ne3A_724 : i1 to i32
      %cond3A_726 = arith.constant 0 : i32
      %cond3A_727 = arith.cmpi ne, %convert_element_type3A_725, %cond3A_726 : i32
      scf.if %cond3A_727 {
        %add3A_886 = arith.constant 0 : i32
        %add3A_887 = arith.addi %add3A_886, %and3A_720 : i32
        %mul3A_888 = arith.constant 512 : i32
        %mul3A_889 = arith.muli %add3A_887, %mul3A_888 : i32
        %dma_wait3A_890 = tpu.memref_slice %arg7[%mul3A_889] : memref<32768xf32, #tpu.memory_space<vmem>> -> memref<512xf32, #tpu.memory_space<vmem>>
        %dma_wait3A_891 = arith.constant 0 : i32
        %dma_wait3A_892 = tpu.memref_slice %arg2[%dma_wait3A_891] : memref<8912896xf32, #tpu.memory_space<hbm>> -> memref<512xf32, #tpu.memory_space<hbm>>
        %dma_wait3A_893 = tpu.memref_slice %arg7[%mul3A_889] : memref<32768xf32, #tpu.memory_space<vmem>> -> memref<512xf32, #tpu.memory_space<vmem>>
        %dma_wait3A_894 = arith.constant 0 : i32
        %dma_wait3A_895 = tpu.memref_slice %arg2[%dma_wait3A_894] : memref<8912896xf32, #tpu.memory_space<hbm>> -> memref<512xf32, #tpu.memory_space<hbm>>
        tpu.wait_dma2 semaphore(%arg9 : memref<!tpu.dma_semaphore, #tpu.memory_space<semaphore_mem>>) src(%dma_wait3A_895 : memref<512xf32, #tpu.memory_space<hbm>>) dst(%dma_wait3A_893 : memref<512xf32, #tpu.memory_space<vmem>>)
      } else {
      }
      %and3A_728 = arith.constant 0 : i32
      %and3A_729 = arith.andi %squeeze3A_306, %and3A_728 : i32
      %and3A_730 = arith.constant 16 : i32
      %and3A_731 = arith.andi %squeeze3A_306, %and3A_730 : i32
      %ne3A_732 = arith.constant 0 : i32
      %ne3A_733 = arith.cmpi ne, %and3A_731, %ne3A_732 : i32
      %convert_element_type3A_734 = arith.extui %ne3A_733 : i1 to i32
      %cond3A_735 = arith.constant 0 : i32
      %cond3A_736 = arith.cmpi ne, %convert_element_type3A_734, %cond3A_735 : i32
      scf.if %cond3A_736 {
        %add3A_886 = arith.constant 16 : i32
        %add3A_887 = arith.addi %add3A_886, %and3A_729 : i32
        %mul3A_888 = arith.constant 512 : i32
        %mul3A_889 = arith.muli %add3A_887, %mul3A_888 : i32
        %dma_wait3A_890 = tpu.memref_slice %arg7[%mul3A_889] : memref<32768xf32, #tpu.memory_space<vmem>> -> memref<8192xf32, #tpu.memory_space<vmem>>
        %dma_wait3A_891 = arith.constant 0 : i32
        %dma_wait3A_892 = tpu.memref_slice %arg2[%dma_wait3A_891] : memref<8912896xf32, #tpu.memory_space<hbm>> -> memref<8192xf32, #tpu.memory_space<hbm>>
        %dma_wait3A_893 = tpu.memref_slice %arg7[%mul3A_889] : memref<32768xf32, #tpu.memory_space<vmem>> -> memref<8192xf32, #tpu.memory_space<vmem>>
        %dma_wait3A_894 = arith.constant 0 : i32
        %dma_wait3A_895 = tpu.memref_slice %arg2[%dma_wait3A_894] : memref<8912896xf32, #tpu.memory_space<hbm>> -> memref<8192xf32, #tpu.memory_space<hbm>>
        tpu.wait_dma2 semaphore(%arg9 : memref<!tpu.dma_semaphore, #tpu.memory_space<semaphore_mem>>) src(%dma_wait3A_895 : memref<8192xf32, #tpu.memory_space<hbm>>) dst(%dma_wait3A_893 : memref<8192xf32, #tpu.memory_space<vmem>>)
      } else {
      }
      %and3A_737 = arith.constant 16 : i32
      %and3A_738 = arith.andi %squeeze3A_306, %and3A_737 : i32
      %and3A_739 = arith.constant 8 : i32
      %and3A_740 = arith.andi %squeeze3A_306, %and3A_739 : i32
      %ne3A_741 = arith.constant 0 : i32
      %ne3A_742 = arith.cmpi ne, %and3A_740, %ne3A_741 : i32
      %convert_element_type3A_743 = arith.extui %ne3A_742 : i1 to i32
      %cond3A_744 = arith.constant 0 : i32
      %cond3A_745 = arith.cmpi ne, %convert_element_type3A_743, %cond3A_744 : i32
      scf.if %cond3A_745 {
        %add3A_886 = arith.constant 16 : i32
        %add3A_887 = arith.addi %add3A_886, %and3A_738 : i32
        %mul3A_888 = arith.constant 512 : i32
        %mul3A_889 = arith.muli %add3A_887, %mul3A_888 : i32
        %dma_wait3A_890 = tpu.memref_slice %arg7[%mul3A_889] : memref<32768xf32, #tpu.memory_space<vmem>> -> memref<4096xf32, #tpu.memory_space<vmem>>
        %dma_wait3A_891 = arith.constant 0 : i32
        %dma_wait3A_892 = tpu.memref_slice %arg2[%dma_wait3A_891] : memref<8912896xf32, #tpu.memory_space<hbm>> -> memref<4096xf32, #tpu.memory_space<hbm>>
        %dma_wait3A_893 = tpu.memref_slice %arg7[%mul3A_889] : memref<32768xf32, #tpu.memory_space<vmem>> -> memref<4096xf32, #tpu.memory_space<vmem>>
        %dma_wait3A_894 = arith.constant 0 : i32
        %dma_wait3A_895 = tpu.memref_slice %arg2[%dma_wait3A_894] : memref<8912896xf32, #tpu.memory_space<hbm>> -> memref<4096xf32, #tpu.memory_space<hbm>>
        tpu.wait_dma2 semaphore(%arg9 : memref<!tpu.dma_semaphore, #tpu.memory_space<semaphore_mem>>) src(%dma_wait3A_895 : memref<4096xf32, #tpu.memory_space<hbm>>) dst(%dma_wait3A_893 : memref<4096xf32, #tpu.memory_space<vmem>>)
      } else {
      }
      %and3A_746 = arith.constant 24 : i32
      %and3A_747 = arith.andi %squeeze3A_306, %and3A_746 : i32
      %and3A_748 = arith.constant 4 : i32
      %and3A_749 = arith.andi %squeeze3A_306, %and3A_748 : i32
      %ne3A_750 = arith.constant 0 : i32
      %ne3A_751 = arith.cmpi ne, %and3A_749, %ne3A_750 : i32
      %convert_element_type3A_752 = arith.extui %ne3A_751 : i1 to i32
      %cond3A_753 = arith.constant 0 : i32
      %cond3A_754 = arith.cmpi ne, %convert_element_type3A_752, %cond3A_753 : i32
      scf.if %cond3A_754 {
        %add3A_886 = arith.constant 16 : i32
        %add3A_887 = arith.addi %add3A_886, %and3A_747 : i32
        %mul3A_888 = arith.constant 512 : i32
        %mul3A_889 = arith.muli %add3A_887, %mul3A_888 : i32
        %dma_wait3A_890 = tpu.memref_slice %arg7[%mul3A_889] : memref<32768xf32, #tpu.memory_space<vmem>> -> memref<2048xf32, #tpu.memory_space<vmem>>
        %dma_wait3A_891 = arith.constant 0 : i32
        %dma_wait3A_892 = tpu.memref_slice %arg2[%dma_wait3A_891] : memref<8912896xf32, #tpu.memory_space<hbm>> -> memref<2048xf32, #tpu.memory_space<hbm>>
        %dma_wait3A_893 = tpu.memref_slice %arg7[%mul3A_889] : memref<32768xf32, #tpu.memory_space<vmem>> -> memref<2048xf32, #tpu.memory_space<vmem>>
        %dma_wait3A_894 = arith.constant 0 : i32
        %dma_wait3A_895 = tpu.memref_slice %arg2[%dma_wait3A_894] : memref<8912896xf32, #tpu.memory_space<hbm>> -> memref<2048xf32, #tpu.memory_space<hbm>>
        tpu.wait_dma2 semaphore(%arg9 : memref<!tpu.dma_semaphore, #tpu.memory_space<semaphore_mem>>) src(%dma_wait3A_895 : memref<2048xf32, #tpu.memory_space<hbm>>) dst(%dma_wait3A_893 : memref<2048xf32, #tpu.memory_space<vmem>>)
      } else {
      }
      %and3A_755 = arith.constant 28 : i32
      %and3A_756 = arith.andi %squeeze3A_306, %and3A_755 : i32
      %and3A_757 = arith.constant 2 : i32
      %and3A_758 = arith.andi %squeeze3A_306, %and3A_757 : i32
      %ne3A_759 = arith.constant 0 : i32
      %ne3A_760 = arith.cmpi ne, %and3A_758, %ne3A_759 : i32
      %convert_element_type3A_761 = arith.extui %ne3A_760 : i1 to i32
      %cond3A_762 = arith.constant 0 : i32
      %cond3A_763 = arith.cmpi ne, %convert_element_type3A_761, %cond3A_762 : i32
      scf.if %cond3A_763 {
        %add3A_886 = arith.constant 16 : i32
        %add3A_887 = arith.addi %add3A_886, %and3A_756 : i32
        %mul3A_888 = arith.constant 512 : i32
        %mul3A_889 = arith.muli %add3A_887, %mul3A_888 : i32
        %dma_wait3A_890 = tpu.memref_slice %arg7[%mul3A_889] : memref<32768xf32, #tpu.memory_space<vmem>> -> memref<1024xf32, #tpu.memory_space<vmem>>
        %dma_wait3A_891 = arith.constant 0 : i32
        %dma_wait3A_892 = tpu.memref_slice %arg2[%dma_wait3A_891] : memref<8912896xf32, #tpu.memory_space<hbm>> -> memref<1024xf32, #tpu.memory_space<hbm>>
        %dma_wait3A_893 = tpu.memref_slice %arg7[%mul3A_889] : memref<32768xf32, #tpu.memory_space<vmem>> -> memref<1024xf32, #tpu.memory_space<vmem>>
        %dma_wait3A_894 = arith.constant 0 : i32
        %dma_wait3A_895 = tpu.memref_slice %arg2[%dma_wait3A_894] : memref<8912896xf32, #tpu.memory_space<hbm>> -> memref<1024xf32, #tpu.memory_space<hbm>>
        tpu.wait_dma2 semaphore(%arg9 : memref<!tpu.dma_semaphore, #tpu.memory_space<semaphore_mem>>) src(%dma_wait3A_895 : memref<1024xf32, #tpu.memory_space<hbm>>) dst(%dma_wait3A_893 : memref<1024xf32, #tpu.memory_space<vmem>>)
      } else {
      }
      %and3A_764 = arith.constant 30 : i32
      %and3A_765 = arith.andi %squeeze3A_306, %and3A_764 : i32
      %and3A_766 = arith.constant 1 : i32
      %and3A_767 = arith.andi %squeeze3A_306, %and3A_766 : i32
      %ne3A_768 = arith.constant 0 : i32
      %ne3A_769 = arith.cmpi ne, %and3A_767, %ne3A_768 : i32
      %convert_element_type3A_770 = arith.extui %ne3A_769 : i1 to i32
      %cond3A_771 = arith.constant 0 : i32
      %cond3A_772 = arith.cmpi ne, %convert_element_type3A_770, %cond3A_771 : i32
      scf.if %cond3A_772 {
        %add3A_886 = arith.constant 16 : i32
        %add3A_887 = arith.addi %add3A_886, %and3A_765 : i32
        %mul3A_888 = arith.constant 512 : i32
        %mul3A_889 = arith.muli %add3A_887, %mul3A_888 : i32
        %dma_wait3A_890 = tpu.memref_slice %arg7[%mul3A_889] : memref<32768xf32, #tpu.memory_space<vmem>> -> memref<512xf32, #tpu.memory_space<vmem>>
        %dma_wait3A_891 = arith.constant 0 : i32
        %dma_wait3A_892 = tpu.memref_slice %arg2[%dma_wait3A_891] : memref<8912896xf32, #tpu.memory_space<hbm>> -> memref<512xf32, #tpu.memory_space<hbm>>
        %dma_wait3A_893 = tpu.memref_slice %arg7[%mul3A_889] : memref<32768xf32, #tpu.memory_space<vmem>> -> memref<512xf32, #tpu.memory_space<vmem>>
        %dma_wait3A_894 = arith.constant 0 : i32
        %dma_wait3A_895 = tpu.memref_slice %arg2[%dma_wait3A_894] : memref<8912896xf32, #tpu.memory_space<hbm>> -> memref<512xf32, #tpu.memory_space<hbm>>
        tpu.wait_dma2 semaphore(%arg9 : memref<!tpu.dma_semaphore, #tpu.memory_space<semaphore_mem>>) src(%dma_wait3A_895 : memref<512xf32, #tpu.memory_space<hbm>>) dst(%dma_wait3A_893 : memref<512xf32, #tpu.memory_space<vmem>>)
      } else {
      }
      %and3A_773 = arith.constant 0 : i32
      %and3A_774 = arith.andi %squeeze3A_308, %and3A_773 : i32
      %and3A_775 = arith.constant 16 : i32
      %and3A_776 = arith.andi %squeeze3A_308, %and3A_775 : i32
      %ne3A_777 = arith.constant 0 : i32
      %ne3A_778 = arith.cmpi ne, %and3A_776, %ne3A_777 : i32
      %convert_element_type3A_779 = arith.extui %ne3A_778 : i1 to i32
      %cond3A_780 = arith.constant 0 : i32
      %cond3A_781 = arith.cmpi ne, %convert_element_type3A_779, %cond3A_780 : i32
      scf.if %cond3A_781 {
        %add3A_886 = arith.constant 32 : i32
        %add3A_887 = arith.addi %add3A_886, %and3A_774 : i32
        %mul3A_888 = arith.constant 512 : i32
        %mul3A_889 = arith.muli %add3A_887, %mul3A_888 : i32
        %dma_wait3A_890 = tpu.memref_slice %arg7[%mul3A_889] : memref<32768xf32, #tpu.memory_space<vmem>> -> memref<8192xf32, #tpu.memory_space<vmem>>
        %dma_wait3A_891 = arith.constant 0 : i32
        %dma_wait3A_892 = tpu.memref_slice %arg2[%dma_wait3A_891] : memref<8912896xf32, #tpu.memory_space<hbm>> -> memref<8192xf32, #tpu.memory_space<hbm>>
        %dma_wait3A_893 = tpu.memref_slice %arg7[%mul3A_889] : memref<32768xf32, #tpu.memory_space<vmem>> -> memref<8192xf32, #tpu.memory_space<vmem>>
        %dma_wait3A_894 = arith.constant 0 : i32
        %dma_wait3A_895 = tpu.memref_slice %arg2[%dma_wait3A_894] : memref<8912896xf32, #tpu.memory_space<hbm>> -> memref<8192xf32, #tpu.memory_space<hbm>>
        tpu.wait_dma2 semaphore(%arg9 : memref<!tpu.dma_semaphore, #tpu.memory_space<semaphore_mem>>) src(%dma_wait3A_895 : memref<8192xf32, #tpu.memory_space<hbm>>) dst(%dma_wait3A_893 : memref<8192xf32, #tpu.memory_space<vmem>>)
      } else {
      }
      %and3A_782 = arith.constant 16 : i32
      %and3A_783 = arith.andi %squeeze3A_308, %and3A_782 : i32
      %and3A_784 = arith.constant 8 : i32
      %and3A_785 = arith.andi %squeeze3A_308, %and3A_784 : i32
      %ne3A_786 = arith.constant 0 : i32
      %ne3A_787 = arith.cmpi ne, %and3A_785, %ne3A_786 : i32
      %convert_element_type3A_788 = arith.extui %ne3A_787 : i1 to i32
      %cond3A_789 = arith.constant 0 : i32
      %cond3A_790 = arith.cmpi ne, %convert_element_type3A_788, %cond3A_789 : i32
      scf.if %cond3A_790 {
        %add3A_886 = arith.constant 32 : i32
        %add3A_887 = arith.addi %add3A_886, %and3A_783 : i32
        %mul3A_888 = arith.constant 512 : i32
        %mul3A_889 = arith.muli %add3A_887, %mul3A_888 : i32
        %dma_wait3A_890 = tpu.memref_slice %arg7[%mul3A_889] : memref<32768xf32, #tpu.memory_space<vmem>> -> memref<4096xf32, #tpu.memory_space<vmem>>
        %dma_wait3A_891 = arith.constant 0 : i32
        %dma_wait3A_892 = tpu.memref_slice %arg2[%dma_wait3A_891] : memref<8912896xf32, #tpu.memory_space<hbm>> -> memref<4096xf32, #tpu.memory_space<hbm>>
        %dma_wait3A_893 = tpu.memref_slice %arg7[%mul3A_889] : memref<32768xf32, #tpu.memory_space<vmem>> -> memref<4096xf32, #tpu.memory_space<vmem>>
        %dma_wait3A_894 = arith.constant 0 : i32
        %dma_wait3A_895 = tpu.memref_slice %arg2[%dma_wait3A_894] : memref<8912896xf32, #tpu.memory_space<hbm>> -> memref<4096xf32, #tpu.memory_space<hbm>>
        tpu.wait_dma2 semaphore(%arg9 : memref<!tpu.dma_semaphore, #tpu.memory_space<semaphore_mem>>) src(%dma_wait3A_895 : memref<4096xf32, #tpu.memory_space<hbm>>) dst(%dma_wait3A_893 : memref<4096xf32, #tpu.memory_space<vmem>>)
      } else {
      }
      %and3A_791 = arith.constant 24 : i32
      %and3A_792 = arith.andi %squeeze3A_308, %and3A_791 : i32
      %and3A_793 = arith.constant 4 : i32
      %and3A_794 = arith.andi %squeeze3A_308, %and3A_793 : i32
      %ne3A_795 = arith.constant 0 : i32
      %ne3A_796 = arith.cmpi ne, %and3A_794, %ne3A_795 : i32
      %convert_element_type3A_797 = arith.extui %ne3A_796 : i1 to i32
      %cond3A_798 = arith.constant 0 : i32
      %cond3A_799 = arith.cmpi ne, %convert_element_type3A_797, %cond3A_798 : i32
      scf.if %cond3A_799 {
        %add3A_886 = arith.constant 32 : i32
        %add3A_887 = arith.addi %add3A_886, %and3A_792 : i32
        %mul3A_888 = arith.constant 512 : i32
        %mul3A_889 = arith.muli %add3A_887, %mul3A_888 : i32
        %dma_wait3A_890 = tpu.memref_slice %arg7[%mul3A_889] : memref<32768xf32, #tpu.memory_space<vmem>> -> memref<2048xf32, #tpu.memory_space<vmem>>
        %dma_wait3A_891 = arith.constant 0 : i32
        %dma_wait3A_892 = tpu.memref_slice %arg2[%dma_wait3A_891] : memref<8912896xf32, #tpu.memory_space<hbm>> -> memref<2048xf32, #tpu.memory_space<hbm>>
        %dma_wait3A_893 = tpu.memref_slice %arg7[%mul3A_889] : memref<32768xf32, #tpu.memory_space<vmem>> -> memref<2048xf32, #tpu.memory_space<vmem>>
        %dma_wait3A_894 = arith.constant 0 : i32
        %dma_wait3A_895 = tpu.memref_slice %arg2[%dma_wait3A_894] : memref<8912896xf32, #tpu.memory_space<hbm>> -> memref<2048xf32, #tpu.memory_space<hbm>>
        tpu.wait_dma2 semaphore(%arg9 : memref<!tpu.dma_semaphore, #tpu.memory_space<semaphore_mem>>) src(%dma_wait3A_895 : memref<2048xf32, #tpu.memory_space<hbm>>) dst(%dma_wait3A_893 : memref<2048xf32, #tpu.memory_space<vmem>>)
      } else {
      }
      %and3A_800 = arith.constant 28 : i32
      %and3A_801 = arith.andi %squeeze3A_308, %and3A_800 : i32
      %and3A_802 = arith.constant 2 : i32
      %and3A_803 = arith.andi %squeeze3A_308, %and3A_802 : i32
      %ne3A_804 = arith.constant 0 : i32
      %ne3A_805 = arith.cmpi ne, %and3A_803, %ne3A_804 : i32
      %convert_element_type3A_806 = arith.extui %ne3A_805 : i1 to i32
      %cond3A_807 = arith.constant 0 : i32
      %cond3A_808 = arith.cmpi ne, %convert_element_type3A_806, %cond3A_807 : i32
      scf.if %cond3A_808 {
        %add3A_886 = arith.constant 32 : i32
        %add3A_887 = arith.addi %add3A_886, %and3A_801 : i32
        %mul3A_888 = arith.constant 512 : i32
        %mul3A_889 = arith.muli %add3A_887, %mul3A_888 : i32
        %dma_wait3A_890 = tpu.memref_slice %arg7[%mul3A_889] : memref<32768xf32, #tpu.memory_space<vmem>> -> memref<1024xf32, #tpu.memory_space<vmem>>
        %dma_wait3A_891 = arith.constant 0 : i32
        %dma_wait3A_892 = tpu.memref_slice %arg2[%dma_wait3A_891] : memref<8912896xf32, #tpu.memory_space<hbm>> -> memref<1024xf32, #tpu.memory_space<hbm>>
        %dma_wait3A_893 = tpu.memref_slice %arg7[%mul3A_889] : memref<32768xf32, #tpu.memory_space<vmem>> -> memref<1024xf32, #tpu.memory_space<vmem>>
        %dma_wait3A_894 = arith.constant 0 : i32
        %dma_wait3A_895 = tpu.memref_slice %arg2[%dma_wait3A_894] : memref<8912896xf32, #tpu.memory_space<hbm>> -> memref<1024xf32, #tpu.memory_space<hbm>>
        tpu.wait_dma2 semaphore(%arg9 : memref<!tpu.dma_semaphore, #tpu.memory_space<semaphore_mem>>) src(%dma_wait3A_895 : memref<1024xf32, #tpu.memory_space<hbm>>) dst(%dma_wait3A_893 : memref<1024xf32, #tpu.memory_space<vmem>>)
      } else {
      }
      %and3A_809 = arith.constant 30 : i32
      %and3A_810 = arith.andi %squeeze3A_308, %and3A_809 : i32
      %and3A_811 = arith.constant 1 : i32
      %and3A_812 = arith.andi %squeeze3A_308, %and3A_811 : i32
      %ne3A_813 = arith.constant 0 : i32
      %ne3A_814 = arith.cmpi ne, %and3A_812, %ne3A_813 : i32
      %convert_element_type3A_815 = arith.extui %ne3A_814 : i1 to i32
      %cond3A_816 = arith.constant 0 : i32
      %cond3A_817 = arith.cmpi ne, %convert_element_type3A_815, %cond3A_816 : i32
      scf.if %cond3A_817 {
        %add3A_886 = arith.constant 32 : i32
        %add3A_887 = arith.addi %add3A_886, %and3A_810 : i32
        %mul3A_888 = arith.constant 512 : i32
        %mul3A_889 = arith.muli %add3A_887, %mul3A_888 : i32
        %dma_wait3A_890 = tpu.memref_slice %arg7[%mul3A_889] : memref<32768xf32, #tpu.memory_space<vmem>> -> memref<512xf32, #tpu.memory_space<vmem>>
        %dma_wait3A_891 = arith.constant 0 : i32
        %dma_wait3A_892 = tpu.memref_slice %arg2[%dma_wait3A_891] : memref<8912896xf32, #tpu.memory_space<hbm>> -> memref<512xf32, #tpu.memory_space<hbm>>
        %dma_wait3A_893 = tpu.memref_slice %arg7[%mul3A_889] : memref<32768xf32, #tpu.memory_space<vmem>> -> memref<512xf32, #tpu.memory_space<vmem>>
        %dma_wait3A_894 = arith.constant 0 : i32
        %dma_wait3A_895 = tpu.memref_slice %arg2[%dma_wait3A_894] : memref<8912896xf32, #tpu.memory_space<hbm>> -> memref<512xf32, #tpu.memory_space<hbm>>
        tpu.wait_dma2 semaphore(%arg9 : memref<!tpu.dma_semaphore, #tpu.memory_space<semaphore_mem>>) src(%dma_wait3A_895 : memref<512xf32, #tpu.memory_space<hbm>>) dst(%dma_wait3A_893 : memref<512xf32, #tpu.memory_space<vmem>>)
      } else {
      }
      %and3A_818 = arith.constant 0 : i32
      %and3A_819 = arith.andi %squeeze3A_310, %and3A_818 : i32
      %and3A_820 = arith.constant 16 : i32
      %and3A_821 = arith.andi %squeeze3A_310, %and3A_820 : i32
      %ne3A_822 = arith.constant 0 : i32
      %ne3A_823 = arith.cmpi ne, %and3A_821, %ne3A_822 : i32
      %convert_element_type3A_824 = arith.extui %ne3A_823 : i1 to i32
      %cond3A_825 = arith.constant 0 : i32
      %cond3A_826 = arith.cmpi ne, %convert_element_type3A_824, %cond3A_825 : i32
      scf.if %cond3A_826 {
        %add3A_886 = arith.constant 48 : i32
        %add3A_887 = arith.addi %add3A_886, %and3A_819 : i32
        %mul3A_888 = arith.constant 512 : i32
        %mul3A_889 = arith.muli %add3A_887, %mul3A_888 : i32
        %dma_wait3A_890 = tpu.memref_slice %arg7[%mul3A_889] : memref<32768xf32, #tpu.memory_space<vmem>> -> memref<8192xf32, #tpu.memory_space<vmem>>
        %dma_wait3A_891 = arith.constant 0 : i32
        %dma_wait3A_892 = tpu.memref_slice %arg2[%dma_wait3A_891] : memref<8912896xf32, #tpu.memory_space<hbm>> -> memref<8192xf32, #tpu.memory_space<hbm>>
        %dma_wait3A_893 = tpu.memref_slice %arg7[%mul3A_889] : memref<32768xf32, #tpu.memory_space<vmem>> -> memref<8192xf32, #tpu.memory_space<vmem>>
        %dma_wait3A_894 = arith.constant 0 : i32
        %dma_wait3A_895 = tpu.memref_slice %arg2[%dma_wait3A_894] : memref<8912896xf32, #tpu.memory_space<hbm>> -> memref<8192xf32, #tpu.memory_space<hbm>>
        tpu.wait_dma2 semaphore(%arg9 : memref<!tpu.dma_semaphore, #tpu.memory_space<semaphore_mem>>) src(%dma_wait3A_895 : memref<8192xf32, #tpu.memory_space<hbm>>) dst(%dma_wait3A_893 : memref<8192xf32, #tpu.memory_space<vmem>>)
      } else {
      }
      %and3A_827 = arith.constant 16 : i32
      %and3A_828 = arith.andi %squeeze3A_310, %and3A_827 : i32
      %and3A_829 = arith.constant 8 : i32
      %and3A_830 = arith.andi %squeeze3A_310, %and3A_829 : i32
      %ne3A_831 = arith.constant 0 : i32
      %ne3A_832 = arith.cmpi ne, %and3A_830, %ne3A_831 : i32
      %convert_element_type3A_833 = arith.extui %ne3A_832 : i1 to i32
      %cond3A_834 = arith.constant 0 : i32
      %cond3A_835 = arith.cmpi ne, %convert_element_type3A_833, %cond3A_834 : i32
      scf.if %cond3A_835 {
        %add3A_886 = arith.constant 48 : i32
        %add3A_887 = arith.addi %add3A_886, %and3A_828 : i32
        %mul3A_888 = arith.constant 512 : i32
        %mul3A_889 = arith.muli %add3A_887, %mul3A_888 : i32
        %dma_wait3A_890 = tpu.memref_slice %arg7[%mul3A_889] : memref<32768xf32, #tpu.memory_space<vmem>> -> memref<4096xf32, #tpu.memory_space<vmem>>
        %dma_wait3A_891 = arith.constant 0 : i32
        %dma_wait3A_892 = tpu.memref_slice %arg2[%dma_wait3A_891] : memref<8912896xf32, #tpu.memory_space<hbm>> -> memref<4096xf32, #tpu.memory_space<hbm>>
        %dma_wait3A_893 = tpu.memref_slice %arg7[%mul3A_889] : memref<32768xf32, #tpu.memory_space<vmem>> -> memref<4096xf32, #tpu.memory_space<vmem>>
        %dma_wait3A_894 = arith.constant 0 : i32
        %dma_wait3A_895 = tpu.memref_slice %arg2[%dma_wait3A_894] : memref<8912896xf32, #tpu.memory_space<hbm>> -> memref<4096xf32, #tpu.memory_space<hbm>>
        tpu.wait_dma2 semaphore(%arg9 : memref<!tpu.dma_semaphore, #tpu.memory_space<semaphore_mem>>) src(%dma_wait3A_895 : memref<4096xf32, #tpu.memory_space<hbm>>) dst(%dma_wait3A_893 : memref<4096xf32, #tpu.memory_space<vmem>>)
      } else {
      }
      %and3A_836 = arith.constant 24 : i32
      %and3A_837 = arith.andi %squeeze3A_310, %and3A_836 : i32
      %and3A_838 = arith.constant 4 : i32
      %and3A_839 = arith.andi %squeeze3A_310, %and3A_838 : i32
      %ne3A_840 = arith.constant 0 : i32
      %ne3A_841 = arith.cmpi ne, %and3A_839, %ne3A_840 : i32
      %convert_element_type3A_842 = arith.extui %ne3A_841 : i1 to i32
      %cond3A_843 = arith.constant 0 : i32
      %cond3A_844 = arith.cmpi ne, %convert_element_type3A_842, %cond3A_843 : i32
      scf.if %cond3A_844 {
        %add3A_886 = arith.constant 48 : i32
        %add3A_887 = arith.addi %add3A_886, %and3A_837 : i32
        %mul3A_888 = arith.constant 512 : i32
        %mul3A_889 = arith.muli %add3A_887, %mul3A_888 : i32
        %dma_wait3A_890 = tpu.memref_slice %arg7[%mul3A_889] : memref<32768xf32, #tpu.memory_space<vmem>> -> memref<2048xf32, #tpu.memory_space<vmem>>
        %dma_wait3A_891 = arith.constant 0 : i32
        %dma_wait3A_892 = tpu.memref_slice %arg2[%dma_wait3A_891] : memref<8912896xf32, #tpu.memory_space<hbm>> -> memref<2048xf32, #tpu.memory_space<hbm>>
        %dma_wait3A_893 = tpu.memref_slice %arg7[%mul3A_889] : memref<32768xf32, #tpu.memory_space<vmem>> -> memref<2048xf32, #tpu.memory_space<vmem>>
        %dma_wait3A_894 = arith.constant 0 : i32
        %dma_wait3A_895 = tpu.memref_slice %arg2[%dma_wait3A_894] : memref<8912896xf32, #tpu.memory_space<hbm>> -> memref<2048xf32, #tpu.memory_space<hbm>>
        tpu.wait_dma2 semaphore(%arg9 : memref<!tpu.dma_semaphore, #tpu.memory_space<semaphore_mem>>) src(%dma_wait3A_895 : memref<2048xf32, #tpu.memory_space<hbm>>) dst(%dma_wait3A_893 : memref<2048xf32, #tpu.memory_space<vmem>>)
      } else {
      }
      %and3A_845 = arith.constant 28 : i32
      %and3A_846 = arith.andi %squeeze3A_310, %and3A_845 : i32
      %and3A_847 = arith.constant 2 : i32
      %and3A_848 = arith.andi %squeeze3A_310, %and3A_847 : i32
      %ne3A_849 = arith.constant 0 : i32
      %ne3A_850 = arith.cmpi ne, %and3A_848, %ne3A_849 : i32
      %convert_element_type3A_851 = arith.extui %ne3A_850 : i1 to i32
      %cond3A_852 = arith.constant 0 : i32
      %cond3A_853 = arith.cmpi ne, %convert_element_type3A_851, %cond3A_852 : i32
      scf.if %cond3A_853 {
        %add3A_886 = arith.constant 48 : i32
        %add3A_887 = arith.addi %add3A_886, %and3A_846 : i32
        %mul3A_888 = arith.constant 512 : i32
        %mul3A_889 = arith.muli %add3A_887, %mul3A_888 : i32
        %dma_wait3A_890 = tpu.memref_slice %arg7[%mul3A_889] : memref<32768xf32, #tpu.memory_space<vmem>> -> memref<1024xf32, #tpu.memory_space<vmem>>
        %dma_wait3A_891 = arith.constant 0 : i32
        %dma_wait3A_892 = tpu.memref_slice %arg2[%dma_wait3A_891] : memref<8912896xf32, #tpu.memory_space<hbm>> -> memref<1024xf32, #tpu.memory_space<hbm>>
        %dma_wait3A_893 = tpu.memref_slice %arg7[%mul3A_889] : memref<32768xf32, #tpu.memory_space<vmem>> -> memref<1024xf32, #tpu.memory_space<vmem>>
        %dma_wait3A_894 = arith.constant 0 : i32
        %dma_wait3A_895 = tpu.memref_slice %arg2[%dma_wait3A_894] : memref<8912896xf32, #tpu.memory_space<hbm>> -> memref<1024xf32, #tpu.memory_space<hbm>>
        tpu.wait_dma2 semaphore(%arg9 : memref<!tpu.dma_semaphore, #tpu.memory_space<semaphore_mem>>) src(%dma_wait3A_895 : memref<1024xf32, #tpu.memory_space<hbm>>) dst(%dma_wait3A_893 : memref<1024xf32, #tpu.memory_space<vmem>>)
      } else {
      }
      %and3A_854 = arith.constant 30 : i32
      %and3A_855 = arith.andi %squeeze3A_310, %and3A_854 : i32
      %and3A_856 = arith.constant 1 : i32
      %and3A_857 = arith.andi %squeeze3A_310, %and3A_856 : i32
      %ne3A_858 = arith.constant 0 : i32
      %ne3A_859 = arith.cmpi ne, %and3A_857, %ne3A_858 : i32
      %convert_element_type3A_860 = arith.extui %ne3A_859 : i1 to i32
      %cond3A_861 = arith.constant 0 : i32
      %cond3A_862 = arith.cmpi ne, %convert_element_type3A_860, %cond3A_861 : i32
      scf.if %cond3A_862 {
        %add3A_886 = arith.constant 48 : i32
        %add3A_887 = arith.addi %add3A_886, %and3A_855 : i32
        %mul3A_888 = arith.constant 512 : i32
        %mul3A_889 = arith.muli %add3A_887, %mul3A_888 : i32
        %dma_wait3A_890 = tpu.memref_slice %arg7[%mul3A_889] : memref<32768xf32, #tpu.memory_space<vmem>> -> memref<512xf32, #tpu.memory_space<vmem>>
        %dma_wait3A_891 = arith.constant 0 : i32
        %dma_wait3A_892 = tpu.memref_slice %arg2[%dma_wait3A_891] : memref<8912896xf32, #tpu.memory_space<hbm>> -> memref<512xf32, #tpu.memory_space<hbm>>
        %dma_wait3A_893 = tpu.memref_slice %arg7[%mul3A_889] : memref<32768xf32, #tpu.memory_space<vmem>> -> memref<512xf32, #tpu.memory_space<vmem>>
        %dma_wait3A_894 = arith.constant 0 : i32
        %dma_wait3A_895 = tpu.memref_slice %arg2[%dma_wait3A_894] : memref<8912896xf32, #tpu.memory_space<hbm>> -> memref<512xf32, #tpu.memory_space<hbm>>
        tpu.wait_dma2 semaphore(%arg9 : memref<!tpu.dma_semaphore, #tpu.memory_space<semaphore_mem>>) src(%dma_wait3A_895 : memref<512xf32, #tpu.memory_space<hbm>>) dst(%dma_wait3A_893 : memref<512xf32, #tpu.memory_space<vmem>>)
      } else {
      }
      %mul3A_863 = arith.constant 32768 : i32
      %mul3A_864 = arith.muli %sub3A_82, %mul3A_863 : i32
      %dma_start3A_865 = tpu.memref_slice %arg5[%mul3A_864] : memref<16777216xf32, #tpu.memory_space<hbm>> -> memref<32768xf32, #tpu.memory_space<hbm>>
      %dma_start3A_866 = tpu.memref_slice %arg5[%mul3A_864] : memref<16777216xf32, #tpu.memory_space<hbm>> -> memref<32768xf32, #tpu.memory_space<hbm>>
      tpu.enqueue_dma source(%arg7 : memref<32768xf32, #tpu.memory_space<vmem>>) target(%dma_start3A_866 : memref<32768xf32, #tpu.memory_space<hbm>>) target_semaphore(%arg11 : memref<!tpu.dma_semaphore, #tpu.memory_space<semaphore_mem>>)
      %mul3A_867 = arith.constant 4 : i32
      %mul3A_868 = arith.muli %mul3A_867, %sub3A_82 : i32
      %sub3A_869 = arith.constant 124 : i32
      %sub3A_870 = arith.subi %mul3A_868, %sub3A_869 : i32
      %max3A_871 = arith.constant 0 : i32
      %max3A_872 = arith.maxsi %sub3A_870, %max3A_871 : i32
      %broadcast_in_dim3A_873 = arith.constant 0 : i32
      %broadcast_in_dim3A_874 = vector.broadcast %broadcast_in_dim3A_873 : i32 to vector<16xi32>
      %scan3A_875 = arith.constant 0 : i32
      %scan3A_876 = arith.constant 8 : i32
      %scan3A_877 = arith.addi %scan3A_875, %scan3A_876 : i32
      %scan3A_878 = arith.constant 1 : i32
      %scan3A_879 = scf.for %scan3A_886 = %scan3A_875 to %scan3A_877 step %scan3A_878 iter_args(%scan3A_887 = %broadcast_in_dim3A_874) -> (vector<16xi32>)  : i32 {
        %mul3A_888 = arith.constant 16 : i32
        %mul3A_889 = arith.muli %scan3A_886, %mul3A_888 : i32
        %add3A_890 = arith.addi %max3A_872, %mul3A_889 : i32
        %get3A_891 = arith.index_cast %add3A_890 : i32 to index
        %get3A_892 = tpu.vector_load %arg6[%get3A_891] {strides = array<i32>} : memref<2064xi32, #tpu.memory_space<vmem>>, vector<16xi32>,
        %add3A_893 = arith.addi %scan3A_887, %get3A_892 : vector<16xi32>
        scf.yield %add3A_893 : vector<16xi32>
      }
      %scan3A_880 = arith.constant 8 : i32
      %reduce_sum3A_881 = arith.constant true
      %reduce_sum3A_882 = vector.broadcast %reduce_sum3A_881 : i1 to vector<16xi1>
      %reduce_sum3A_883 = tpu.scan <sum>, %scan3A_879 masked %reduce_sum3A_882 : vector<16xi32>, vector<16xi1> -> vector<16xi32>
      %reduce_sum3A_884 = vector.extract %reduce_sum3A_883[15] : i32 from vector<16xi32>
      %sub3A_885 = arith.subi %sub3A_298, %reduce_sum3A_884 : i32
      scf.yield %sub3A_885 : i32
    }
    %scan3A_64 = arith.constant 8 : i32
    %dma_wait3A = arith.constant 0 : i32
    %dma_wait3A_65 = tpu.memref_slice %arg5[%dma_wait3A] : memref<16777216xf32, #tpu.memory_space<hbm>> -> memref<32768xf32, #tpu.memory_space<hbm>>
    %dma_wait3A_66 = arith.constant 0 : i32
    %dma_wait3A_67 = tpu.memref_slice %arg5[%dma_wait3A_66] : memref<16777216xf32, #tpu.memory_space<hbm>> -> memref<32768xf32, #tpu.memory_space<hbm>>
    tpu.wait_dma2 semaphore(%arg11 : memref<!tpu.dma_semaphore, #tpu.memory_space<semaphore_mem>>) src(%arg7 : memref<32768xf32, #tpu.memory_space<vmem>>) dst(%dma_wait3A_67 : memref<32768xf32, #tpu.memory_space<hbm>>)
    %dma_wait3A_68 = arith.constant 0 : i32
    %dma_wait3A_69 = tpu.memref_slice %arg5[%dma_wait3A_68] : memref<16777216xf32, #tpu.memory_space<hbm>> -> memref<32768xf32, #tpu.memory_space<hbm>>
    %dma_wait3A_70 = arith.constant 0 : i32
    %dma_wait3A_71 = tpu.memref_slice %arg5[%dma_wait3A_70] : memref<16777216xf32, #tpu.memory_space<hbm>> -> memref<32768xf32, #tpu.memory_space<hbm>>
    tpu.wait_dma2 semaphore(%arg12 : memref<!tpu.dma_semaphore, #tpu.memory_space<semaphore_mem>>) src(%arg8 : memref<32768xf32, #tpu.memory_space<vmem>>) dst(%dma_wait3A_71 : memref<32768xf32, #tpu.memory_space<hbm>>)
    return
  }
}

</mosaic_0001>

<sc_bundles>
// kernel: kernel.3.cloned.1.call-start
scs
__scs_entry_jumppad:
0x0: {  	(pc) =	sbr.rel $0x88, $3  }
0x1: {  	(tag) =	ssettag $0x0;
	lr =	simm.s32 $0x1  }
0x2: {  	[smem:$0x3F9F] =	sst lr;
	_ =	strace $0xD0000000  }
0x3: {  	_ = 	snop  }
0x4: {  	_ = 	snop  }
0x5: {  	_ = 	snop  }
0x6: {  	_ = 	snop  }
0x7: {  	_ = 	snop  }
__scs_overlays_trampoline_lowered:
0x8: {  	[smem:$0x3FAE] =	sst s0  }
0x9: {  	[smem:$0x3FAF] =	sst s1  }
0xa: {  	[smem:$0x3FB0] =	sst s2  }
0xb: {  	[smem:$0x3FB1] =	sst s3  }
0xc: {  	[smem:$0x3FB2] =	sst s4  }
0xd: {  	[smem:$0x3FB3] =	sst s5  }
0xe: {  	[smem:$0x3FB4] =	sst s6  }
0xf: {  	[smem:$0x3FB5] =	sst s7  }
0x10: {  	[smem:$0x3FB6] =	sst s8  }
0x11: {  	[smem:$0x3FB7] =	sst s9;
	s0 =	simm.s32 @!p0 $0x0  }
0x12: {  	s1 =	sld [smem:$0x3F9D];
	s0 =	simm.s32 @p0 $0x1  }
0x13: {  	[smem:$0x3FB8] =	sst s0;
	s0 =	simm.s32 @!p1 $0x0  }
0x14: {  	s2 =	sld [smem:$0x3F9C];
	s0 =	simm.s32 @p1 $0x1  }
0x15: {  	[smem:$0x3FB9] =	sst s0;
	s0 =	simm.s32 @!p2 $0x0  }
0x16: {  	s3 =	sld [smem:$0x3FDB];
	s0 =	simm.s32 @p2 $0x1  }
0x17: {  	s4 =	simm.s32 $0x1BF5;
	[smem:$0x3FBB] =	sst s0  }
0x18: {  	s0 =	sld [smem:$0x3F9E];
	_ =	swait.ge [sflag:s4], $0x0  }
0x19: {  	s7 =	sld [smem:$0x3F9F]  }
0x1a: {  	s8 =	sadd.s32 $0xFFFFE003, lr  }
0x1b: {  	s9 =	sadd.s32 $0xFFFFFEF7, lr;
	s5 =	simm.s32 $0xFFFFFFFF;
	p2 =	slt.u32 s8, $0xFFFFF086  }
0x1c: {  	p1 =	slt.u32 s9, $0xF7A;
	s5 =	simm.s32 @!p2 $0x0  }
0x1d: {  	s5 =	simm.s32 @p1 $0x1;
	p0 =	seq.s32 s7, s2  }
0x1e: {  	s7 =	smul.u32 @!p0 $0xF7A, s2;
	p2 =	seq.s32 @!p0 s5, $0x0  }
0x1f: {  	s9 =	smul.u32 $0xF7A, s1;
	s8 =	simm.s32 @!p0 $0x1BF5;
	p2 =	por !p2, p0  }
0x20: {  	[sflag:s8] =	ssyncset.s32 @!p0 $0xFFFFF086;
	s6 =	sadd.s32 @!p0 s3, s7;
	s7 =	simm.s32 @!p0 $0x108  }
0x21: {  	s3 =	sadd.s32 s3, s9;
	s6 =	sadd.s32 @!p0 $0x88, s6;
	s7 =	simm.s32 @p2 $0x1082  }
0x22: {  	[simem:s7], [sflag:s8] =	dma.local @!p0 [hbm:s6], $0xF7A  }
0x23: {  	s9 =	sor.u32 $0xD0000000, s2;
	s6 =	simm.s32 $0x108;
	_ =	swait.ge @!p0 [sflag:s8], $0x0  }
0x24: {  	s3 =	sadd.s32 $0x88, s3;
	s6 =	simm.s32 @!p1 $0x1082;
	[sflag:s4] =	ssyncset.s32 $0xFFFFF086  }
0x25: {  	[simem:s6], [sflag:s4] =	dma.local [hbm:s3], $0xF7A  }
0x26: {  	[smem:$0x3F9F] =	sst s1;
	(tag) =	ssettag s2;
	_ =	strace s9  }
0x27: {  	s1 =	sld [smem:$0x3FAF]  }
0x28: {  	s2 =	sld [smem:$0x3FB0]  }
0x29: {  	s4 =	sld [smem:$0x3FB2]  }
0x2a: {  	p0 =	seq.s32 s5, $0x0;
	s5 =	sld [smem:$0x3FB3]  }
0x2b: {  	s6 =	sld [smem:$0x3FB4]  }
0x2c: {  	s7 =	sld [smem:$0x3FB5]  }
0x2d: {  	s3 =	simm.s32 $0x108;
	s8 =	sld [smem:$0x3FB6]  }
0x2e: {  	s3 =	simm.s32 @!p0 $0x1082;
	s9 =	sld [smem:$0x3FB7]  }
0x2f: {  	lr =	sadd.s32 s0, s3;
	s0 =	sld [smem:$0x3FAE]  }
0x30: {  	s3 =	sld [smem:$0x3FB1]  }
0x31: {  	[smem:$0x3FBA] =	sst s10  }
0x32: {  	s10 =	sld [smem:$0x3FB8];
	_ =	sdelay $0x3  }
0x33: {  	p0 =	seq.s32 s10, $0x1;
	s10 =	sld [smem:$0x3FBA];
	_ =	sdelay $0x3  }
0x34: {  	[smem:$0x3FBA] =	sst s10  }
0x35: {  	s10 =	sld [smem:$0x3FB9];
	_ =	sdelay $0x3  }
0x36: {  	p1 =	seq.s32 s10, $0x1;
	s10 =	sld [smem:$0x3FBA];
	_ =	sdelay $0x3  }
0x37: {  	[smem:$0x3FBA] =	sst s10  }
0x38: {  	s10 =	sld [smem:$0x3FBB]  }
0x39: {  	_ = 	snop;
	(pc) =	sbr.ind lr, $3  }
0x3a: {  	_ = 	snop  }
0x3b: {  	_ = 	snop  }
0x3c: {  	p2 =	seq.s32 s10, $0x1;
	s10 =	sld [smem:$0x3FBA]  }
0x3d: {  	_ =	shalt  }
0x3e: {  	_ =	shalt  }
0x3f: {  	_ =	shalt  }
0x40: {  	_ =	shalt  }
0x41: {  	_ =	shalt  }
0x42: {  	_ =	shalt  }
0x43: {  	_ =	shalt  }
0x44: {  	_ =	shalt  }
0x45: {  	_ =	shalt  }
0x46: {  	_ =	shalt  }
0x47: {  	_ =	shalt  }
0x48: {  	_ =	shalt  }
0x49: {  	_ =	shalt  }
0x4a: {  	_ =	shalt  }
0x4b: {  	_ =	shalt  }
0x4c: {  	_ =	shalt  }
0x4d: {  	_ =	shalt  }
0x4e: {  	_ =	shalt  }
0x4f: {  	_ =	shalt  }
0x50: {  	_ =	shalt  }
0x51: {  	_ =	shalt  }
0x52: {  	_ =	shalt  }
0x53: {  	_ =	shalt  }
0x54: {  	_ =	shalt  }
0x55: {  	_ =	shalt  }
0x56: {  	_ =	shalt  }
0x57: {  	_ =	shalt  }
0x58: {  	_ =	shalt  }
0x59: {  	_ =	shalt  }
0x5a: {  	_ =	shalt  }
0x5b: {  	_ =	shalt  }
0x5c: {  	_ =	shalt  }
0x5d: {  	_ =	shalt  }
0x5e: {  	_ =	shalt  }
0x5f: {  	_ =	shalt  }
0x60: {  	_ =	shalt  }
0x61: {  	_ =	shalt  }
0x62: {  	_ =	shalt  }
0x63: {  	_ =	shalt  }
0x64: {  	_ =	shalt  }
0x65: {  	_ =	shalt  }
0x66: {  	_ =	shalt  }
0x67: {  	_ =	shalt  }
0x68: {  	_ =	shalt  }
0x69: {  	_ =	shalt  }
0x6a: {  	_ =	shalt  }
0x6b: {  	_ =	shalt  }
0x6c: {  	_ =	shalt  }
0x6d: {  	_ =	shalt  }
0x6e: {  	_ =	shalt  }
0x6f: {  	_ =	shalt  }
0x70: {  	_ =	shalt  }
0x71: {  	_ =	shalt  }
0x72: {  	_ =	shalt  }
0x73: {  	_ =	shalt  }
0x74: {  	_ =	shalt  }
0x75: {  	_ =	shalt  }
0x76: {  	_ =	shalt  }
0x77: {  	_ =	shalt  }
0x78: {  	_ =	shalt  }
0x79: {  	_ =	shalt  }
0x7a: {  	_ =	shalt  }
0x7b: {  	_ =	shalt  }
0x7c: {  	_ =	shalt  }
0x7d: {  	_ =	shalt  }
0x7e: {  	_ =	shalt  }
0x7f: {  	_ =	shalt  }
0x80: {  	_ =	shalt  }
0x81: {  	_ =	shalt  }
0x82: {  	_ =	shalt  }
0x83: {  	_ =	shalt  }
0x84: {  	_ =	shalt  }
0x85: {  	_ =	shalt  }
0x86: {  	_ =	shalt  }
0x87: {  	_ =	shalt  }
.Lfunc_end0:
.L_simem_size_0:
called_computation.1_lowered:
.L_overlay_start_0:
0x88: {  	s2 =	sld [smem:$0x3FD9]  }
0x89: {  	s3 =	sld [smem:$0x3FFE];
	_ =	sdelay $0x1  }
0x8a: {  	s1 =	srdreg.scid  }
0x8b: {  	s0 =	sand.u32 $0x1, s1  }
0x8c: {  	s17 =	sshll.u32 s0, $0xA;
	s2 =	sadd.s32 s3, s2  }
0x8d: {  	s2 =	sadd.s32 s2, s17  }
0x8e: {  	[smem:$0x3FC6] =	sst s2  }
0x8f: {  	_ = 	snop  }
0x90: {  	s2 =	sld [smem:$0x3FC8]  }
0x91: {  	s18 =	sld [smem:$0x3FD0];
	(tm) =	ssettm $0x1  }
0x92: {  	s4 =	sld [smem:$0x3FFB];
	_ =	sdelay $0x3  }
0x93: {  	_ =	strace s4  }
0x94: {  	s4 =	sld [smem:$0x3FFC];
	_ =	sdelay $0x3  }
0x95: {  	_ =	strace s4  }
0x96: {  	s4 =	sld [smem:$0x3FFD];
	_ =	sdelay $0x3  }
0x97: {  	_ =	strace s4  }
0x98: {  	_ =	strace $0x8FFFFFFF  }
0x99: {  	s19 =	sld [smem:$0x3FDB];
	_ =	sdelay $0x1  }
0x9a: {  	s5 =	simm.s32 $_scs_section_size  }
0x9b: {  	s6 =	simm.s32 $_size__tile_overlayer_lowered;
	s7 =	simm.s32 $_tile_overlayer_lowered  }
0x9c: {  	s22 =	simm.s32 $0x1BFF;
	s21 =	sshll.u32 s7, $0x1;
	s4 =	sadd.s32 s5, s19  }
0x9d: {  	s8 =	simm.s32 $0x0;
	s20 =	sshll.u32 s6, $0x1;
	s6 =	sadd.s32 s21, s4  }
0x9e: {  	[timem:s8], [sflag:s22] =	dma.local [hbm:s6], s20  }
0x9f: {  	_ =	swait.ge [sflag:s22], s20  }
0xa0: {  	s5 =	ssub.s32 $0x0, s20;
	[sflag:s22] =	ssyncset.done $0x0  }
0xa1: {  	[sflag:s22] =	ssyncadd.s32 s5;
	_ =	sdelay $0x1  }
0xa2: {  	s23 =	simm.s32 $0x1B8B  }
0xa3: {  	_ =	swait.ge [sflag:s23], $0x1  }
0xa4: {  	[sflag:s23] =	ssyncset.done $0x0  }
0xa5: {  	s25 =	simm.s32 $0x1B8E;
	s24 =	sld [smem:$0x3FFE];
	[sflag:s23] =	ssyncadd.s32 $0xFFFFFFFF  }
0xa6: {  	s26 =	simm.s32 $execute0_lowered;
	[smem:$0x3FD2] =	sst s25  }
0xa7: {  	s6 =	sshll.u32 s26, $0x1;
	_ =	strace $0x80000049;
	[dreg:$0x1] =	wrdreg $0xFFFFFFFF  }
0xa8: {  	s28 =	simm.s32 $_size_execute0_lowered;
	s4 =	sadd.s32 s4, s6;
	[dreg:$0x0] =	wrdreg $0x0  }
0xa9: {  	s6 =	sshll.u32 s28, $0x1;
	[dreg:$0x2] =	wrdreg s4  }
0xaa: {  	[dreg:$0x3] =	wrdreg s6  }
0xab: {  	[dreg:$0x4] =	wrdreg $0xC0  }
0xac: {  	_ =	task [dreg:s8], $0x5FFFF  }
0xad: {  	[dreg:$0x1] =	wrdreg $0xFFFFFFFF  }
0xae: {  	[dreg:$0x0] =	wrdreg $0x60  }
0xaf: {  	[dreg:$0x2] =	wrdreg s18  }
0xb0: {  	[dreg:$0x3] =	wrdreg s2  }
0xb1: {  	[dreg:$0x4] =	wrdreg s24  }
0xb2: {  	[dreg:$0x5] =	wrdreg $0x9  }
0xb3: {  	_ =	task.clear_ibuf [dreg:s8], $0x6FFFF;
	_ =	strace $0x90000049  }
0xb4: {  	s29 =	simm.s32 $0x9;
	_ =	strace $0x8000004B  }
0xb5: {  	_ =	swait.ge [sflag:s29], $0x1  }
0xb6: {  	[sflag:s29] =	ssyncadd.s32 $0xFFFFFFFF  }
0xb7: {  	_ =	strace $0x9000004B  }
0xb8: {  	_ =	sfence  }
0xb9: {  	s30 =	sld [smem:$0x0];
	_ =	sdelay $0x2  }
0xba: {  	s31 =	sshll.u32 s1, $0xD;
	s1 =	sshrl.u32 s1, $0x2  }
0xbb: {  	s3 =	sand.u32 $0x4000, s31;
	s1 =	sadd.s32 s1, s30  }
0xbc: {  	s0 =	sor.u32 s3, s0;
	s1 =	sshll.u32 s1, $0x11  }
0xbd: {  	s0 =	sor.u32 s1, s0  }
0xbe: {  	s0 =	sadd.s32 $0x8F2B, s0  }
0xbf: {  	[sflag:s0] =	ssyncadd.remote.s32 $0x1  }
0xc0: {  	_ =	sfence.sel $0xFFFF  }
0xc1: {  	[dreg:$0x0] =	wrdreg $0xFFFFFFFF;
	(pc) =	sbr.abs _section_cstart, $3  }
0xc2: {  	[dreg:$0x1] =	wrdreg $0xFFFFFFFF  }
0xc3: {  	_ =	task.clear_ibuf [dreg:s8], $0x2FFFF;
	_ =	strace $0x9FFFFFFF  }
0xc4: {  	(tm) =	ssettm $0x7FFFFFFF  }
0xc5: {  	_ =	shalt  }
tec
execute0_lowered:
.L_overlay_start_1:
0x0: {  	(tag) =	ssettag $0x1  }
0x1: {  	s1 =	rddreg [dreg:$0x0]  }
0x2: {  	s2 =	rddreg [dreg:$0x1]  }
0x3: {  	s6 =	rddreg [dreg:$0x2];
	s4 =	simm.s32 $0x0;
	s5 =	srdreg.scid  }
0x4: {  	s0 =	stileid.u32;
	s15 =	simm.s32 $0x4;
	s16 =	simm.s32 $0x0  }
0x5: {  	[smem:$0x7FF] =	sst s4;
	s7 =	sand.u32 $0x1, s5;
	s8 =	sshll.u32 s0, $0x3  }
0x6: {  	s5 =	sadd.s32 $0x800, s6;
	s23 =	sshll.u32 s0, $0xD;
	s14 =	sshll.u32 s0, $0x5  }
0x7: {  	_ =	strace $0x8000004A;
	s9 =	sshll.u32 s7, $0x2;
	s10 =	ssub.s32 $0x2, s7  }
0x8: {  	s6 =	sadd.s32 s23, s6;
	s28 =	sshll.u32 s7, $0xC;
	s7 =	sshll.u32 s7, $0x4  }
0x9: {  	s8 =	sor.u32 s9, s8;
	s11 =	sshrl.u32 s10, $0x1;
	s30 =	sor.u32 s7, s14  }
0xa: {  	s14 =	simm.s32 $0x3;
	s12 =	sadd.s32 $0x784, s8;
	s24 =	ssub.s32 s10, s11  }
0xb: {  	s10 =	sadd.s32 s28, s6;
	s31 =	sor.u32 $0x1E00, s30;
	s8 =	sor.u32 $0x700, s8  }
0xc: {  	s11 =	simm.s32 $0x880;
	s25 =	sshll.u32 s12, $0x2;
	s26 =	sand.u32 $0xC, s12  }
0xd: {  	s6 =	smax.u32 s24, $0x1;
	s29 =	sadd.s32 $0x1800, s10;
	s7 =	sshrl.u32 s12, $0x4  }
0xe: {  	v1 =	vlaneseq.u32;
	s9 =	sshrl.u32 s31, $0x2;
	s10 =	simm.s32 $0x5;
	s13 =	sand.u32 $0x3FC0, s25;
	v0 =	vmov s26  }
0xf: {  	s12 =	simm.s32 $0x8880;
	[dreg:$0x4] =	wrdreg s29;
	s13 =	sshrl.u32 s13, $0x2;
	vm0 =	vgt.u32 v0, v1  }
.LBB2_1:
0x10: {  	[tilespmem:s4], [sflag:$0x5] =	stream.linear.gather [hbm4b:s2+s4], $0x800, $0x38;
	[tilespmem:$0x10880] =	vst v63  }
0x11: {  	_ =	swait.ge [sflag:s10], $0x800  }
0x12: {  	p0 =	sne.s32 s7, $0x1;
	[sflag:s10] =	ssyncset.done $0x0  }
.Ltmp0:
0x13: {  	[sflag:s10] =	ssyncadd.s32 $0xFFFFF800;
	(pc) =	sbr.rel @!p0 .LBB2_3-.Ltmp0, $4  }
0x14: {  	[tilespmem:s11], [sflag:$0x3] =	stream.linear.gather [hbm4b:s5+s4], $0x8000, $0x38;
	[tilespmem:$0x10880] =	vst v63  }
0x15: {  	_ = 	snop  }
0x16: {  	[tilespmem:s12], [sflag:$0x4] =	stream.linear.gather [hbm4b:s5+s4], $0x8000, $0x38;
	[tilespmem:$0x10880] =	vst v63  }
0x17: {  	v0 =	vimm.s32 $0x0;
	s17 =	sadd.s32 $0xFFFFFFFF, s7;
	s18 =	simm.s32 $0x0;
	v1 =	vld [tilespmem:s4+$0x0]  }
.LBB2_2:
0x18: {  	p0 =	sne.s32 s17, $0x1  }
.Ltmp1:
0x19: {  	_ = 	snop;
	(pc) =	sbr.rel @p0 .LBB2_2-.Ltmp1, $3  }
0x1a: {  	_ =	sdelay $0x1  }
0x1b: {  	s17 =	sadd.s32 $0xFFFFFFFF, s17;
	s18 =	sadd.s32 $0x10, s18;
	v0 =	vadd.s32 v0, v1  }
0x1c: {  	v1 =	vld [tilespmem:s18+$0x0]  }
.LBB2_3:
0x1d: {  	v2 =	vld [tilespmem:s13+$0x0];
	_ =	sdelay $0x4  }
0x1e: {  	v0 =	vadd.s32 v0, v1;
	v63 =	vnsel vm0, $0x0, v2  }
0x1f: {  	v0 =	vadd.s32 v0, v63  }
0x20: {  	(xrf0) =	vadd.scan.msk.s32 $0xffff, v0;
	_ =	sdelay $0x5  }
0x21: {  	v0, _, _ =	vpop (xrf0)  }
0x22: {  	(v2sf) =	vpush v0, $0xF;
	_ =	sdelay $0xe  }
0x23: {  	s20 =	spop (v2sf)  }
0x24: {  	_ =	swait.ge [sflag:s14], $0x8000  }
0x25: {  	[sflag:s14] =	ssyncset.done $0x0  }
0x26: {  	[sflag:s14] =	ssyncadd.s32 $0xFFFF8000  }
0x27: {  	_ =	swait.ge [sflag:s15], $0x8000  }
0x28: {  	s17 =	simm.s32 $0x0;
	[sflag:s15] =	ssyncset.done $0x0  }
0x29: {  	s18 =	smov.u32 s9;
	s19 =	smov.u32 s8;
	[sflag:s15] =	ssyncadd.s32 $0xFFFF8000  }
.LBB2_4:
0x2a: {  	v0 =	vld [tilespmem:s18+$0x0];
	_ =	sdelay $0x4  }
0x2b: {  	(v2sf) =	vpush v0, $0x0  }
0x2c: {  	(v2sf) =	vpush v0, $0x1  }
0x2d: {  	(v2sf) =	vpush v0, $0x2  }
0x2e: {  	(v2sf) =	vpush v0, $0x3;
	_ =	sdelay $0xb  }
0x2f: {  	s28 =	spop (v2sf)  }
0x30: {  	s25 =	spop (v2sf)  }
0x31: {  	s23 =	spop (v2sf)  }
0x32: {  	s21 =	spop (v2sf)  }
0x33: {  	s30 =	sand.u32 $0x10, s28;
	s22 =	ssub.s32 s20, s21  }
0x34: {  	p0 =	seq.s32 s17, $0x0;
	p1 =	seq.s32 s30, $0x0;
	s24 =	ssub.s32 s22, s23  }
0x35: {  	s29 =	simm.s32 @!p0 $0x4;
	s0 =	simm.s32 @!p1 $0x0;
	s26 =	ssub.s32 s24, s25  }
0x36: {  	_ =	swait.ge @!p0 [sflag:s29], $0x8000;
	s0 =	simm.s32 @p1 $0x1;
	s31 =	ssub.s32 s26, s28  }
0x37: {  	[smem:$0x7DC] =	sst s0;
	s0 =	sshll.u32 @!p1 s31, $0x6  }
0x38: {  	s3 =	simm.s32 @!p1 $0x8880;
	[sflag:s29] =	ssyncset.done @!p0 $0x0;
	s0 =	sand.u32 @!p1 $0x1FFFFFC0, s0  }
0x39: {  	[sflag:s29] =	ssyncadd.s32 @!p0 $0xFFFF8000;
	s29 =	simm.s32 @!p1 $0x0;
	s0 =	sadd.s32 @!p1 s1, s0  }
0x3a: {  	[tilespmem:s3], [sflag:$0x2] =	stream.linear.gather @!p1 [hbm4b:s0+s29], $0x2000, $0x38;
	[tilespmem:$0x10880] =	vst v63  }
0x3b: {  	s29 =	sand.u32 $0x8, s28  }
0x3c: {  	p1 =	seq.s32 s29, $0x0  }
0x3d: {  	s0 =	simm.s32 @!p1 $0x0  }
0x3e: {  	s0 =	simm.s32 @p1 $0x1  }
0x3f: {  	[smem:$0x7DD] =	sst s0;
	s0 =	sadd.s32 @!p1 s30, s31  }
0x40: {  	s0 =	sshll.u32 @!p1 s0, $0x6  }
0x41: {  	s3 =	sshll.u32 @!p1 s30, $0x9;
	s29 =	simm.s32 @!p1 $0x0;
	s0 =	sand.u32 @!p1 $0x1FFFFFC0, s0  }
0x42: {  	s3 =	sadd.s32 @!p1 $0x8880, s3;
	s30 =	sand.u32 $0x4, s28;
	s0 =	sadd.s32 @!p1 s1, s0  }
0x43: {  	[tilespmem:s3], [sflag:$0x2] =	stream.linear.gather @!p1 [hbm4b:s0+s29], $0x1000, $0x38;
	[tilespmem:$0x10880] =	vst v63  }
0x44: {  	p1 =	seq.s32 s30, $0x0  }
0x45: {  	s0 =	simm.s32 @!p1 $0x0  }
0x46: {  	s0 =	simm.s32 @p1 $0x1  }
0x47: {  	[smem:$0x7DE] =	sst s0;
	s0 =	sand.u32 @!p1 $0x18, s28  }
0x48: {  	s3 =	sadd.s32 @!p1 s0, s31  }
0x49: {  	s3 =	sshll.u32 @!p1 s3, $0x6  }
0x4a: {  	s0 =	sshll.u32 @!p1 s0, $0x9;
	s3 =	sand.u32 @!p1 $0x1FFFFFC0, s3  }
0x4b: {  	s29 =	simm.s32 @!p1 $0x0;
	s0 =	sor.u32 @!p1 $0x8880, s0;
	s3 =	sadd.s32 @!p1 s1, s3  }
0x4c: {  	[tilespmem:s0], [sflag:$0x2] =	stream.linear.gather @!p1 [hbm4b:s3+s29], $0x800, $0x38;
	[tilespmem:$0x10880] =	vst v63  }
0x4d: {  	s3 =	sand.u32 $0x2, s28  }
0x4e: {  	p1 =	seq.s32 s3, $0x0  }
0x4f: {  	s0 =	simm.s32 @!p1 $0x0  }
0x50: {  	s0 =	simm.s32 @p1 $0x1  }
0x51: {  	[smem:$0x7DF] =	sst s0;
	s0 =	sand.u32 @!p1 $0x1C, s28  }
0x52: {  	s3 =	sadd.s32 @!p1 s0, s31  }
0x53: {  	s3 =	sshll.u32 @!p1 s3, $0x6  }
0x54: {  	s0 =	sshll.u32 @!p1 s0, $0x9;
	s3 =	sand.u32 @!p1 $0x1FFFFFC0, s3  }
0x55: {  	s29 =	simm.s32 @!p1 $0x0;
	s0 =	sadd.s32 @!p1 $0x8880, s0;
	s3 =	sadd.s32 @!p1 s1, s3  }
0x56: {  	[tilespmem:s0], [sflag:$0x2] =	stream.linear.gather @!p1 [hbm4b:s3+s29], $0x400, $0x38;
	[tilespmem:$0x10880] =	vst v63  }
0x57: {  	s29 =	sand.u32 $0x1, s28  }
0x58: {  	p1 =	seq.s32 s29, $0x0  }
0x59: {  	s0 =	simm.s32 @!p1 $0x0  }
0x5a: {  	s0 =	simm.s32 @p1 $0x1  }
0x5b: {  	[smem:$0x7E0] =	sst s0;
	s0 =	sand.u32 @!p1 $0x1E, s28  }
0x5c: {  	s3 =	sadd.s32 @!p1 s0, s31  }
0x5d: {  	s3 =	sshll.u32 @!p1 s3, $0x6  }
0x5e: {  	s0 =	sshll.u32 @!p1 s0, $0x9;
	s3 =	sand.u32 @!p1 $0x1FFFFFC0, s3  }
0x5f: {  	s28 =	simm.s32 @!p1 $0x0;
	s0 =	sadd.s32 @!p1 $0x8880, s0;
	s3 =	sadd.s32 @!p1 s1, s3  }
0x60: {  	[tilespmem:s0], [sflag:$0x2] =	stream.linear.gather @!p1 [hbm4b:s3+s28], $0x200, $0x38;
	[tilespmem:$0x10880] =	vst v63  }
0x61: {  	s0 =	sand.u32 $0x10, s25  }
0x62: {  	p1 =	seq.s32 s0, $0x0  }
0x63: {  	s3 =	simm.s32 @!p1 $0x0  }
0x64: {  	s3 =	simm.s32 @p1 $0x1  }
0x65: {  	[smem:$0x7E1] =	sst s3;
	s3 =	sshll.u32 @!p1 s26, $0x6  }
0x66: {  	s30 =	sand.u32 $0x8, s25;
	s3 =	sand.u32 @!p1 $0x1FFFFFC0, s3  }
0x67: {  	s28 =	simm.s32 @!p1 $0x0;
	s29 =	simm.s32 @!p1 $0xA880;
	s3 =	sadd.s32 @!p1 s1, s3  }
0x68: {  	[tilespmem:s29], [sflag:$0x2] =	stream.linear.gather @!p1 [hbm4b:s3+s28], $0x2000, $0x38;
	[tilespmem:$0x10880] =	vst v63  }
0x69: {  	p1 =	seq.s32 s30, $0x0  }
0x6a: {  	s3 =	simm.s32 @!p1 $0x0  }
0x6b: {  	s3 =	simm.s32 @p1 $0x1  }
0x6c: {  	[smem:$0x7E2] =	sst s3;
	s3 =	sadd.s32 @!p1 s0, s26  }
0x6d: {  	s3 =	sshll.u32 @!p1 s3, $0x6  }
0x6e: {  	s31 =	sand.u32 $0x4, s25;
	s0 =	sshll.u32 @!p1 s0, $0x9;
	s3 =	sand.u32 @!p1 $0x1FFFFFC0, s3  }
0x6f: {  	s28 =	simm.s32 @!p1 $0x0;
	s0 =	sadd.s32 @!p1 $0xA880, s0;
	s3 =	sadd.s32 @!p1 s1, s3  }
0x70: {  	[tilespmem:s0], [sflag:$0x2] =	stream.linear.gather @!p1 [hbm4b:s3+s28], $0x1000, $0x38;
	[tilespmem:$0x10880] =	vst v63  }
0x71: {  	p1 =	seq.s32 s31, $0x0  }
0x72: {  	s0 =	simm.s32 @!p1 $0x0  }
0x73: {  	s0 =	simm.s32 @p1 $0x1  }
0x74: {  	[smem:$0x7E3] =	sst s0;
	s0 =	sand.u32 @!p1 $0x18, s25  }
0x75: {  	s3 =	sadd.s32 @!p1 s0, s26  }
0x76: {  	s3 =	sshll.u32 @!p1 s3, $0x6  }
0x77: {  	s0 =	sshll.u32 @!p1 s0, $0x9;
	s3 =	sand.u32 @!p1 $0x1FFFFFC0, s3  }
0x78: {  	s28 =	simm.s32 @!p1 $0x0;
	s0 =	sadd.s32 @!p1 $0xA880, s0;
	s3 =	sadd.s32 @!p1 s1, s3  }
0x79: {  	[tilespmem:s0], [sflag:$0x2] =	stream.linear.gather @!p1 [hbm4b:s3+s28], $0x800, $0x38;
	[tilespmem:$0x10880] =	vst v63  }
0x7a: {  	s3 =	sand.u32 $0x2, s25  }
0x7b: {  	p1 =	seq.s32 s3, $0x0  }
0x7c: {  	s0 =	simm.s32 @!p1 $0x0  }
0x7d: {  	s0 =	simm.s32 @p1 $0x1  }
0x7e: {  	[smem:$0x7E4] =	sst s0;
	s0 =	sand.u32 @!p1 $0x1C, s25  }
0x7f: {  	s3 =	sadd.s32 @!p1 s0, s26  }
0x80: {  	s3 =	sshll.u32 @!p1 s3, $0x6  }
0x81: {  	s0 =	sshll.u32 @!p1 s0, $0x9;
	s3 =	sand.u32 @!p1 $0x1FFFFFC0, s3  }
0x82: {  	s28 =	simm.s32 @!p1 $0x0;
	s0 =	sadd.s32 @!p1 $0xA880, s0;
	s3 =	sadd.s32 @!p1 s1, s3  }
0x83: {  	[tilespmem:s0], [sflag:$0x2] =	stream.linear.gather @!p1 [hbm4b:s3+s28], $0x400, $0x38;
	[tilespmem:$0x10880] =	vst v63  }
0x84: {  	s28 =	sand.u32 $0x1, s25  }
0x85: {  	p1 =	seq.s32 s28, $0x0  }
0x86: {  	s0 =	simm.s32 @!p1 $0x0  }
0x87: {  	s0 =	simm.s32 @p1 $0x1  }
0x88: {  	[smem:$0x7E5] =	sst s0;
	s0 =	sand.u32 @!p1 $0x1E, s25  }
0x89: {  	s3 =	sadd.s32 @!p1 s0, s26  }
0x8a: {  	s3 =	sshll.u32 @!p1 s3, $0x6  }
0x8b: {  	s0 =	sshll.u32 @!p1 s0, $0x9;
	s3 =	sand.u32 @!p1 $0x1FFFFFC0, s3  }
0x8c: {  	s25 =	simm.s32 @!p1 $0x0;
	s0 =	sadd.s32 @!p1 $0xA880, s0;
	s3 =	sadd.s32 @!p1 s1, s3  }
0x8d: {  	[tilespmem:s0], [sflag:$0x2] =	stream.linear.gather @!p1 [hbm4b:s3+s25], $0x200, $0x38;
	[tilespmem:$0x10880] =	vst v63  }
0x8e: {  	s0 =	sand.u32 $0x10, s23  }
0x8f: {  	p1 =	seq.s32 s0, $0x0  }
0x90: {  	s3 =	simm.s32 @!p1 $0x0  }
0x91: {  	s3 =	simm.s32 @p1 $0x1  }
0x92: {  	[smem:$0x7E6] =	sst s3;
	s3 =	sshll.u32 @!p1 s24, $0x6  }
0x93: {  	s29 =	sand.u32 $0x8, s23;
	s3 =	sand.u32 @!p1 $0x1FFFFFC0, s3  }
0x94: {  	s25 =	simm.s32 @!p1 $0x0;
	s26 =	simm.s32 @!p1 $0xC880;
	s3 =	sadd.s32 @!p1 s1, s3  }
0x95: {  	[tilespmem:s26], [sflag:$0x2] =	stream.linear.gather @!p1 [hbm4b:s3+s25], $0x2000, $0x38;
	[tilespmem:$0x10880] =	vst v63  }
0x96: {  	p1 =	seq.s32 s29, $0x0  }
0x97: {  	s3 =	simm.s32 @!p1 $0x0  }
0x98: {  	s3 =	simm.s32 @p1 $0x1  }
0x99: {  	[smem:$0x7E7] =	sst s3;
	s3 =	sadd.s32 @!p1 s0, s24  }
0x9a: {  	s3 =	sshll.u32 @!p1 s3, $0x6  }
0x9b: {  	s30 =	sand.u32 $0x4, s23;
	s0 =	sshll.u32 @!p1 s0, $0x9;
	s3 =	sand.u32 @!p1 $0x1FFFFFC0, s3  }
0x9c: {  	s25 =	simm.s32 @!p1 $0x0;
	s0 =	sadd.s32 @!p1 $0xC880, s0;
	s3 =	sadd.s32 @!p1 s1, s3  }
0x9d: {  	[tilespmem:s0], [sflag:$0x2] =	stream.linear.gather @!p1 [hbm4b:s3+s25], $0x1000, $0x38;
	[tilespmem:$0x10880] =	vst v63  }
0x9e: {  	p1 =	seq.s32 s30, $0x0  }
0x9f: {  	s0 =	simm.s32 @!p1 $0x0  }
0xa0: {  	s0 =	simm.s32 @p1 $0x1  }
0xa1: {  	[smem:$0x7E8] =	sst s0;
	s0 =	sand.u32 @!p1 $0x18, s23  }
0xa2: {  	s3 =	sadd.s32 @!p1 s0, s24  }
0xa3: {  	s3 =	sshll.u32 @!p1 s3, $0x6  }
0xa4: {  	s31 =	sand.u32 $0x2, s23;
	s0 =	sshll.u32 @!p1 s0, $0x9;
	s3 =	sand.u32 @!p1 $0x1FFFFFC0, s3  }
0xa5: {  	s25 =	simm.s32 @!p1 $0x0;
	s0 =	sor.u32 @!p1 $0xC880, s0;
	s3 =	sadd.s32 @!p1 s1, s3  }
0xa6: {  	[tilespmem:s0], [sflag:$0x2] =	stream.linear.gather @!p1 [hbm4b:s3+s25], $0x800, $0x38;
	[tilespmem:$0x10880] =	vst v63  }
0xa7: {  	p1 =	seq.s32 s31, $0x0  }
0xa8: {  	s0 =	simm.s32 @!p1 $0x0  }
0xa9: {  	s0 =	simm.s32 @p1 $0x1  }
0xaa: {  	[smem:$0x7E9] =	sst s0;
	s0 =	sand.u32 @!p1 $0x1C, s23  }
0xab: {  	s3 =	sadd.s32 @!p1 s0, s24  }
0xac: {  	s3 =	sshll.u32 @!p1 s3, $0x6  }
0xad: {  	s0 =	sshll.u32 @!p1 s0, $0x9;
	s3 =	sand.u32 @!p1 $0x1FFFFFC0, s3  }
0xae: {  	s25 =	simm.s32 @!p1 $0x0;
	s0 =	sadd.s32 @!p1 $0xC880, s0;
	s3 =	sadd.s32 @!p1 s1, s3  }
0xaf: {  	[tilespmem:s0], [sflag:$0x2] =	stream.linear.gather @!p1 [hbm4b:s3+s25], $0x400, $0x38;
	[tilespmem:$0x10880] =	vst v63  }
0xb0: {  	s3 =	sand.u32 $0x1, s23  }
0xb1: {  	p1 =	seq.s32 s3, $0x0  }
0xb2: {  	s0 =	simm.s32 @!p1 $0x0  }
0xb3: {  	s0 =	simm.s32 @p1 $0x1  }
0xb4: {  	[smem:$0x7EA] =	sst s0;
	s0 =	sand.u32 @!p1 $0x1E, s23  }
0xb5: {  	s3 =	sadd.s32 @!p1 s0, s24  }
0xb6: {  	s3 =	sshll.u32 @!p1 s3, $0x6  }
0xb7: {  	s0 =	sshll.u32 @!p1 s0, $0x9;
	s3 =	sand.u32 @!p1 $0x1FFFFFC0, s3  }
0xb8: {  	s23 =	simm.s32 @!p1 $0x0;
	s0 =	sadd.s32 @!p1 $0xC880, s0;
	s3 =	sadd.s32 @!p1 s1, s3  }
0xb9: {  	[tilespmem:s0], [sflag:$0x2] =	stream.linear.gather @!p1 [hbm4b:s3+s23], $0x200, $0x38;
	[tilespmem:$0x10880] =	vst v63  }
0xba: {  	s0 =	sand.u32 $0x10, s21  }
0xbb: {  	p1 =	seq.s32 s0, $0x0  }
0xbc: {  	s3 =	simm.s32 @!p1 $0x0  }
0xbd: {  	s3 =	simm.s32 @p1 $0x1  }
0xbe: {  	[smem:$0x7EB] =	sst s3;
	s3 =	sshll.u32 @!p1 s22, $0x6  }
0xbf: {  	s25 =	sand.u32 $0x8, s21;
	s3 =	sand.u32 @!p1 $0x1FFFFFC0, s3  }
0xc0: {  	s23 =	simm.s32 @!p1 $0x0;
	s24 =	simm.s32 @!p1 $0xE880;
	s3 =	sadd.s32 @!p1 s1, s3  }
0xc1: {  	[tilespmem:s24], [sflag:$0x2] =	stream.linear.gather @!p1 [hbm4b:s3+s23], $0x2000, $0x38;
	[tilespmem:$0x10880] =	vst v63  }
0xc2: {  	p1 =	seq.s32 s25, $0x0  }
0xc3: {  	s3 =	simm.s32 @!p1 $0x0  }
0xc4: {  	s3 =	simm.s32 @p1 $0x1  }
0xc5: {  	[smem:$0x7EC] =	sst s3;
	s3 =	sadd.s32 @!p1 s0, s22  }
0xc6: {  	s3 =	sshll.u32 @!p1 s3, $0x6  }
0xc7: {  	s26 =	sand.u32 $0x4, s21;
	s0 =	sshll.u32 @!p1 s0, $0x9;
	s3 =	sand.u32 @!p1 $0x1FFFFFC0, s3  }
0xc8: {  	s23 =	simm.s32 @!p1 $0x0;
	s0 =	sadd.s32 @!p1 $0xE880, s0;
	s3 =	sadd.s32 @!p1 s1, s3  }
0xc9: {  	[tilespmem:s0], [sflag:$0x2] =	stream.linear.gather @!p1 [hbm4b:s3+s23], $0x1000, $0x38;
	[tilespmem:$0x10880] =	vst v63  }
0xca: {  	p1 =	seq.s32 s26, $0x0  }
0xcb: {  	s0 =	simm.s32 @!p1 $0x0  }
0xcc: {  	s0 =	simm.s32 @p1 $0x1  }
0xcd: {  	[smem:$0x7ED] =	sst s0;
	s0 =	sand.u32 @!p1 $0x18, s21  }
0xce: {  	s3 =	sadd.s32 @!p1 s0, s22  }
0xcf: {  	s3 =	sshll.u32 @!p1 s3, $0x6  }
0xd0: {  	s28 =	sand.u32 $0x2, s21;
	s0 =	sshll.u32 @!p1 s0, $0x9;
	s3 =	sand.u32 @!p1 $0x1FFFFFC0, s3  }
0xd1: {  	s23 =	simm.s32 @!p1 $0x0;
	s0 =	sadd.s32 @!p1 $0xE880, s0;
	s3 =	sadd.s32 @!p1 s1, s3  }
0xd2: {  	[tilespmem:s0], [sflag:$0x2] =	stream.linear.gather @!p1 [hbm4b:s3+s23], $0x800, $0x38;
	[tilespmem:$0x10880] =	vst v63  }
0xd3: {  	p1 =	seq.s32 s28, $0x0  }
0xd4: {  	s0 =	simm.s32 @!p1 $0x0  }
0xd5: {  	s0 =	simm.s32 @p1 $0x1  }
0xd6: {  	[smem:$0x7EE] =	sst s0;
	s0 =	sand.u32 @!p1 $0x1C, s21  }
0xd7: {  	s3 =	sadd.s32 @!p1 s0, s22  }
0xd8: {  	s3 =	sshll.u32 @!p1 s3, $0x6  }
0xd9: {  	s29 =	sand.u32 $0x1, s21;
	s0 =	sshll.u32 @!p1 s0, $0x9;
	s3 =	sand.u32 @!p1 $0x1FFFFFC0, s3  }
0xda: {  	s23 =	simm.s32 @!p1 $0x0;
	s0 =	sadd.s32 @!p1 $0xE880, s0;
	s3 =	sadd.s32 @!p1 s1, s3  }
0xdb: {  	[tilespmem:s0], [sflag:$0x2] =	stream.linear.gather @!p1 [hbm4b:s3+s23], $0x400, $0x38;
	[tilespmem:$0x10880] =	vst v63  }
0xdc: {  	p1 =	seq.s32 s29, $0x0  }
0xdd: {  	s0 =	simm.s32 @!p1 $0x0  }
0xde: {  	s0 =	simm.s32 @p1 $0x1  }
0xdf: {  	[smem:$0x7EF] =	sst s0;
	s0 =	sand.u32 @!p1 $0x1E, s21  }
0xe0: {  	s3 =	sadd.s32 @!p1 s0, s22  }
0xe1: {  	s3 =	sshll.u32 @!p1 s3, $0x6  }
0xe2: {  	s0 =	sshll.u32 @!p1 s0, $0x9;
	s3 =	sand.u32 @!p1 $0x1FFFFFC0, s3  }
0xe3: {  	s21 =	simm.s32 @!p1 $0x0;
	s0 =	sadd.s32 @!p1 $0xE880, s0;
	s3 =	sadd.s32 @!p1 s1, s3  }
0xe4: {  	[tilespmem:s0], [sflag:$0x2] =	stream.linear.gather @!p1 [hbm4b:s3+s21], $0x200, $0x38;
	[tilespmem:$0x10880] =	vst v63  }
0xe5: {  	v51 =	vld [tilespmem:s18+$0xFFFFFF84]  }
0xe6: {  	v1 =	vld [tilespmem:s18+$0xFFFFFF94]  }
0xe7: {  	v2 =	vld [tilespmem:s18+$0xFFFFFFA4]  }
0xe8: {  	v3 =	vld [tilespmem:s18+$0xFFFFFFB4]  }
0xe9: {  	v4 =	vld [tilespmem:s18+$0xFFFFFFC4]  }
0xea: {  	v5 =	vld [tilespmem:s18+$0xFFFFFFD4]  }
0xeb: {  	v52 =	vld [tilespmem:s18+$0xFFFFFFE4];
	v0 =	vadd.s32 v51, v1  }
0xec: {  	v53 =	vld [tilespmem:s18+$0xFFFFFFF4];
	v0 =	vadd.s32 v0, v2  }
0xed: {  	v0 =	vadd.s32 v0, v3  }
0xee: {  	v0 =	vadd.s32 v0, v4  }
0xef: {  	v0 =	vadd.s32 v0, v5  }
0xf0: {  	v0 =	vadd.s32 v0, v52  }
0xf1: {  	v0 =	vadd.s32 v0, v53  }
0xf2: {  	(xrf0) =	vadd.scan.msk.s32 $0xffff, v0;
	_ =	sdelay $0x2  }
0xf3: {  	v54 =	vld [tilespmem:s18+$0xFFFFFF80];
	_ =	sdelay $0x2  }
0xf4: {  	v55, _, _ =	vpop (xrf0)  }
0xf5: {  	(v2sf) =	vpush v55, $0xF  }
0xf6: {  	(v2sf) =	vpush v54, $0x0  }
0xf7: {  	(v2sf) =	vpush v54, $0x1  }
0xf8: {  	(v2sf) =	vpush v54, $0x2  }
0xf9: {  	(v2sf) =	vpush v54, $0x3;
	_ =	sdelay $0xa  }
0xfa: {  	s30 =	spop (v2sf)  }
0xfb: {  	s3 =	spop (v2sf)  }
0xfc: {  	s25 =	spop (v2sf)  }
0xfd: {  	s23 =	spop (v2sf)  }
0xfe: {  	s20 =	ssub.s32 s20, s30;
	s21 =	spop (v2sf)  }
0xff: {  	s28 =	sand.u32 $0x10, s3;
	s22 =	ssub.s32 s20, s21  }
0x100: {  	p1 =	seq.s32 s28, $0x0;
	s24 =	ssub.s32 s22, s23  }
0x101: {  	s0 =	simm.s32 @!p0 $0x3;
	s30 =	simm.s32 @!p1 $0x0;
	s26 =	ssub.s32 s24, s25  }
0x102: {  	_ =	swait.ge @!p0 [sflag:s0], $0x8000;
	s30 =	simm.s32 @p1 $0x1;
	s29 =	ssub.s32 s26, s3  }
0x103: {  	[smem:$0x7F0] =	sst s30;
	[sflag:s0] =	ssyncset.done @!p0 $0x0;
	s30 =	sshll.u32 @!p1 s29, $0x6  }
0x104: {  	[sflag:s0] =	ssyncadd.s32 @!p0 $0xFFFF8000;
	s0 =	sand.u32 @!p1 $0x1FFFFFC0, s30  }
0x105: {  	s31 =	simm.s32 @!p1 $0x880;
	s30 =	simm.s32 @!p1 $0x0;
	s0 =	sadd.s32 @!p1 s1, s0  }
0x106: {  	[tilespmem:s31], [sflag:$0x1] =	stream.linear.gather @!p1 [hbm4b:s0+s30], $0x2000, $0x38;
	[tilespmem:$0x10880] =	vst v63  }
0x107: {  	s31 =	sand.u32 $0x8, s3  }
0x108: {  	p0 =	seq.s32 s31, $0x0  }
0x109: {  	s0 =	simm.s32 @!p0 $0x0  }
0x10a: {  	s0 =	simm.s32 @p0 $0x1  }
0x10b: {  	[smem:$0x7F1] =	sst s0;
	s0 =	sadd.s32 @!p0 s28, s29  }
0x10c: {  	s0 =	sshll.u32 @!p0 s0, $0x6  }
0x10d: {  	s28 =	sshll.u32 @!p0 s28, $0x9;
	s0 =	sand.u32 @!p0 $0x1FFFFFC0, s0  }
0x10e: {  	s30 =	simm.s32 @!p0 $0x0;
	s28 =	sadd.s32 @!p0 $0x880, s28;
	s0 =	sadd.s32 @!p0 s1, s0  }
0x10f: {  	[tilespmem:s28], [sflag:$0x1] =	stream.linear.gather @!p0 [hbm4b:s0+s30], $0x1000, $0x38;
	[tilespmem:$0x10880] =	vst v63  }
0x110: {  	s30 =	sand.u32 $0x4, s3  }
0x111: {  	p0 =	seq.s32 s30, $0x0  }
0x112: {  	s0 =	simm.s32 @!p0 $0x0  }
0x113: {  	s0 =	simm.s32 @p0 $0x1  }
0x114: {  	[smem:$0x7F2] =	sst s0;
	s0 =	sand.u32 @!p0 $0x18, s3  }
0x115: {  	s28 =	sadd.s32 @!p0 s0, s29  }
0x116: {  	s28 =	sshll.u32 @!p0 s28, $0x6  }
0x117: {  	s31 =	sand.u32 $0x2, s3;
	s0 =	sshll.u32 @!p0 s0, $0x9;
	s28 =	sand.u32 @!p0 $0x1FFFFFC0, s28  }
0x118: {  	s30 =	simm.s32 @!p0 $0x0;
	s0 =	sor.u32 @!p0 $0x880, s0;
	s28 =	sadd.s32 @!p0 s1, s28  }
0x119: {  	[tilespmem:s0], [sflag:$0x1] =	stream.linear.gather @!p0 [hbm4b:s28+s30], $0x800, $0x38;
	[tilespmem:$0x10880] =	vst v63  }
0x11a: {  	p0 =	seq.s32 s31, $0x0  }
0x11b: {  	s0 =	simm.s32 @!p0 $0x0  }
0x11c: {  	s0 =	simm.s32 @p0 $0x1  }
0x11d: {  	[smem:$0x7F3] =	sst s0;
	s0 =	sand.u32 @!p0 $0x1C, s3  }
0x11e: {  	s28 =	sadd.s32 @!p0 s0, s29  }
0x11f: {  	s28 =	sshll.u32 @!p0 s28, $0x6  }
0x120: {  	s0 =	sshll.u32 @!p0 s0, $0x9;
	s28 =	sand.u32 @!p0 $0x1FFFFFC0, s28  }
0x121: {  	s30 =	simm.s32 @!p0 $0x0;
	s0 =	sadd.s32 @!p0 $0x880, s0;
	s28 =	sadd.s32 @!p0 s1, s28  }
0x122: {  	[tilespmem:s0], [sflag:$0x1] =	stream.linear.gather @!p0 [hbm4b:s28+s30], $0x400, $0x38;
	[tilespmem:$0x10880] =	vst v63  }
0x123: {  	s28 =	sand.u32 $0x1, s3  }
0x124: {  	p0 =	seq.s32 s28, $0x0  }
0x125: {  	s0 =	simm.s32 @!p0 $0x0  }
0x126: {  	s0 =	simm.s32 @p0 $0x1  }
0x127: {  	[smem:$0x7F4] =	sst s0;
	s0 =	sand.u32 @!p0 $0x1E, s3  }
0x128: {  	s3 =	sadd.s32 @!p0 s0, s29  }
0x129: {  	s3 =	sshll.u32 @!p0 s3, $0x6  }
0x12a: {  	s0 =	sshll.u32 @!p0 s0, $0x9;
	s3 =	sand.u32 @!p0 $0x1FFFFFC0, s3  }
0x12b: {  	s28 =	simm.s32 @!p0 $0x0;
	s0 =	sadd.s32 @!p0 $0x880, s0;
	s3 =	sadd.s32 @!p0 s1, s3  }
0x12c: {  	[tilespmem:s0], [sflag:$0x1] =	stream.linear.gather @!p0 [hbm4b:s3+s28], $0x200, $0x38;
	[tilespmem:$0x10880] =	vst v63  }
0x12d: {  	s0 =	sand.u32 $0x10, s25  }
0x12e: {  	p0 =	seq.s32 s0, $0x0  }
0x12f: {  	s3 =	simm.s32 @!p0 $0x0  }
0x130: {  	s3 =	simm.s32 @p0 $0x1  }
0x131: {  	[smem:$0x7F5] =	sst s3;
	s3 =	sshll.u32 @!p0 s26, $0x6  }
0x132: {  	s3 =	sand.u32 @!p0 $0x1FFFFFC0, s3  }
0x133: {  	s28 =	simm.s32 @!p0 $0x0;
	s29 =	simm.s32 @!p0 $0x2880;
	s3 =	sadd.s32 @!p0 s1, s3  }
0x134: {  	[tilespmem:s29], [sflag:$0x1] =	stream.linear.gather @!p0 [hbm4b:s3+s28], $0x2000, $0x38;
	[tilespmem:$0x10880] =	vst v63  }
0x135: {  	s29 =	sand.u32 $0x8, s25  }
0x136: {  	p0 =	seq.s32 s29, $0x0  }
0x137: {  	s3 =	simm.s32 @!p0 $0x0  }
0x138: {  	s3 =	simm.s32 @p0 $0x1  }
0x139: {  	[smem:$0x7F6] =	sst s3;
	s3 =	sadd.s32 @!p0 s0, s26  }
0x13a: {  	s3 =	sshll.u32 @!p0 s3, $0x6  }
0x13b: {  	s30 =	sand.u32 $0x4, s25;
	s0 =	sshll.u32 @!p0 s0, $0x9;
	s3 =	sand.u32 @!p0 $0x1FFFFFC0, s3  }
0x13c: {  	s28 =	simm.s32 @!p0 $0x0;
	s0 =	sadd.s32 @!p0 $0x2880, s0;
	s3 =	sadd.s32 @!p0 s1, s3  }
0x13d: {  	[tilespmem:s0], [sflag:$0x1] =	stream.linear.gather @!p0 [hbm4b:s3+s28], $0x1000, $0x38;
	[tilespmem:$0x10880] =	vst v63  }
0x13e: {  	p0 =	seq.s32 s30, $0x0  }
0x13f: {  	s0 =	simm.s32 @!p0 $0x0  }
0x140: {  	s0 =	simm.s32 @p0 $0x1  }
0x141: {  	[smem:$0x7F7] =	sst s0;
	s0 =	sand.u32 @!p0 $0x18, s25  }
0x142: {  	s3 =	sadd.s32 @!p0 s0, s26  }
0x143: {  	s3 =	sshll.u32 @!p0 s3, $0x6  }
0x144: {  	s31 =	sand.u32 $0x2, s25;
	s0 =	sshll.u32 @!p0 s0, $0x9;
	s3 =	sand.u32 @!p0 $0x1FFFFFC0, s3  }
0x145: {  	s28 =	simm.s32 @!p0 $0x0;
	s0 =	sadd.s32 @!p0 $0x2880, s0;
	s3 =	sadd.s32 @!p0 s1, s3  }
0x146: {  	[tilespmem:s0], [sflag:$0x1] =	stream.linear.gather @!p0 [hbm4b:s3+s28], $0x800, $0x38;
	[tilespmem:$0x10880] =	vst v63  }
0x147: {  	p0 =	seq.s32 s31, $0x0  }
0x148: {  	s0 =	simm.s32 @!p0 $0x0  }
0x149: {  	s0 =	simm.s32 @p0 $0x1  }
0x14a: {  	[smem:$0x7F8] =	sst s0;
	s0 =	sand.u32 @!p0 $0x1C, s25  }
0x14b: {  	s3 =	sadd.s32 @!p0 s0, s26  }
0x14c: {  	s3 =	sshll.u32 @!p0 s3, $0x6  }
0x14d: {  	s0 =	sshll.u32 @!p0 s0, $0x9;
	s3 =	sand.u32 @!p0 $0x1FFFFFC0, s3  }
0x14e: {  	s28 =	simm.s32 @!p0 $0x0;
	s0 =	sadd.s32 @!p0 $0x2880, s0;
	s3 =	sadd.s32 @!p0 s1, s3  }
0x14f: {  	[tilespmem:s0], [sflag:$0x1] =	stream.linear.gather @!p0 [hbm4b:s3+s28], $0x400, $0x38;
	[tilespmem:$0x10880] =	vst v63  }
0x150: {  	s3 =	sand.u32 $0x1, s25  }
0x151: {  	p0 =	seq.s32 s3, $0x0  }
0x152: {  	s0 =	simm.s32 @!p0 $0x0  }
0x153: {  	s0 =	simm.s32 @p0 $0x1  }
0x154: {  	[smem:$0x7F9] =	sst s0;
	s0 =	sand.u32 @!p0 $0x1E, s25  }
0x155: {  	s3 =	sadd.s32 @!p0 s0, s26  }
0x156: {  	s3 =	sshll.u32 @!p0 s3, $0x6  }
0x157: {  	s0 =	sshll.u32 @!p0 s0, $0x9;
	s3 =	sand.u32 @!p0 $0x1FFFFFC0, s3  }
0x158: {  	s25 =	simm.s32 @!p0 $0x0;
	s0 =	sadd.s32 @!p0 $0x2880, s0;
	s3 =	sadd.s32 @!p0 s1, s3  }
0x159: {  	[tilespmem:s0], [sflag:$0x1] =	stream.linear.gather @!p0 [hbm4b:s3+s25], $0x200, $0x38;
	[tilespmem:$0x10880] =	vst v63  }
0x15a: {  	s0 =	sand.u32 $0x10, s23  }
0x15b: {  	p0 =	seq.s32 s0, $0x0  }
0x15c: {  	s3 =	simm.s32 @!p0 $0x0  }
0x15d: {  	s3 =	simm.s32 @p0 $0x1  }
0x15e: {  	[smem:$0x7FA] =	sst s3;
	s3 =	sshll.u32 @!p0 s24, $0x6  }
0x15f: {  	s3 =	sand.u32 @!p0 $0x1FFFFFC0, s3  }
0x160: {  	s25 =	simm.s32 @!p0 $0x0;
	s26 =	simm.s32 @!p0 $0x4880;
	s3 =	sadd.s32 @!p0 s1, s3  }
0x161: {  	[tilespmem:s26], [sflag:$0x1] =	stream.linear.gather @!p0 [hbm4b:s3+s25], $0x2000, $0x38;
	[tilespmem:$0x10880] =	vst v63  }
0x162: {  	s26 =	sand.u32 $0x8, s23  }
0x163: {  	p0 =	seq.s32 s26, $0x0  }
0x164: {  	s3 =	simm.s32 @!p0 $0x0  }
0x165: {  	s3 =	simm.s32 @p0 $0x1  }
0x166: {  	[smem:$0x7FB] =	sst s3;
	s3 =	sadd.s32 @!p0 s0, s24  }
0x167: {  	s3 =	sshll.u32 @!p0 s3, $0x6  }
0x168: {  	s28 =	sand.u32 $0x4, s23;
	s0 =	sshll.u32 @!p0 s0, $0x9;
	s3 =	sand.u32 @!p0 $0x1FFFFFC0, s3  }
0x169: {  	s25 =	simm.s32 @!p0 $0x0;
	s0 =	sadd.s32 @!p0 $0x4880, s0;
	s3 =	sadd.s32 @!p0 s1, s3  }
0x16a: {  	[tilespmem:s0], [sflag:$0x1] =	stream.linear.gather @!p0 [hbm4b:s3+s25], $0x1000, $0x38;
	[tilespmem:$0x10880] =	vst v63  }
0x16b: {  	p0 =	seq.s32 s28, $0x0  }
0x16c: {  	s0 =	simm.s32 @!p0 $0x0  }
0x16d: {  	s0 =	simm.s32 @p0 $0x1  }
0x16e: {  	[smem:$0x7FC] =	sst s0;
	s0 =	sand.u32 @!p0 $0x18, s23  }
0x16f: {  	s3 =	sadd.s32 @!p0 s0, s24  }
0x170: {  	s29 =	sand.u32 $0x2, s23;
	s3 =	sshll.u32 @!p0 s3, $0x6  }
0x171: {  	p6 =	seq.s32 s29, $0x0;
	s0 =	sshll.u32 @!p0 s0, $0x9;
	s3 =	sand.u32 @!p0 $0x1FFFFFC0, s3  }
0x172: {  	s25 =	simm.s32 @!p0 $0x0;
	s0 =	sor.u32 @!p0 $0x4880, s0;
	s3 =	sadd.s32 @!p0 s1, s3  }
0x173: {  	[tilespmem:s0], [sflag:$0x1] =	stream.linear.gather @!p0 [hbm4b:s3+s25], $0x800, $0x38;
	[tilespmem:$0x10880] =	vst v63  }
0x174: {  	s0 =	sand.u32 @!p6 $0x1C, s23  }
0x175: {  	s3 =	sadd.s32 @!p6 s0, s24  }
0x176: {  	s30 =	sand.u32 $0x1, s23;
	s3 =	sshll.u32 @!p6 s3, $0x6  }
0x177: {  	p4 =	seq.s32 s30, $0x0;
	s0 =	sshll.u32 @!p6 s0, $0x9;
	s3 =	sand.u32 @!p6 $0x1FFFFFC0, s3  }
0x178: {  	s25 =	simm.s32 @!p6 $0x0;
	s0 =	sadd.s32 @!p6 $0x4880, s0;
	s3 =	sadd.s32 @!p6 s1, s3  }
0x179: {  	[tilespmem:s0], [sflag:$0x1] =	stream.linear.gather @!p6 [hbm4b:s3+s25], $0x400, $0x38;
	[tilespmem:$0x10880] =	vst v63  }
0x17a: {  	s0 =	sand.u32 @!p4 $0x1E, s23  }
0x17b: {  	s3 =	sadd.s32 @!p4 s0, s24  }
0x17c: {  	s3 =	sshll.u32 @!p4 s3, $0x6  }
0x17d: {  	s0 =	sshll.u32 @!p4 s0, $0x9;
	s3 =	sand.u32 @!p4 $0x1FFFFFC0, s3  }
0x17e: {  	s23 =	simm.s32 @!p4 $0x0;
	s0 =	sadd.s32 @!p4 $0x4880, s0;
	s3 =	sadd.s32 @!p4 s1, s3  }
0x17f: {  	[tilespmem:s0], [sflag:$0x1] =	stream.linear.gather @!p4 [hbm4b:s3+s23], $0x200, $0x38;
	[tilespmem:$0x10880] =	vst v63  }
0x180: {  	s0 =	sand.u32 $0x10, s21  }
0x181: {  	p0 =	seq.s32 s0, $0x0  }
0x182: {  	s3 =	simm.s32 @!p0 $0x0  }
0x183: {  	s3 =	simm.s32 @p0 $0x1  }
0x184: {  	s31 =	sand.u32 $0x8, s21;
	[smem:$0x7FD] =	sst s3;
	s3 =	sshll.u32 @!p0 s22, $0x6  }
0x185: {  	p5 =	seq.s32 s31, $0x0;
	s3 =	sand.u32 @!p0 $0x1FFFFFC0, s3  }
0x186: {  	s23 =	simm.s32 @!p0 $0x0;
	s24 =	simm.s32 @!p0 $0x6880;
	s3 =	sadd.s32 @!p0 s1, s3  }
0x187: {  	[tilespmem:s24], [sflag:$0x1] =	stream.linear.gather @!p0 [hbm4b:s3+s23], $0x2000, $0x38;
	[tilespmem:$0x10880] =	vst v63  }
0x188: {  	s3 =	sadd.s32 @!p5 s0, s22  }
0x189: {  	s3 =	sshll.u32 @!p5 s3, $0x6  }
0x18a: {  	s0 =	sshll.u32 @!p5 s0, $0x9;
	s3 =	sand.u32 @!p5 $0x1FFFFFC0, s3  }
0x18b: {  	s23 =	simm.s32 @!p5 $0x0;
	s0 =	sadd.s32 @!p5 $0x6880, s0;
	s3 =	sadd.s32 @!p5 s1, s3  }
0x18c: {  	[tilespmem:s0], [sflag:$0x1] =	stream.linear.gather @!p5 [hbm4b:s3+s23], $0x1000, $0x38;
	[tilespmem:$0x10880] =	vst v63  }
0x18d: {  	s3 =	sand.u32 $0x4, s21  }
0x18e: {  	p3 =	seq.s32 s3, $0x0  }
0x18f: {  	s0 =	sand.u32 @!p3 $0x18, s21  }
0x190: {  	s3 =	sadd.s32 @!p3 s0, s22  }
0x191: {  	s3 =	sshll.u32 @!p3 s3, $0x6  }
0x192: {  	s0 =	sshll.u32 @!p3 s0, $0x9;
	s3 =	sand.u32 @!p3 $0x1FFFFFC0, s3  }
0x193: {  	s23 =	simm.s32 @!p3 $0x0;
	s0 =	sadd.s32 @!p3 $0x6880, s0;
	s3 =	sadd.s32 @!p3 s1, s3  }
0x194: {  	[tilespmem:s0], [sflag:$0x1] =	stream.linear.gather @!p3 [hbm4b:s3+s23], $0x800, $0x38;
	[tilespmem:$0x10880] =	vst v63  }
0x195: {  	s23 =	sand.u32 $0x2, s21  }
0x196: {  	p2 =	seq.s32 s23, $0x0  }
0x197: {  	s0 =	sand.u32 @!p2 $0x1C, s21  }
0x198: {  	s3 =	sadd.s32 @!p2 s0, s22  }
0x199: {  	s24 =	sand.u32 $0x1, s21;
	s3 =	sshll.u32 @!p2 s3, $0x6  }
0x19a: {  	p1 =	seq.s32 s24, $0x0;
	s0 =	sshll.u32 @!p2 s0, $0x9;
	s3 =	sand.u32 @!p2 $0x1FFFFFC0, s3  }
0x19b: {  	s23 =	simm.s32 @!p2 $0x0;
	s0 =	sadd.s32 @!p2 $0x6880, s0;
	s3 =	sadd.s32 @!p2 s1, s3  }
0x19c: {  	[tilespmem:s0], [sflag:$0x1] =	stream.linear.gather @!p2 [hbm4b:s3+s23], $0x400, $0x38;
	[tilespmem:$0x10880] =	vst v63  }
0x19d: {  	s25 =	sld [smem:$0x7DC];
	s0 =	sand.u32 @!p1 $0x1E, s21  }
0x19e: {  	s3 =	sadd.s32 @!p1 s0, s22  }
0x19f: {  	s3 =	sshll.u32 @!p1 s3, $0x6  }
0x1a0: {  	p0 =	seq.s32 s25, $0x1;
	s0 =	sshll.u32 @!p1 s0, $0x9;
	s3 =	sand.u32 @!p1 $0x1FFFFFC0, s3  }
0x1a1: {  	s21 =	simm.s32 @!p1 $0x0;
	s0 =	sadd.s32 @!p1 $0x6880, s0;
	s3 =	sadd.s32 @!p1 s1, s3  }
0x1a2: {  	[tilespmem:s0], [sflag:$0x1] =	stream.linear.gather @!p1 [hbm4b:s3+s21], $0x200, $0x38;
	[tilespmem:$0x10880] =	vst v63  }
0x1a3: {  	s0 =	simm.s32 @!p0 $0x2  }
0x1a4: {  	_ =	swait.ge @!p0 [sflag:s0], $0x2000  }
0x1a5: {  	s26 =	sld [smem:$0x7DD];
	_ =	sdelay $0x1  }
0x1a6: {  	[sflag:s0] =	ssyncset.done @!p0 $0x0  }
0x1a7: {  	[sflag:s0] =	ssyncadd.s32 @!p0 $0xFFFFE000;
	p0 =	seq.s32 s26, $0x1  }
0x1a8: {  	s0 =	simm.s32 @!p0 $0x2  }
0x1a9: {  	_ =	swait.ge @!p0 [sflag:s0], $0x1000  }
0x1aa: {  	s28 =	sld [smem:$0x7DE];
	_ =	sdelay $0x1  }
0x1ab: {  	[sflag:s0] =	ssyncset.done @!p0 $0x0  }
0x1ac: {  	[sflag:s0] =	ssyncadd.s32 @!p0 $0xFFFFF000;
	p0 =	seq.s32 s28, $0x1  }
0x1ad: {  	s0 =	simm.s32 @!p0 $0x2  }
0x1ae: {  	_ =	swait.ge @!p0 [sflag:s0], $0x800  }
0x1af: {  	s29 =	sld [smem:$0x7DF];
	_ =	sdelay $0x1  }
0x1b0: {  	[sflag:s0] =	ssyncset.done @!p0 $0x0  }
0x1b1: {  	[sflag:s0] =	ssyncadd.s32 @!p0 $0xFFFFF800;
	p0 =	seq.s32 s29, $0x1  }
0x1b2: {  	s0 =	simm.s32 @!p0 $0x2  }
0x1b3: {  	_ =	swait.ge @!p0 [sflag:s0], $0x400  }
0x1b4: {  	s30 =	sld [smem:$0x7E0];
	_ =	sdelay $0x1  }
0x1b5: {  	[sflag:s0] =	ssyncset.done @!p0 $0x0  }
0x1b6: {  	[sflag:s0] =	ssyncadd.s32 @!p0 $0xFFFFFC00;
	p0 =	seq.s32 s30, $0x1  }
0x1b7: {  	s0 =	simm.s32 @!p0 $0x2  }
0x1b8: {  	_ =	swait.ge @!p0 [sflag:s0], $0x200  }
0x1b9: {  	s31 =	sld [smem:$0x7E1];
	_ =	sdelay $0x1  }
0x1ba: {  	[sflag:s0] =	ssyncset.done @!p0 $0x0  }
0x1bb: {  	[sflag:s0] =	ssyncadd.s32 @!p0 $0xFFFFFE00;
	p0 =	seq.s32 s31, $0x1  }
0x1bc: {  	s0 =	simm.s32 @!p0 $0x2  }
0x1bd: {  	_ =	swait.ge @!p0 [sflag:s0], $0x2000  }
0x1be: {  	s3 =	sld [smem:$0x7E2];
	_ =	sdelay $0x1  }
0x1bf: {  	[sflag:s0] =	ssyncset.done @!p0 $0x0  }
0x1c0: {  	[sflag:s0] =	ssyncadd.s32 @!p0 $0xFFFFE000;
	p0 =	seq.s32 s3, $0x1  }
0x1c1: {  	s0 =	simm.s32 @!p0 $0x2  }
0x1c2: {  	_ =	swait.ge @!p0 [sflag:s0], $0x1000  }
0x1c3: {  	s21 =	sld [smem:$0x7E3];
	_ =	sdelay $0x1  }
0x1c4: {  	[sflag:s0] =	ssyncset.done @!p0 $0x0  }
0x1c5: {  	[sflag:s0] =	ssyncadd.s32 @!p0 $0xFFFFF000;
	p0 =	seq.s32 s21, $0x1  }
0x1c6: {  	s0 =	simm.s32 @!p0 $0x2  }
0x1c7: {  	_ =	swait.ge @!p0 [sflag:s0], $0x800  }
0x1c8: {  	s22 =	sld [smem:$0x7E4];
	_ =	sdelay $0x1  }
0x1c9: {  	[sflag:s0] =	ssyncset.done @!p0 $0x0  }
0x1ca: {  	[sflag:s0] =	ssyncadd.s32 @!p0 $0xFFFFF800;
	p0 =	seq.s32 s22, $0x1  }
0x1cb: {  	s0 =	simm.s32 @!p0 $0x2  }
0x1cc: {  	_ =	swait.ge @!p0 [sflag:s0], $0x400  }
0x1cd: {  	s23 =	sld [smem:$0x7E5];
	_ =	sdelay $0x1  }
0x1ce: {  	[sflag:s0] =	ssyncset.done @!p0 $0x0  }
0x1cf: {  	[sflag:s0] =	ssyncadd.s32 @!p0 $0xFFFFFC00;
	p0 =	seq.s32 s23, $0x1  }
0x1d0: {  	s0 =	simm.s32 @!p0 $0x2  }
0x1d1: {  	_ =	swait.ge @!p0 [sflag:s0], $0x200  }
0x1d2: {  	s24 =	sld [smem:$0x7E6];
	_ =	sdelay $0x1  }
0x1d3: {  	[sflag:s0] =	ssyncset.done @!p0 $0x0  }
0x1d4: {  	[sflag:s0] =	ssyncadd.s32 @!p0 $0xFFFFFE00;
	p0 =	seq.s32 s24, $0x1  }
0x1d5: {  	s0 =	simm.s32 @!p0 $0x2  }
0x1d6: {  	_ =	swait.ge @!p0 [sflag:s0], $0x2000  }
0x1d7: {  	s25 =	sld [smem:$0x7E7];
	_ =	sdelay $0x1  }
0x1d8: {  	[sflag:s0] =	ssyncset.done @!p0 $0x0  }
0x1d9: {  	[sflag:s0] =	ssyncadd.s32 @!p0 $0xFFFFE000;
	p0 =	seq.s32 s25, $0x1  }
0x1da: {  	s0 =	simm.s32 @!p0 $0x2  }
0x1db: {  	_ =	swait.ge @!p0 [sflag:s0], $0x1000  }
0x1dc: {  	s26 =	sld [smem:$0x7E8];
	_ =	sdelay $0x1  }
0x1dd: {  	[sflag:s0] =	ssyncset.done @!p0 $0x0  }
0x1de: {  	[sflag:s0] =	ssyncadd.s32 @!p0 $0xFFFFF000;
	p0 =	seq.s32 s26, $0x1  }
0x1df: {  	s0 =	simm.s32 @!p0 $0x2  }
0x1e0: {  	_ =	swait.ge @!p0 [sflag:s0], $0x800  }
0x1e1: {  	s28 =	sld [smem:$0x7E9];
	_ =	sdelay $0x1  }
0x1e2: {  	[sflag:s0] =	ssyncset.done @!p0 $0x0  }
0x1e3: {  	[sflag:s0] =	ssyncadd.s32 @!p0 $0xFFFFF800;
	p0 =	seq.s32 s28, $0x1  }
0x1e4: {  	s0 =	simm.s32 @!p0 $0x2  }
0x1e5: {  	_ =	swait.ge @!p0 [sflag:s0], $0x400  }
0x1e6: {  	s29 =	sld [smem:$0x7EA];
	_ =	sdelay $0x1  }
0x1e7: {  	[sflag:s0] =	ssyncset.done @!p0 $0x0  }
0x1e8: {  	[sflag:s0] =	ssyncadd.s32 @!p0 $0xFFFFFC00;
	p0 =	seq.s32 s29, $0x1  }
0x1e9: {  	s0 =	simm.s32 @!p0 $0x2  }
0x1ea: {  	_ =	swait.ge @!p0 [sflag:s0], $0x200  }
0x1eb: {  	s30 =	sld [smem:$0x7EB];
	_ =	sdelay $0x1  }
0x1ec: {  	[sflag:s0] =	ssyncset.done @!p0 $0x0  }
0x1ed: {  	[sflag:s0] =	ssyncadd.s32 @!p0 $0xFFFFFE00;
	p0 =	seq.s32 s30, $0x1  }
0x1ee: {  	s0 =	simm.s32 @!p0 $0x2  }
0x1ef: {  	_ =	swait.ge @!p0 [sflag:s0], $0x2000  }
0x1f0: {  	s31 =	sld [smem:$0x7EC];
	_ =	sdelay $0x1  }
0x1f1: {  	[sflag:s0] =	ssyncset.done @!p0 $0x0  }
0x1f2: {  	[sflag:s0] =	ssyncadd.s32 @!p0 $0xFFFFE000;
	p0 =	seq.s32 s31, $0x1  }
0x1f3: {  	s0 =	simm.s32 @!p0 $0x2  }
0x1f4: {  	_ =	swait.ge @!p0 [sflag:s0], $0x1000  }
0x1f5: {  	s3 =	sld [smem:$0x7ED];
	_ =	sdelay $0x1  }
0x1f6: {  	[sflag:s0] =	ssyncset.done @!p0 $0x0  }
0x1f7: {  	[sflag:s0] =	ssyncadd.s32 @!p0 $0xFFFFF000;
	p0 =	seq.s32 s3, $0x1  }
0x1f8: {  	s0 =	simm.s32 @!p0 $0x2  }
0x1f9: {  	_ =	swait.ge @!p0 [sflag:s0], $0x800  }
0x1fa: {  	s21 =	sld [smem:$0x7EE];
	_ =	sdelay $0x1  }
0x1fb: {  	[sflag:s0] =	ssyncset.done @!p0 $0x0  }
0x1fc: {  	[sflag:s0] =	ssyncadd.s32 @!p0 $0xFFFFF800;
	p0 =	seq.s32 s21, $0x1  }
0x1fd: {  	s0 =	simm.s32 @!p0 $0x2  }
0x1fe: {  	_ =	swait.ge @!p0 [sflag:s0], $0x400  }
0x1ff: {  	s22 =	sld [smem:$0x7EF];
	_ =	sdelay $0x1  }
0x200: {  	[sflag:s0] =	ssyncset.done @!p0 $0x0  }
0x201: {  	[sflag:s0] =	ssyncadd.s32 @!p0 $0xFFFFFC00;
	p0 =	seq.s32 s22, $0x1  }
0x202: {  	s0 =	simm.s32 @!p0 $0x2  }
0x203: {  	_ =	swait.ge @!p0 [sflag:s0], $0x200  }
0x204: {  	s23 =	rddreg [dreg:$0x4]  }
0x205: {  	[sflag:s0] =	ssyncset.done @!p0 $0x0;
	s25 =	sld [smem:$0x7F0];
	s21 =	sadd.s32 s17, s23  }
0x206: {  	[sflag:s0] =	ssyncadd.s32 @!p0 $0xFFFFFE00;
	s24 =	sadd.s32 $0x1E0000, s21  }
0x207: {  	[hbm4b:s24+s4] =	stream.linear.scatter [tilespmem:s12], [sflag:$0x4], $0x8000, $0x38;
	[tilespmem:$0x10880] =	vst v63  }
0x208: {  	p0 =	seq.s32 s25, $0x1  }
0x209: {  	s0 =	simm.s32 @!p0 $0x1  }
0x20a: {  	_ =	swait.ge @!p0 [sflag:s0], $0x2000  }
0x20b: {  	s26 =	sld [smem:$0x7F1];
	_ =	sdelay $0x1  }
0x20c: {  	[sflag:s0] =	ssyncset.done @!p0 $0x0  }
0x20d: {  	[sflag:s0] =	ssyncadd.s32 @!p0 $0xFFFFE000;
	p0 =	seq.s32 s26, $0x1  }
0x20e: {  	s0 =	simm.s32 @!p0 $0x1  }
0x20f: {  	_ =	swait.ge @!p0 [sflag:s0], $0x1000  }
0x210: {  	s28 =	sld [smem:$0x7F2];
	_ =	sdelay $0x1  }
0x211: {  	[sflag:s0] =	ssyncset.done @!p0 $0x0  }
0x212: {  	[sflag:s0] =	ssyncadd.s32 @!p0 $0xFFFFF000;
	p0 =	seq.s32 s28, $0x1  }
0x213: {  	s0 =	simm.s32 @!p0 $0x1  }
0x214: {  	_ =	swait.ge @!p0 [sflag:s0], $0x800  }
0x215: {  	s29 =	sld [smem:$0x7F3];
	_ =	sdelay $0x1  }
0x216: {  	[sflag:s0] =	ssyncset.done @!p0 $0x0  }
0x217: {  	[sflag:s0] =	ssyncadd.s32 @!p0 $0xFFFFF800;
	p0 =	seq.s32 s29, $0x1  }
0x218: {  	s0 =	simm.s32 @!p0 $0x1  }
0x219: {  	_ =	swait.ge @!p0 [sflag:s0], $0x400  }
0x21a: {  	s30 =	sld [smem:$0x7F4];
	_ =	sdelay $0x1  }
0x21b: {  	[sflag:s0] =	ssyncset.done @!p0 $0x0  }
0x21c: {  	[sflag:s0] =	ssyncadd.s32 @!p0 $0xFFFFFC00;
	p0 =	seq.s32 s30, $0x1  }
0x21d: {  	s0 =	simm.s32 @!p0 $0x1  }
0x21e: {  	_ =	swait.ge @!p0 [sflag:s0], $0x200  }
0x21f: {  	s31 =	sld [smem:$0x7F5];
	_ =	sdelay $0x1  }
0x220: {  	[sflag:s0] =	ssyncset.done @!p0 $0x0  }
0x221: {  	[sflag:s0] =	ssyncadd.s32 @!p0 $0xFFFFFE00;
	p0 =	seq.s32 s31, $0x1  }
0x222: {  	s0 =	simm.s32 @!p0 $0x1  }
0x223: {  	_ =	swait.ge @!p0 [sflag:s0], $0x2000  }
0x224: {  	s3 =	sld [smem:$0x7F6];
	_ =	sdelay $0x1  }
0x225: {  	[sflag:s0] =	ssyncset.done @!p0 $0x0  }
0x226: {  	[sflag:s0] =	ssyncadd.s32 @!p0 $0xFFFFE000;
	p0 =	seq.s32 s3, $0x1  }
0x227: {  	s0 =	simm.s32 @!p0 $0x1  }
0x228: {  	_ =	swait.ge @!p0 [sflag:s0], $0x1000  }
0x229: {  	s22 =	sld [smem:$0x7F7];
	_ =	sdelay $0x1  }
0x22a: {  	[sflag:s0] =	ssyncset.done @!p0 $0x0  }
0x22b: {  	[sflag:s0] =	ssyncadd.s32 @!p0 $0xFFFFF000;
	p0 =	seq.s32 s22, $0x1  }
0x22c: {  	s0 =	simm.s32 @!p0 $0x1  }
0x22d: {  	_ =	swait.ge @!p0 [sflag:s0], $0x800  }
0x22e: {  	s23 =	sld [smem:$0x7F8];
	_ =	sdelay $0x1  }
0x22f: {  	[sflag:s0] =	ssyncset.done @!p0 $0x0  }
0x230: {  	[sflag:s0] =	ssyncadd.s32 @!p0 $0xFFFFF800;
	p0 =	seq.s32 s23, $0x1  }
0x231: {  	s0 =	simm.s32 @!p0 $0x1  }
0x232: {  	_ =	swait.ge @!p0 [sflag:s0], $0x400  }
0x233: {  	s24 =	sld [smem:$0x7F9];
	_ =	sdelay $0x1  }
0x234: {  	[sflag:s0] =	ssyncset.done @!p0 $0x0  }
0x235: {  	[sflag:s0] =	ssyncadd.s32 @!p0 $0xFFFFFC00;
	p0 =	seq.s32 s24, $0x1  }
0x236: {  	s0 =	simm.s32 @!p0 $0x1  }
0x237: {  	_ =	swait.ge @!p0 [sflag:s0], $0x200  }
0x238: {  	s25 =	sld [smem:$0x7FA];
	_ =	sdelay $0x1  }
0x239: {  	[sflag:s0] =	ssyncset.done @!p0 $0x0  }
0x23a: {  	[sflag:s0] =	ssyncadd.s32 @!p0 $0xFFFFFE00;
	p0 =	seq.s32 s25, $0x1  }
0x23b: {  	s0 =	simm.s32 @!p0 $0x1  }
0x23c: {  	_ =	swait.ge @!p0 [sflag:s0], $0x2000  }
0x23d: {  	s26 =	sld [smem:$0x7FB];
	_ =	sdelay $0x1  }
0x23e: {  	[sflag:s0] =	ssyncset.done @!p0 $0x0  }
0x23f: {  	[sflag:s0] =	ssyncadd.s32 @!p0 $0xFFFFE000;
	p0 =	seq.s32 s26, $0x1  }
0x240: {  	s0 =	simm.s32 @!p0 $0x1  }
0x241: {  	_ =	swait.ge @!p0 [sflag:s0], $0x1000  }
0x242: {  	s28 =	sld [smem:$0x7FC];
	_ =	sdelay $0x1  }
0x243: {  	[sflag:s0] =	ssyncset.done @!p0 $0x0  }
0x244: {  	[sflag:s0] =	ssyncadd.s32 @!p0 $0xFFFFF000;
	p0 =	seq.s32 s28, $0x1  }
0x245: {  	s0 =	simm.s32 @!p0 $0x1  }
0x246: {  	_ =	swait.ge @!p0 [sflag:s0], $0x800  }
0x247: {  	[sflag:s0] =	ssyncset.done @!p0 $0x0  }
0x248: {  	[sflag:s0] =	ssyncadd.s32 @!p0 $0xFFFFF800;
	s0 =	simm.s32 @!p6 $0x1  }
0x249: {  	_ =	swait.ge @!p6 [sflag:s0], $0x400  }
0x24a: {  	[sflag:s0] =	ssyncset.done @!p6 $0x0  }
0x24b: {  	[sflag:s0] =	ssyncadd.s32 @!p6 $0xFFFFFC00;
	s0 =	simm.s32 @!p4 $0x1  }
0x24c: {  	_ =	swait.ge @!p4 [sflag:s0], $0x200  }
0x24d: {  	s29 =	sld [smem:$0x7FD];
	_ =	sdelay $0x2  }
0x24e: {  	[sflag:s0] =	ssyncset.done @!p4 $0x0;
	p0 =	seq.s32 s29, $0x1  }
0x24f: {  	[sflag:s0] =	ssyncadd.s32 @!p4 $0xFFFFFE00;
	s0 =	simm.s32 @!p0 $0x1  }
0x250: {  	_ =	swait.ge @!p0 [sflag:s0], $0x2000  }
0x251: {  	[sflag:s0] =	ssyncset.done @!p0 $0x0  }
0x252: {  	[sflag:s0] =	ssyncadd.s32 @!p0 $0xFFFFE000;
	s0 =	simm.s32 @!p5 $0x1  }
0x253: {  	_ =	swait.ge @!p5 [sflag:s0], $0x1000  }
0x254: {  	[sflag:s0] =	ssyncset.done @!p5 $0x0  }
0x255: {  	[sflag:s0] =	ssyncadd.s32 @!p5 $0xFFFFF000;
	s0 =	simm.s32 @!p3 $0x1  }
0x256: {  	_ =	swait.ge @!p3 [sflag:s0], $0x800  }
0x257: {  	[sflag:s0] =	ssyncset.done @!p3 $0x0  }
0x258: {  	[sflag:s0] =	ssyncadd.s32 @!p3 $0xFFFFF800;
	s0 =	simm.s32 @!p2 $0x1  }
0x259: {  	_ =	swait.ge @!p2 [sflag:s0], $0x400  }
0x25a: {  	[sflag:s0] =	ssyncset.done @!p2 $0x0  }
0x25b: {  	[sflag:s0] =	ssyncadd.s32 @!p2 $0xFFFFFC00;
	s0 =	simm.s32 @!p1 $0x1  }
0x25c: {  	_ =	swait.ge @!p1 [sflag:s0], $0x200  }
0x25d: {  	s30 =	sadd.s32 $0x1C0000, s21;
	[sflag:s0] =	ssyncset.done @!p1 $0x0  }
0x25e: {  	p0 =	sgt.s32 s19, $0x7C;
	[sflag:s0] =	ssyncadd.s32 @!p1 $0xFFFFFE00;
	s0 =	smov.u32 s19  }
0x25f: {  	[hbm4b:s30+s4] =	stream.linear.scatter [tilespmem:s11], [sflag:$0x3], $0x8000, $0x38;
	[tilespmem:$0x10880] =	vst v63  }
0x260: {  	s0 =	simm.s32 @!p0 $0x7C  }
0x261: {  	v56 =	vld [tilespmem:s0+$0xFFFFFF84]  }
0x262: {  	v57 =	vld [tilespmem:s0+$0xFFFFFF94]  }
0x263: {  	v58 =	vld [tilespmem:s0+$0xFFFFFFA4]  }
0x264: {  	v59 =	vld [tilespmem:s0+$0xFFFFFFB4]  }
0x265: {  	v60 =	vld [tilespmem:s0+$0xFFFFFFC4]  }
0x266: {  	v61 =	vld [tilespmem:s0+$0xFFFFFFD4]  }
0x267: {  	v62 =	vld [tilespmem:s0+$0xFFFFFFE4];
	v0 =	vadd.s32 v56, v57  }
0x268: {  	v63 =	vld [tilespmem:s0+$0xFFFFFFF4];
	v0 =	vadd.s32 v0, v58  }
0x269: {  	v0 =	vadd.s32 v0, v59  }
0x26a: {  	v0 =	vadd.s32 v0, v60  }
0x26b: {  	v0 =	vadd.s32 v0, v61  }
0x26c: {  	v0 =	vadd.s32 v0, v62  }
0x26d: {  	v0 =	vadd.s32 v0, v63  }
0x26e: {  	(xrf0) =	vadd.scan.msk.s32 $0xffff, v0;
	_ =	sdelay $0x5  }
0x26f: {  	v0, _, _ =	vpop (xrf0)  }
0x270: {  	(v2sf) =	vpush v0, $0xF;
	_ =	sdelay $0x9  }
0x271: {  	s17 =	sadd.s32 $0xFFFC0000, s17  }
0x272: {  	p0 =	sne.s32 s17, $0xFFE00000  }
.Ltmp2:
0x273: {  	_ = 	snop;
	(pc) =	sbr.rel @p0 .LBB2_4-.Ltmp2, $3  }
0x274: {  	_ =	sdelay $0x1  }
0x275: {  	s31 =	spop (v2sf)  }
0x276: {  	s18 =	sadd.s32 $0xFFFFFF00, s18;
	s19 =	sadd.s32 $0xFFFFFF00, s19;
	s20 =	ssub.s32 s20, s31  }
0x277: {  	s16 =	sadd.s32 $0x1, s16  }
0x278: {  	_ =	swait.ge [sflag:s14], $0x8000;
	p0 =	sne.s32 s16, s6  }
.Ltmp3:
0x279: {  	[sflag:s14] =	ssyncset.done $0x0;
	(pc) =	sbr.rel @p0 .LBB2_1-.Ltmp3, $4  }
0x27a: {  	[sflag:s14] =	ssyncadd.s32 $0xFFFF8000  }
0x27b: {  	_ =	swait.ge [sflag:s15], $0x8000  }
0x27c: {  	[sflag:s15] =	ssyncset.done $0x0  }
0x27d: {  	[sflag:s15] =	ssyncadd.s32 $0xFFFF8000  }
0x27e: {  	_ =	sfence.sel $0x180000  }
0x27f: {  	[bflag:$0x0] =	sbarrier.arrive $0xFFFF  }
0x280: {  	_ =	strace $0x9000004A  }
0x281: {  	s0 =	stileid.u32;
	[bflag:$0x2] =	sbarrier.arrive $0xFFFF  }
0x282: {  	p0 =	sne.s32 s0, $0x0;
	s0 =	rddreg [dreg:$0x3]  }
0x283: {  	s0 =	sadd.s32 @!p0 $0x100000, s0  }
0x284: {  	[sflag:s0] =	ssyncadd.tile.s32 @!p0 $0x1;
	_ =	shalt  }
.Lfunc_end2:
_tile_overlayer_lowered:
.L_overlay_start_2:
0x285: {  	(tag) =	ssettag $0x2  }
0x286: {  	s0 =	rddreg [dreg:$0x0];
	s2 =	stileid.u32  }
0x287: {  	s1 =	rddreg [dreg:$0x1];
	p0 =	sne.s32 s2, $0x0  }
0x288: {  	s3 =	rddreg [dreg:$0x2];
	[bflag:$0x3] =	sbarrier.arrive $0xFFFF;
	s2 =	simm.s32 @!p0 $0x1C05  }
0x289: {  	[timem:s3], [sflag:s2] =	dma.local @!p0 [hbm:s0], s1  }
0x28a: {  	s0 =	simm.s32 @!p0 $0x5  }
0x28b: {  	_ =	swait.ge @!p0 [sflag:s0], s1  }
0x28c: {  	s1 =	ssub.s32 @!p0 $0x0, s1;
	[sflag:s0] =	ssyncset.done @!p0 $0x0  }
0x28d: {  	[sflag:s0] =	ssyncadd.s32 @!p0 s1  }
0x28e: {  	[bflag:$0x3] =	sbarrier.arrive $0xFFFF  }
0x28f: {  	_ =	shalt  }

// kernel: sparse-core-data-format-call.cloned.1.call-start
scs
called_computation_lowered:
.L_overlay_start_0:
0x0: {  	s2 =	sld [smem:$0x3FD9]  }
0x1: {  	s3 =	sld [smem:$0x3FFE];
	_ =	sdelay $0x1  }
0x2: {  	s1 =	srdreg.scid  }
0x3: {  	s0 =	sand.u32 $0x1, s1  }
0x4: {  	s19 =	sshll.u32 s0, $0xA;
	s2 =	sadd.s32 s3, s2  }
0x5: {  	s2 =	sadd.s32 s2, s19  }
0x6: {  	[smem:$0x3FC6] =	sst s2  }
0x7: {  	_ = 	snop  }
0x8: {  	s2 =	sld [smem:$0x3FC9]  }
0x9: {  	s20 =	sld [smem:$0x3FD0];
	(tm) =	ssettm $0x1  }
0xa: {  	s4 =	sld [smem:$0x3FFB];
	_ =	sdelay $0x3  }
0xb: {  	_ =	strace s4  }
0xc: {  	s4 =	sld [smem:$0x3FFC];
	_ =	sdelay $0x3  }
0xd: {  	_ =	strace s4  }
0xe: {  	s4 =	sld [smem:$0x3FFD];
	_ =	sdelay $0x3  }
0xf: {  	_ =	strace s4  }
0x10: {  	_ =	strace $0x8FFFFFFF  }
0x11: {  	s21 =	sld [smem:$0x3FDB];
	_ =	sdelay $0x1  }
0x12: {  	s5 =	simm.s32 $_scs_section_size  }
0x13: {  	s6 =	simm.s32 $_size__tile_overlayer_lowered;
	s7 =	simm.s32 $_tile_overlayer_lowered  }
0x14: {  	s24 =	simm.s32 $0x1BFF;
	s23 =	sshll.u32 s7, $0x1;
	s4 =	sadd.s32 s5, s21  }
0x15: {  	s8 =	simm.s32 $0x0;
	s22 =	sshll.u32 s6, $0x1;
	s6 =	sadd.s32 s23, s4  }
0x16: {  	[timem:s8], [sflag:s24] =	dma.local [hbm:s6], s22  }
0x17: {  	_ =	swait.ge [sflag:s24], s22  }
0x18: {  	s5 =	ssub.s32 $0x0, s22;
	[sflag:s24] =	ssyncset.done $0x0  }
0x19: {  	[sflag:s24] =	ssyncadd.s32 s5;
	_ =	sdelay $0x1  }
0x1a: {  	s25 =	simm.s32 $0x1B8B  }
0x1b: {  	_ =	swait.ge [sflag:s25], $0x1  }
0x1c: {  	[sflag:s25] =	ssyncset.done $0x0  }
0x1d: {  	s26 =	simm.s32 $0x1B8E;
	[sflag:s25] =	ssyncadd.s32 $0xFFFFFFFF  }
0x1e: {  	s27 =	simm.s32 $execute0_lowered;
	[smem:$0x3FD2] =	sst s26  }
0x1f: {  	s5 =	sshll.u32 s27, $0x1;
	_ =	strace $0x80000046;
	[dreg:$0x1] =	wrdreg $0xFFFFFFFF  }
0x20: {  	s28 =	simm.s32 $_size_execute0_lowered;
	s4 =	sadd.s32 s4, s5;
	[dreg:$0x0] =	wrdreg $0x0  }
0x21: {  	s5 =	sshll.u32 s28, $0x1;
	[dreg:$0x2] =	wrdreg s4  }
0x22: {  	[dreg:$0x3] =	wrdreg s5  }
0x23: {  	[dreg:$0x4] =	wrdreg $0xC0  }
0x24: {  	_ =	task [dreg:s8], $0x5FFFF  }
0x25: {  	[dreg:$0x1] =	wrdreg $0xFFFFFFFF  }
0x26: {  	[dreg:$0x0] =	wrdreg $0x60  }
0x27: {  	[dreg:$0x2] =	wrdreg s2  }
0x28: {  	[dreg:$0x3] =	wrdreg s20  }
0x29: {  	[dreg:$0x4] =	wrdreg $0x9  }
0x2a: {  	_ =	task.clear_ibuf [dreg:s8], $0x5FFFF;
	_ =	strace $0x90000046  }
0x2b: {  	s29 =	simm.s32 $0x9;
	_ =	strace $0x80000048  }
0x2c: {  	_ =	swait.ge [sflag:s29], $0x1  }
0x2d: {  	[sflag:s29] =	ssyncadd.s32 $0xFFFFFFFF  }
0x2e: {  	_ =	strace $0x90000048  }
0x2f: {  	_ =	sfence  }
0x30: {  	s30 =	sld [smem:$0x0];
	_ =	sdelay $0x2  }
0x31: {  	s31 =	sshll.u32 s1, $0xD;
	s1 =	sshrl.u32 s1, $0x2  }
0x32: {  	s3 =	sand.u32 $0x4000, s31;
	s1 =	sadd.s32 s1, s30  }
0x33: {  	s0 =	sor.u32 s3, s0;
	s1 =	sshll.u32 s1, $0x11  }
0x34: {  	s0 =	sor.u32 s1, s0  }
0x35: {  	s0 =	sadd.s32 $0x8F2B, s0  }
0x36: {  	[sflag:s0] =	ssyncadd.remote.s32 $0x1  }
0x37: {  	_ =	sfence.sel $0xFFFF  }
0x38: {  	[dreg:$0x0] =	wrdreg $0xFFFFFFFF;
	(pc) =	sbr.abs _section_cstart, $3  }
0x39: {  	[dreg:$0x1] =	wrdreg $0xFFFFFFFF  }
0x3a: {  	_ =	task.clear_ibuf [dreg:s8], $0x2FFFF;
	_ =	strace $0x9FFFFFFF  }
0x3b: {  	(tm) =	ssettm $0x7FFFFFFF  }
tec
execute0_lowered:
.L_overlay_start_1:
0x0: {  	(tag) =	ssettag $0x1  }
0x1: {  	s0 =	srdreg.scid  }
0x2: {  	s1 =	sshll.u32 s0, $0x4  }
0x3: {  	s2 =	rddreg [dreg:$0x0];
	s0 =	stileid.u32;
	s1 =	sand.u32 $0x10, s1  }
0x4: {  	s4 =	rddreg [dreg:$0x1];
	s1 =	sor.u32 s0, s1  }
0x5: {  	s7 =	simm.s32 $0x1;
	s8 =	simm.s32 $0x2;
	s3 =	sshll.u32 s1, $0x2  }
0x6: {  	s9 =	simm.s32 $0x0;
	s12 =	simm.s32 $0x0;
	s6 =	ssub.s32 $0x880, s3  }
.Ltmp0:
0x7: {  	s11 =	simm.s32 $0x0;
	s5 =	sand.u32 $0x7C, s6;
	(pc) =	sbr.rel .LBB1_1-.Ltmp0, $4  }
0x8: {  	s1 =	rddreg [dreg:$0x2];
	_ =	strace $0x80000047;
	p0 =	sne.s32 s5, $0x0  }
0x9: {  	s6 =	sshrl.u32 s6, $0x7;
	s5 =	simm.s32 $0x1;
	s7 =	simm.s32 @!p0 $0x0  }
0xa: {  	s10 =	smov.u32 s3;
	[sflag:s5] =	ssyncpa.u1 $0x0;
	s6 =	sadd.s32 s7, s6  }
0xb: {  	[sflag:s8] =	ssyncpa.u1 $0x0;
	s8 =	simm.s32 $0x0;
	s7 =	sadd.s32 $0x1, s6  }
.LBB1_9:
0xc: {  	s14 =	sadd.s32 $0x80, s10  }
0xd: {  	p1 =	sgt.s32 s14, $0x87F  }
0xe: {  	s14 =	smov.u32 @p1 s3;
	p1 =	sne.s32 s11, s7  }
.Ltmp1:
0xf: {  	p0 =	slt.u32 s11, $0x2;
	(pc) =	sbr.rel @!p1 .LBB1_10-.Ltmp1, $4  }
0x10: {  	s13 =	simm.s32 @!p0 $0x2  }
0x11: {  	s15 =	sadd.s32 $0x1, s11;
	_ =	swait.ge @!p0 [sflag:s13], $0x4000  }
0x12: {  	s12 =	smov.u32 s10;
	s9 =	sadd.s32 $0x4000, s9;
	[sflag:s13] =	ssyncset.done @!p0 $0x0  }
0x13: {  	s11 =	smov.u32 s15;
	s10 =	smov.u32 s14;
	[sflag:s13] =	ssyncadd.s32 @!p0 $0xFFFFC000  }
.LBB1_1:
0x14: {  	p0 =	sge.u32 s11, s6  }
0x15: {  	s13 =	sxor.u32 @!p0 $0xFFFFFFFF, s11  }
0x16: {  	s31 =	sadd.s32 $0xFFFFFFFF, s11;
	s14 =	sshll.u32 @!p0 s10, $0x9;
	s13 =	sshll.u32 @!p0 s13, $0xE  }
0x17: {  	s15 =	simm.s32 @!p0 $0x0;
	s14 =	sadd.s32 @!p0 s2, s14;
	s13 =	sand.u32 @!p0 $0x4000, s13  }
0x18: {  	[tilespmem:s13], [sflag:$0x1] =	stream.linear.gather @!p0 [hbm4b:s14+s15], $0x4000, $0x38;
	[tilespmem:$0x10000] =	vst v63  }
0x19: {  	p0 =	sge.u32 s31, s6  }
.Ltmp2:
0x1a: {  	_ = 	snop;
	(pc) =	sbr.rel @p0 .LBB1_9-.Ltmp2, $1  }
0x1b: {  	_ =	sdelay $0x3  }
0x1c: {  	s14 =	sand.u32 $0x4000, s9  }
0x1d: {  	_ =	swait.ge [sflag:s5], $0x4000;
	s15 =	sshll.u32 s11, $0xE;
	s16 =	simm.s32 $0x0  }
0x1e: {  	s13 =	sor.u32 $0x40, s14;
	[sflag:s5] =	ssyncset.done $0x0;
	s15 =	sand.u32 $0x4000, s15  }
0x1f: {  	s14 =	sor.u32 $0x8040, s14;
	[sflag:s5] =	ssyncadd.s32 $0xFFFFC000;
	s15 =	sor.u32 $0x8000, s15  }
.LBB1_3:
0x20: {  	s17 =	smov.u32 s14;
	s18 =	smov.u32 s13;
	s19 =	simm.s32 $0x0  }
.LBB1_4:
0x21: {  	v0 =	vmov s17;
	v2 =	vld [tilespmem:s18+$0x30]  }
0x22: {  	v4 =	vld [tilespmem:s18+$0xFFFFFFD0]  }
0x23: {  	v6 =	vld [tilespmem:s18+$0xFFFFFFE0]  }
0x24: {  	v7 =	vld [tilespmem:s18+$0xFFFFFFF0]  }
0x25: {  	s20 =	simm.s32 $0x0;
	v1 =	vld [tilespmem:s18+$0x0]  }
0x26: {  	v3 =	vld [tilespmem:s18+$0x10];
	[tilespmem:v0+s20+$0x30 ss:$0x1] =	vst.idx.msk $0xffff, v2  }
0x27: {  	v5 =	vld [tilespmem:s18+$0x20];
	[tilespmem:v0+s20+$0xFFFFFFD0 ss:$0x1] =	vst.idx.msk $0xffff, v4  }
0x28: {  	s21 =	sadd.s32 $0x80, s18;
	v2 =	vld [tilespmem:s18+$0xFFFFFFC0];
	[tilespmem:v0+s20+$0xFFFFFFE0 ss:$0x1] =	vst.idx.msk $0xffff, v6  }
0x29: {  	s22 =	simm.s32 $0x800;
	s23 =	simm.s32 $0x1000;
	v4 =	vld [tilespmem:s21+$0x30];
	[tilespmem:v0+s20+$0xFFFFFFF0 ss:$0x1] =	vst.idx.msk $0xffff, v7  }
.LBB1_5:
0x2a: {  	p0 =	sne.s32 s23, $0x3800;
	v6 =	vld [tilespmem:s21+$0xFFFFFFD0];
	[tilespmem:v0+s20+$0x0 ss:$0x1] =	vst.idx.msk $0xffff, v1  }
0x2b: {  	v7 =	vld [tilespmem:s21+$0xFFFFFFE0];
	[tilespmem:v0+s20+$0x10 ss:$0x1] =	vst.idx.msk $0xffff, v3  }
0x2c: {  	v8 =	vld [tilespmem:s21+$0xFFFFFFF0];
	[tilespmem:v0+s20+$0x20 ss:$0x1] =	vst.idx.msk $0xffff, v5  }
.Ltmp3:
0x2d: {  	v1 =	vld [tilespmem:s21+$0x0];
	[tilespmem:v0+s20+$0xFFFFFFC0 ss:$0x1] =	vst.idx.msk $0xffff, v2;
	s20 =	sshra.s32 s22, $0x2;
	s22 =	smov.u32 s23;
	(pc) =	sbr.rel @p0 .LBB1_5-.Ltmp3, $4  }
0x2e: {  	v3 =	vld [tilespmem:s21+$0x10];
	[tilespmem:v0+s20+$0x30 ss:$0x1] =	vst.idx.msk $0xffff, v4  }
0x2f: {  	[tilespmem:v0+s20+$0xFFFFFFD0 ss:$0x1] =	vst.idx.msk $0xffff, v6;
	v5 =	vld [tilespmem:s21+$0x20]  }
0x30: {  	v2 =	vld [tilespmem:s21+$0xFFFFFFC0];
	[tilespmem:v0+s20+$0xFFFFFFE0 ss:$0x1] =	vst.idx.msk $0xffff, v7;
	s21 =	sadd.s32 $0x80, s21  }
0x31: {  	s23 =	sadd.s32 $0x800, s23;
	v4 =	vld [tilespmem:s21+$0x30];
	[tilespmem:v0+s20+$0xFFFFFFF0 ss:$0x1] =	vst.idx.msk $0xffff, v8  }
0x32: {  	_ =	sdelay $0x3  }
0x33: {  	v6 =	vld [tilespmem:s21+$0xFFFFFFD0];
	[tilespmem:v0+s20+$0x0 ss:$0x1] =	vst.idx.msk $0xffff, v1  }
0x34: {  	v58 =	vld [tilespmem:s21+$0xFFFFFFE0];
	[tilespmem:v0+s20+$0x10 ss:$0x1] =	vst.idx.msk $0xffff, v3  }
0x35: {  	v59 =	vld [tilespmem:s21+$0xFFFFFFF0];
	[tilespmem:v0+s20+$0x20 ss:$0x1] =	vst.idx.msk $0xffff, v5  }
0x36: {  	s22 =	sshra.s32 s22, $0x2;
	v60 =	vld [tilespmem:s21+$0x0];
	[tilespmem:v0+s20+$0xFFFFFFC0 ss:$0x1] =	vst.idx.msk $0xffff, v2  }
0x37: {  	v61 =	vld [tilespmem:s21+$0x10];
	[tilespmem:v0+s22+$0x30 ss:$0x1] =	vst.idx.msk $0xffff, v4  }
0x38: {  	v62 =	vld [tilespmem:s21+$0x20];
	s19 =	sadd.s32 $0x1, s19;
	[tilespmem:v0+s22+$0xFFFFFFD0 ss:$0x1] =	vst.idx.msk $0xffff, v6  }
0x39: {  	v63 =	vld [tilespmem:s21+$0xFFFFFFC0];
	p0 =	sne.s32 s19, $0x4;
	[tilespmem:v0+s22+$0xFFFFFFE0 ss:$0x1] =	vst.idx.msk $0xffff, v58  }
.Ltmp4:
0x3a: {  	[tilespmem:v0+s22+$0xFFFFFFF0 ss:$0x1] =	vst.idx.msk $0xffff, v59;
	(pc) =	sbr.rel @p0 .LBB1_4-.Ltmp4, $4  }
0x3b: {  	[tilespmem:v0+s22+$0x0 ss:$0x1] =	vst.idx.msk $0xffff, v60  }
0x3c: {  	[tilespmem:v0+s22+$0x10 ss:$0x1] =	vst.idx.msk $0xffff, v61  }
0x3d: {  	[tilespmem:v0+s22+$0x20 ss:$0x1] =	vst.idx.msk $0xffff, v62  }
0x3e: {  	s18 =	sadd.s32 $0x400, s18;
	s17 =	sadd.s32 $0x80, s17;
	[tilespmem:v0+s22+$0xFFFFFFC0 ss:$0x1] =	vst.idx.msk $0xffff, v63  }
0x3f: {  	s16 =	sadd.s32 $0x1, s16  }
0x40: {  	p0 =	sne.s32 s16, $0x4  }
.Ltmp5:
0x41: {  	_ = 	snop;
	(pc) =	sbr.rel @p0 .LBB1_3-.Ltmp5, $2  }
0x42: {  	_ =	sdelay $0x2  }
0x43: {  	s13 =	sadd.s32 $0x1000, s13;
	s14 =	sadd.s32 $0x1000, s14  }
.Ltmp6:
0x44: {  	(pc) =	sbr.rel .LBB1_9-.Ltmp6, $4  }
0x45: {  	_ = 	snop  }
0x46: {  	s12 =	sshll.u32 s12, $0x9  }
0x47: {  	s12 =	sadd.s32 s4, s12  }
0x48: {  	[hbm4b:s12+s8] =	stream.linear.scatter [tilespmem:s15], [sflag:$0x2], $0x4000, $0x38;
	[tilespmem:$0x10000] =	vst v63  }
.LBB1_10:
0x49: {  	_ =	sfence.sel $0x180000  }
0x4a: {  	s2 =	simm.s32 $0x1;
	[bflag:$0x0] =	sbarrier.arrive $0xFFFF  }
0x4b: {  	s31 =	simm.s32 $0x2;
	[sflag:s2] =	ssyncpa.u1 $0x1  }
0x4c: {  	[sflag:s31] =	ssyncpa.u1 $0x1  }
0x4d: {  	p0 =	sne.s32 s0, $0x0;
	_ =	strace $0x90000047  }
0x4e: {  	s0 =	sadd.s32 @!p0 $0x100000, s1;
	[bflag:$0x2] =	sbarrier.arrive $0xFFFF  }
0x4f: {  	[sflag:s0] =	ssyncadd.tile.s32 @!p0 $0x1;
	_ =	shalt  }
.Lfunc_end1:
_tile_overlayer_lowered:
.L_overlay_start_2:
0x50: {  	(tag) =	ssettag $0x2  }
0x51: {  	s0 =	rddreg [dreg:$0x0];
	s2 =	stileid.u32  }
0x52: {  	s1 =	rddreg [dreg:$0x1];
	p0 =	sne.s32 s2, $0x0  }
0x53: {  	s3 =	rddreg [dreg:$0x2];
	[bflag:$0x3] =	sbarrier.arrive $0xFFFF;
	s2 =	simm.s32 @!p0 $0x1C01  }
0x54: {  	[timem:s3], [sflag:s2] =	dma.local @!p0 [hbm:s0], s1  }
0x55: {  	s0 =	simm.s32 @!p0 $0x1  }
0x56: {  	_ =	swait.ge @!p0 [sflag:s0], s1  }
0x57: {  	s1 =	ssub.s32 @!p0 $0x0, s1;
	[sflag:s0] =	ssyncset.done @!p0 $0x0  }
0x58: {  	[sflag:s0] =	ssyncadd.s32 @!p0 s1  }
0x59: {  	[bflag:$0x3] =	sbarrier.arrive $0xFFFF  }
0x5a: {  	_ =	shalt  }

</sc_bundles>
